<compile_context>
chip_gen: v7x
topology: tpu7x:2x2x1
jax: 0.10.2.dev20260603
libtpu: 0.0.44.dev20260713+nightly
codegen_flags: <defaults>
</compile_context>

<pallas_src>
import functools

import jax
import jax.numpy as jnp
from jax import lax
from jax.experimental import pallas as pl
from jax.experimental.pallas import tpu as pltpu
from jax.experimental.pallas import tpu_sc as plsc

N = 10000
NPAD = 10240
E = 320000
D_IN = 128
H = 64
D_OUT = 40
EPS = 0.2

B = 128
EPT = 10112
CH = EPT // B
EPAD = 32 * EPT
ROWS_PER_TILE = NPAD // 16

_mesh = plsc.VectorSubcoreMesh(core_axis_name="c", subcore_axis_name="s")
_sc_params = pltpu.CompilerParams(needs_layout_passes=False,
                                  use_tc_tiling_on_sc=False)



@functools.partial(
    pl.kernel,
    out_type=jax.ShapeDtypeStruct((2, NPAD), jnp.float32),
    mesh=_mesh,
    compiler_params=_sc_params,
    scratch_types=[
        pltpu.VMEM((B,), jnp.int32),
        pltpu.VMEM((B,), jnp.float32),
        pltpu.VMEM((ROWS_PER_TILE,), jnp.float32),
        pltpu.VMEM_SHARED((NPAD,), jnp.float32),
        pltpu.SemaphoreType.DMA,
    ],
)
def _sc_deg(dst_hbm, out_hbm, dst_buf, ones, zbuf, dacc, sem):
    c = lax.axis_index("c")
    s = lax.axis_index("s")
    wid = c * 16 + s
    for g in range(B // 16):
        ones[pl.ds(g * 16, 16)] = jnp.ones((16,), jnp.float32)

    def zb(i, carry):
        zbuf[pl.ds(i * 16, 16)] = jnp.zeros((16,), jnp.float32)
        return carry

    lax.fori_loop(0, ROWS_PER_TILE // 16, zb, 0)
    pltpu.sync_copy(zbuf, dacc.at[pl.ds(s * ROWS_PER_TILE, ROWS_PER_TILE)])
    plsc.subcore_barrier()

    ebase = wid * EPT

    def chunk(k, carry):
        base = ebase + k * B
        pltpu.sync_copy(dst_hbm.at[pl.ds(base, B)], dst_buf)
        pltpu.sync_copy(ones, dacc.at[dst_buf], add=True)
        return carry

    lax.fori_loop(0, CH, chunk, 0)
    plsc.subcore_barrier()
    pltpu.sync_copy(
        dacc.at[pl.ds(s * ROWS_PER_TILE, ROWS_PER_TILE)],
        out_hbm.at[c, pl.ds(s * ROWS_PER_TILE, ROWS_PER_TILE)],
    )



@functools.partial(
    pl.kernel,
    out_type=jax.ShapeDtypeStruct((2, NPAD, H), jnp.float32),
    mesh=_mesh,
    compiler_params=_sc_params,
    scratch_types=[
        pltpu.VMEM((NPAD,), jnp.float32),
        pltpu.VMEM((NPAD,), jnp.float32),
        pltpu.VMEM((NPAD,), jnp.float32),
        pltpu.VMEM((B,), jnp.int32),
        pltpu.VMEM((B,), jnp.int32),
        pltpu.VMEM((B,), jnp.float32),
        pltpu.VMEM((B, H), jnp.float32),
        pltpu.VMEM_SHARED((NPAD, H), jnp.float32),
        pltpu.SemaphoreType.DMA,
    ],
)
def _sc_msg(h_hbm, al_hbm, ar_hbm, dis_hbm, src_hbm, dst_hbm, out_hbm,
            al_buf, ar_buf, dis_buf, src_buf, dst_buf, w_buf, rows, acc, sem):
    c = lax.axis_index("c")
    s = lax.axis_index("s")
    wid = c * 16 + s

    def zr(r, carry):
        for j in range(H // 16):
            rows[r, pl.ds(j * 16, 16)] = jnp.zeros((16,), jnp.float32)
        return carry

    lax.fori_loop(0, B, zr, 0)
    for t in range(ROWS_PER_TILE // B):
        pltpu.sync_copy(rows, acc.at[pl.ds(s * ROWS_PER_TILE + t * B, B)])
    pltpu.sync_copy(al_hbm, al_buf)
    pltpu.sync_copy(ar_hbm, ar_buf)
    pltpu.sync_copy(dis_hbm, dis_buf)
    plsc.subcore_barrier()

    ebase = wid * EPT

    def chunk(k, carry):
        base = ebase + k * B
        pltpu.sync_copy(src_hbm.at[pl.ds(base, B)], src_buf)
        pltpu.sync_copy(dst_hbm.at[pl.ds(base, B)], dst_buf)
        for g in range(B // 16):
            sv = src_buf[pl.ds(g * 16, 16)]
            dv = dst_buf[pl.ds(g * 16, 16)]
            alv = plsc.load_gather(al_buf, [sv])
            arv = plsc.load_gather(ar_buf, [dv])
            dsv = plsc.load_gather(dis_buf, [sv])
            ddv = plsc.load_gather(dis_buf, [dv])
            sarg = alv + arv
            e2 = jnp.exp(sarg + sarg)
            th = 1.0 - 2.0 / (e2 + 1.0)
            w_buf[pl.ds(g * 16, 16)] = th * dsv * ddv
        pltpu.async_copy(h_hbm.at[src_buf], rows, sem).wait()

        def scale(r, carry2):
            wsp = plsc.load_gather(w_buf, [jnp.full((16,), r, jnp.int32)])
            rr = rows.at[r]
            for j in range(H // 16):
                rr[pl.ds(j * 16, 16)] = rr[pl.ds(j * 16, 16)] * wsp
            return carry2

        lax.fori_loop(0, B, scale, 0)
        pltpu.sync_copy(rows, acc.at[dst_buf], add=True)
        return carry

    lax.fori_loop(0, CH, chunk, 0)
    plsc.subcore_barrier()
    pltpu.sync_copy(
        acc.at[pl.ds(s * ROWS_PER_TILE, ROWS_PER_TILE)],
        out_hbm.at[c, pl.ds(s * ROWS_PER_TILE, ROWS_PER_TILE)],
    )



_RB = 1024
_GRID = NPAD // _RB


def _dense_in(x_pad, w1t, b1r, att_a, att_b, degp):
    def body(x_ref, w_ref, b_ref, aa_ref, ab_ref, dg_ref, h_ref, alr_ref, dis_ref):
        hb = jnp.maximum(
            jnp.dot(x_ref[...], w_ref[...], preferred_element_type=jnp.float32)
            + b_ref[...], 0.0)
        h_ref[...] = hb
        alr_ref[...] = (
            jnp.dot(hb, aa_ref[...], preferred_element_type=jnp.float32)
            + ab_ref[...])
        dg = dg_ref[0:1, :] + dg_ref[1:2, :]
        pos = dg > 0.0
        dis_ref[...] = jnp.where(pos, lax.rsqrt(jnp.where(pos, dg, 1.0)), 0.0)

    return pl.pallas_call(
        body,
        grid=(_GRID,),
        in_specs=[
            pl.BlockSpec((_RB, D_IN), lambda i: (i, 0)),
            pl.BlockSpec((D_IN, H), lambda i: (0, 0)),
            pl.BlockSpec((1, H), lambda i: (0, 0)),
            pl.BlockSpec((H, 8), lambda i: (0, 0)),
            pl.BlockSpec((1, 8), lambda i: (0, 0)),
            pl.BlockSpec((2, _RB), lambda i: (0, i)),
        ],
        out_specs=[
            pl.BlockSpec((_RB, H), lambda i: (i, 0)),
            pl.BlockSpec((_RB, 8), lambda i: (i, 0)),
            pl.BlockSpec((1, _RB), lambda i: (0, i)),
        ],
        out_shape=[
            jax.ShapeDtypeStruct((NPAD, H), jnp.float32),
            jax.ShapeDtypeStruct((NPAD, 8), jnp.float32),
            jax.ShapeDtypeStruct((1, NPAD), jnp.float32),
        ],
    )(x_pad, w1t, b1r, att_a, att_b, degp)


def _dense_mid(part, raw, att_a, att_b):
    def body(p_ref, raw_ref, aa_ref, ab_ref, h2_ref, alr_ref):
        h2 = p_ref[0] + p_ref[1] + EPS * raw_ref[...]
        h2_ref[...] = h2
        alr_ref[...] = (
            jnp.dot(h2, aa_ref[...], preferred_element_type=jnp.float32)
            + ab_ref[...])

    return pl.pallas_call(
        body,
        grid=(_GRID,),
        in_specs=[
            pl.BlockSpec((2, _RB, H), lambda i: (0, i, 0)),
            pl.BlockSpec((_RB, H), lambda i: (i, 0)),
            pl.BlockSpec((H, 8), lambda i: (0, 0)),
            pl.BlockSpec((1, 8), lambda i: (0, 0)),
        ],
        out_specs=[
            pl.BlockSpec((_RB, H), lambda i: (i, 0)),
            pl.BlockSpec((_RB, 8), lambda i: (i, 0)),
        ],
        out_shape=[
            jax.ShapeDtypeStruct((NPAD, H), jnp.float32),
            jax.ShapeDtypeStruct((NPAD, 8), jnp.float32),
        ],
    )(part, raw, att_a, att_b)


def _dense_out(part, raw, w2t, b2r):
    def body(p_ref, raw_ref, w_ref, b_ref, out_ref, emb_ref):
        h3 = p_ref[0] + p_ref[1] + EPS * raw_ref[...]
        emb = (jnp.dot(h3, w_ref[...], preferred_element_type=jnp.float32)
               + b_ref[...])
        m = jnp.max(emb, axis=1, keepdims=True)
        ex = jnp.exp(emb - m)
        lse = jnp.log(jnp.sum(ex, axis=1, keepdims=True)) + m
        emb_ref[...] = emb
        out_ref[...] = emb - lse

    return pl.pallas_call(
        body,
        grid=(_GRID,),
        in_specs=[
            pl.BlockSpec((2, _RB, H), lambda i: (0, i, 0)),
            pl.BlockSpec((_RB, H), lambda i: (i, 0)),
            pl.BlockSpec((H, D_OUT), lambda i: (0, 0)),
            pl.BlockSpec((1, D_OUT), lambda i: (0, 0)),
        ],
        out_specs=[
            pl.BlockSpec((_RB, D_OUT), lambda i: (i, 0)),
            pl.BlockSpec((_RB, D_OUT), lambda i: (i, 0)),
        ],
        out_shape=[
            jax.ShapeDtypeStruct((NPAD, D_OUT), jnp.float32),
            jax.ShapeDtypeStruct((NPAD, D_OUT), jnp.float32),
        ],
    )(part, raw, w2t, b2r)



def _att8(att_l_w, att_l_b, att_r_w, att_r_b, layer):
    a = jnp.stack([att_l_w[layer], att_r_w[layer]], axis=1)
    a = jnp.pad(a, ((0, 0), (0, 6)))
    b = jnp.pad(jnp.stack([att_l_b[layer], att_r_b[layer]])[None, :],
                ((0, 0), (0, 6)))
    return a, b


def kernel(x, edge_index, t1_w, t1_b, t2_w, t2_b,
           att_l_w, att_l_b, att_r_w, att_r_b):
    src = edge_index[0]
    dst = edge_index[1]
    pad_ids = (jnp.arange(EPAD - E, dtype=jnp.int32) % (NPAD - N)) + N
    src_pad = jnp.concatenate([src, pad_ids])
    dst_pad = jnp.concatenate([dst, pad_ids])
    x_pad = jnp.concatenate(
        [x, jnp.zeros((NPAD - N, D_IN), jnp.float32)], axis=0)
    w1t = t1_w.T
    b1r = t1_b[None, :]
    w2t = t2_w.T
    b2r = t2_b[None, :]
    aa1, ab1 = _att8(att_l_w, att_l_b, att_r_w, att_r_b, 0)
    aa2, ab2 = _att8(att_l_w, att_l_b, att_r_w, att_r_b, 1)

    degp = _sc_deg(dst_pad)
    h, alr1, dis2 = _dense_in(x_pad, w1t, b1r, aa1, ab1, degp)
    dis = dis2[0]
    part1 = _sc_msg(h, alr1[:, 0], alr1[:, 1], dis, src_pad, dst_pad)
    h2, alr2 = _dense_mid(part1, h, aa2, ab2)
    part2 = _sc_msg(h2, alr2[:, 0], alr2[:, 1], dis, src_pad, dst_pad)
    outp, emb = _dense_out(part2, h, w2t, b2r)
    return outp[:N], emb[:N]

# --- scband reference (transcript-rebuilt; emitter-appended) ---
"""Pipeline reference for scband-fagcn-75204877353214 (READ-ONLY COPY).

The authoritative reference and input builder live on the scoring server;
editing this copy changes nothing except your own understanding.
"""

import jax, jax.numpy as jnp
import numpy as np

N = 10000
E = 320000
D_IN = 128
H = 64
D_OUT = 40
L = 2
EPS = 0.2


def setup_inputs(seed: int = 0) -> dict:
    key = jax.random.key(seed)
    ks = jax.random.split(key, 10)
    x = jax.random.normal(ks[0], (N, D_IN), dtype=jnp.float32)
    edge_index = jax.random.randint(ks[1], (2, E), 0, N, dtype=jnp.int32)
    # Linear t1: weight [H, D_IN], bias [H]; xavier_normal-like scale with gain 1.414
    t1_w = jax.random.normal(ks[2], (H, D_IN), dtype=jnp.float32) * (1.414 * np.sqrt(2.0 / (D_IN + H)))
    t1_b = jnp.zeros((H,), dtype=jnp.float32)
    t2_w = jax.random.normal(ks[3], (D_OUT, H), dtype=jnp.float32) * (1.414 * np.sqrt(2.0 / (H + D_OUT)))
    t2_b = jnp.zeros((D_OUT,), dtype=jnp.float32)
    # FAConv attention vectors per layer: att_l, att_r are Linear(H, 1)
    att_l_w = jax.random.normal(ks[4], (L, H), dtype=jnp.float32) * np.sqrt(2.0 / (H + 1))
    att_l_b = jnp.zeros((L,), dtype=jnp.float32)
    att_r_w = jax.random.normal(ks[5], (L, H), dtype=jnp.float32) * np.sqrt(2.0 / (H + 1))
    att_r_b = jnp.zeros((L,), dtype=jnp.float32)
    return {"x": x, "edge_index": edge_index, "t1_w": t1_w, "t1_b": t1_b,
            "t2_w": t2_w, "t2_b": t2_b, "att_l_w": att_l_w, "att_l_b": att_l_b,
            "att_r_w": att_r_w, "att_r_b": att_r_b}


def _faconv(h, raw, src, dst, alw, alb, arw, arb, eps):
    n = h.shape[0]
    # gcn_norm without self-loops: deg over dst, norm = d^-1/2[src] * d^-1/2[dst]
    deg = jnp.zeros((n,), dtype=h.dtype).at[dst].add(1.0)
    dis = jnp.where(deg > 0, 1.0 / jnp.sqrt(jnp.where(deg > 0, deg, 1.0)), 0.0)
    norm = dis[src] * dis[dst]
    alpha_l = h @ alw + alb  # [N]
    alpha_r = h @ arw + arb  # [N]
    # message: x_j * (tanh(alpha_l_j + alpha_r_i) * norm); j = src, i = dst
    alpha = jnp.tanh(alpha_l[src] + alpha_r[dst])
    msg = h[src] * (alpha * norm)[:, None]
    out = jnp.zeros_like(h).at[dst].add(msg)
    return out + eps * raw


def reference(x, edge_index, t1_w, t1_b, t2_w, t2_b, att_l_w, att_l_b, att_r_w, att_r_b):
    # eval mode: dropout is identity
    src = edge_index[0]
    dst = edge_index[1]
    h = jax.nn.relu(x @ t1_w.T + t1_b)
    raw = h
    for i in range(L):
        h = _faconv(h, raw, src, dst, att_l_w[i], att_l_b[i], att_r_w[i], att_r_b[i], EPS)
    emb = h @ t2_w.T + t2_b
    out = jax.nn.log_softmax(emb, axis=1)
    return out, emb

if __name__ == "__main__":
    import jax
    _d = setup_inputs()
    print(jax.jit(kernel)(*tuple(_d.values())))

</pallas_src>

<mosaic_0001>
#map = affine_map<(d0, d1) -> (0)>
#map1 = affine_map<(d0, d1) -> (0, 0)>
module attributes {stable_mosaic.version = 14 : i64} {
  func.func @_sc_deg(%arg0: i32, %arg1: i32, %arg2: memref<323584xi32, #tpu.memory_space<hbm>>, %arg3: memref<2x10240xf32, #tpu.memory_space<hbm>>, %arg4: memref<128xi32, #tpu.memory_space<vmem>>, %arg5: memref<128xf32, #tpu.memory_space<vmem>>, %arg6: memref<640xf32, #tpu.memory_space<vmem>>, %arg7: memref<10240xf32, #tpu.memory_space<vmem_shared>>, %arg8: memref<!tpu.dma_semaphore, #tpu.memory_space<semaphore_mem>>) attributes {dimension_semantics = [#tpu.dimension_semantics<core_parallel>, #tpu.dimension_semantics<subcore_parallel>], iteration_bounds = array<i64: 2, 16>, scalar_prefetch = 0 : i64, scratch_operands = 5 : i64, tpu.core_type = #tpu.core_type<sc_vector_subcore>, window_params = [{transform_indices = #map}, {transform_indices = #map1}]} {
    %mul3A = arith.constant 16 : i32
    %mul3A_0 = arith.muli %arg0, %mul3A : i32
    %add3A = arith.addi %mul3A_0, %arg1 : i32
    %broadcast_in_dim3A = arith.constant 1.000000e+00 : f32
    %broadcast_in_dim3A_1 = vector.broadcast %broadcast_in_dim3A : f32 to vector<16xf32>
    %swap3A = arith.constant 0 : index
    %swap3A_2 = tpu.vector_load %arg5[%swap3A] {strides = array<i32>} : memref<128xf32, #tpu.memory_space<vmem>>, vector<16xf32>,
    tpu.vector_store %arg5[%swap3A], %broadcast_in_dim3A_1 {strides = array<i32>} : memref<128xf32, #tpu.memory_space<vmem>>, vector<16xf32>,
    %broadcast_in_dim3A_3 = arith.constant 1.000000e+00 : f32
    %broadcast_in_dim3A_4 = vector.broadcast %broadcast_in_dim3A_3 : f32 to vector<16xf32>
    %swap3A_5 = arith.constant 16 : index
    %swap3A_6 = tpu.vector_load %arg5[%swap3A_5] {strides = array<i32>} : memref<128xf32, #tpu.memory_space<vmem>>, vector<16xf32>,
    tpu.vector_store %arg5[%swap3A_5], %broadcast_in_dim3A_4 {strides = array<i32>} : memref<128xf32, #tpu.memory_space<vmem>>, vector<16xf32>,
    %broadcast_in_dim3A_7 = arith.constant 1.000000e+00 : f32
    %broadcast_in_dim3A_8 = vector.broadcast %broadcast_in_dim3A_7 : f32 to vector<16xf32>
    %swap3A_9 = arith.constant 32 : index
    %swap3A_10 = tpu.vector_load %arg5[%swap3A_9] {strides = array<i32>} : memref<128xf32, #tpu.memory_space<vmem>>, vector<16xf32>,
    tpu.vector_store %arg5[%swap3A_9], %broadcast_in_dim3A_8 {strides = array<i32>} : memref<128xf32, #tpu.memory_space<vmem>>, vector<16xf32>,
    %broadcast_in_dim3A_11 = arith.constant 1.000000e+00 : f32
    %broadcast_in_dim3A_12 = vector.broadcast %broadcast_in_dim3A_11 : f32 to vector<16xf32>
    %swap3A_13 = arith.constant 48 : index
    %swap3A_14 = tpu.vector_load %arg5[%swap3A_13] {strides = array<i32>} : memref<128xf32, #tpu.memory_space<vmem>>, vector<16xf32>,
    tpu.vector_store %arg5[%swap3A_13], %broadcast_in_dim3A_12 {strides = array<i32>} : memref<128xf32, #tpu.memory_space<vmem>>, vector<16xf32>,
    %broadcast_in_dim3A_15 = arith.constant 1.000000e+00 : f32
    %broadcast_in_dim3A_16 = vector.broadcast %broadcast_in_dim3A_15 : f32 to vector<16xf32>
    %swap3A_17 = arith.constant 64 : index
    %swap3A_18 = tpu.vector_load %arg5[%swap3A_17] {strides = array<i32>} : memref<128xf32, #tpu.memory_space<vmem>>, vector<16xf32>,
    tpu.vector_store %arg5[%swap3A_17], %broadcast_in_dim3A_16 {strides = array<i32>} : memref<128xf32, #tpu.memory_space<vmem>>, vector<16xf32>,
    %broadcast_in_dim3A_19 = arith.constant 1.000000e+00 : f32
    %broadcast_in_dim3A_20 = vector.broadcast %broadcast_in_dim3A_19 : f32 to vector<16xf32>
    %swap3A_21 = arith.constant 80 : index
    %swap3A_22 = tpu.vector_load %arg5[%swap3A_21] {strides = array<i32>} : memref<128xf32, #tpu.memory_space<vmem>>, vector<16xf32>,
    tpu.vector_store %arg5[%swap3A_21], %broadcast_in_dim3A_20 {strides = array<i32>} : memref<128xf32, #tpu.memory_space<vmem>>, vector<16xf32>,
    %broadcast_in_dim3A_23 = arith.constant 1.000000e+00 : f32
    %broadcast_in_dim3A_24 = vector.broadcast %broadcast_in_dim3A_23 : f32 to vector<16xf32>
    %swap3A_25 = arith.constant 96 : index
    %swap3A_26 = tpu.vector_load %arg5[%swap3A_25] {strides = array<i32>} : memref<128xf32, #tpu.memory_space<vmem>>, vector<16xf32>,
    tpu.vector_store %arg5[%swap3A_25], %broadcast_in_dim3A_24 {strides = array<i32>} : memref<128xf32, #tpu.memory_space<vmem>>, vector<16xf32>,
    %broadcast_in_dim3A_27 = arith.constant 1.000000e+00 : f32
    %broadcast_in_dim3A_28 = vector.broadcast %broadcast_in_dim3A_27 : f32 to vector<16xf32>
    %swap3A_29 = arith.constant 112 : index
    %swap3A_30 = tpu.vector_load %arg5[%swap3A_29] {strides = array<i32>} : memref<128xf32, #tpu.memory_space<vmem>>, vector<16xf32>,
    tpu.vector_store %arg5[%swap3A_29], %broadcast_in_dim3A_28 {strides = array<i32>} : memref<128xf32, #tpu.memory_space<vmem>>, vector<16xf32>,
    %scan3A = arith.constant 0 : i32
    %scan3A_31 = arith.constant 0 : i32
    %scan3A_32 = arith.constant 40 : i32
    %scan3A_33 = arith.addi %scan3A_31, %scan3A_32 : i32
    %scan3A_34 = arith.constant 1 : i32
    scf.for %scan3A_51 = %scan3A_31 to %scan3A_33 step %scan3A_34  : i32 {
      %broadcast_in_dim3A_52 = arith.constant 0.000000e+00 : f32
      %broadcast_in_dim3A_53 = vector.broadcast %broadcast_in_dim3A_52 : f32 to vector<16xf32>
      %mul3A_54 = arith.constant 16 : i32
      %mul3A_55 = arith.muli %scan3A_51, %mul3A_54 : i32
      %swap3A_56 = arith.index_cast %mul3A_55 : i32 to index
      %swap3A_57 = tpu.vector_load %arg6[%swap3A_56] {strides = array<i32>} : memref<640xf32, #tpu.memory_space<vmem>>, vector<16xf32>,
      tpu.vector_store %arg6[%swap3A_56], %broadcast_in_dim3A_53 {strides = array<i32>} : memref<640xf32, #tpu.memory_space<vmem>>, vector<16xf32>,
    }
    %scan3A_35 = arith.constant 40 : i32
    %mul3A_36 = arith.constant 640 : i32
    %mul3A_37 = arith.muli %arg1, %mul3A_36 : i32
    "tpu.region"() ({
      %run_scoped3A = tpu.sem_alloc : memref<!tpu.dma_semaphore, #tpu.memory_space<semaphore_mem>>
      %dma_start3A = tpu.memref_slice %arg7[%mul3A_37] : memref<10240xf32, #tpu.memory_space<vmem_shared>> -> memref<640xf32, #tpu.memory_space<vmem_shared>>
      %dma_start3A_51 = tpu.memref_slice %arg7[%mul3A_37] : memref<10240xf32, #tpu.memory_space<vmem_shared>> -> memref<640xf32, #tpu.memory_space<vmem_shared>>
      tpu.enqueue_dma source(%arg6 : memref<640xf32, #tpu.memory_space<vmem>>) target(%dma_start3A_51 : memref<640xf32, #tpu.memory_space<vmem_shared>>) target_semaphore(%run_scoped3A : memref<!tpu.dma_semaphore, #tpu.memory_space<semaphore_mem>>)
      %dma_wait3A = tpu.memref_slice %arg7[%mul3A_37] : memref<10240xf32, #tpu.memory_space<vmem_shared>> -> memref<640xf32, #tpu.memory_space<vmem_shared>>
      %dma_wait3A_52 = tpu.memref_slice %arg7[%mul3A_37] : memref<10240xf32, #tpu.memory_space<vmem_shared>> -> memref<640xf32, #tpu.memory_space<vmem_shared>>
      tpu.wait_dma2 semaphore(%run_scoped3A : memref<!tpu.dma_semaphore, #tpu.memory_space<semaphore_mem>>) src(%arg6 : memref<640xf32, #tpu.memory_space<vmem>>) dst(%dma_wait3A_52 : memref<640xf32, #tpu.memory_space<vmem_shared>>)
      tpu.yield
    }) : () -> ()
    %barrier3A = arith.constant 0 : index
    tpu.barrier barrier_id(%barrier3A)
    %mul3A_38 = arith.constant 10112 : i32
    %mul3A_39 = arith.muli %add3A, %mul3A_38 : i32
    %scan3A_40 = arith.constant 0 : i32
    %scan3A_41 = arith.constant 0 : i32
    %scan3A_42 = arith.constant 79 : i32
    %scan3A_43 = arith.addi %scan3A_41, %scan3A_42 : i32
    %scan3A_44 = arith.constant 1 : i32
    scf.for %scan3A_51 = %scan3A_41 to %scan3A_43 step %scan3A_44  : i32 {
      %mul3A_52 = arith.constant 128 : i32
      %mul3A_53 = arith.muli %scan3A_51, %mul3A_52 : i32
      %add3A_54 = arith.addi %mul3A_39, %mul3A_53 : i32
      "tpu.region"() ({
        %run_scoped3A = tpu.sem_alloc : memref<!tpu.dma_semaphore, #tpu.memory_space<semaphore_mem>>
        %dma_start3A = tpu.memref_slice %arg2[%add3A_54] : memref<323584xi32, #tpu.memory_space<hbm>> -> memref<128xi32, #tpu.memory_space<hbm>>
        %dma_start3A_55 = tpu.memref_slice %arg2[%add3A_54] : memref<323584xi32, #tpu.memory_space<hbm>> -> memref<128xi32, #tpu.memory_space<hbm>>
        tpu.enqueue_dma source(%dma_start3A_55 : memref<128xi32, #tpu.memory_space<hbm>>) target(%arg4 : memref<128xi32, #tpu.memory_space<vmem>>) target_semaphore(%run_scoped3A : memref<!tpu.dma_semaphore, #tpu.memory_space<semaphore_mem>>)
        %dma_wait3A = tpu.memref_slice %arg2[%add3A_54] : memref<323584xi32, #tpu.memory_space<hbm>> -> memref<128xi32, #tpu.memory_space<hbm>>
        %dma_wait3A_56 = tpu.memref_slice %arg2[%add3A_54] : memref<323584xi32, #tpu.memory_space<hbm>> -> memref<128xi32, #tpu.memory_space<hbm>>
        tpu.wait_dma2 semaphore(%run_scoped3A : memref<!tpu.dma_semaphore, #tpu.memory_space<semaphore_mem>>) src(%dma_wait3A_56 : memref<128xi32, #tpu.memory_space<hbm>>) dst(%arg4 : memref<128xi32, #tpu.memory_space<vmem>>)
        tpu.yield
      }) : () -> ()
      "tpu.region"() ({
        %run_scoped3A = tpu.sem_alloc : memref<!tpu.dma_semaphore, #tpu.memory_space<semaphore_mem>>
        %dma_start3A = arith.constant 0 : i32
        %dma_start3A_55 = tpu.memref_slice %arg7[%dma_start3A] : memref<10240xf32, #tpu.memory_space<vmem_shared>> -> memref<10240xf32, #tpu.memory_space<vmem_shared>>
        tpu.enqueue_indirect_dma source(%arg5 : memref<128xf32, #tpu.memory_space<vmem>>) target(%dma_start3A_55 : memref<10240xf32, #tpu.memory_space<vmem_shared>>) offsets(%arg4 : memref<128xi32, #tpu.memory_space<vmem>>) semaphore(%run_scoped3A : memref<!tpu.dma_semaphore, #tpu.memory_space<semaphore_mem>>) {add = true}
        %dma_wait3A = arith.constant 0 : i32
        %dma_wait3A_56 = tpu.memref_slice %arg7[%dma_wait3A] : memref<10240xf32, #tpu.memory_space<vmem_shared>> -> memref<10240xf32, #tpu.memory_space<vmem_shared>>
        tpu.wait_indirect_dma semaphore(%run_scoped3A : memref<!tpu.dma_semaphore, #tpu.memory_space<semaphore_mem>>) src(%arg5 : memref<128xf32, #tpu.memory_space<vmem>>) dst(%dma_wait3A_56 : memref<10240xf32, #tpu.memory_space<vmem_shared>>)
        tpu.yield
      }) : () -> ()
    }
    %scan3A_45 = arith.constant 79 : i32
    %barrier3A_46 = arith.constant 0 : index
    tpu.barrier barrier_id(%barrier3A_46)
    %mul3A_47 = arith.constant 640 : i32
    %mul3A_48 = arith.muli %arg1, %mul3A_47 : i32
    %mul3A_49 = arith.constant 640 : i32
    %mul3A_50 = arith.muli %arg1, %mul3A_49 : i32
    "tpu.region"() ({
      %run_scoped3A = tpu.sem_alloc : memref<!tpu.dma_semaphore, #tpu.memory_space<semaphore_mem>>
      %dma_start3A = tpu.memref_slice %arg3[%arg0, %mul3A_50] : memref<2x10240xf32, #tpu.memory_space<hbm>> -> memref<1x640xf32, #tpu.memory_space<hbm>>
      %dma_start3A_51 = tpu.memref_squeeze %dma_start3A : memref<1x640xf32, #tpu.memory_space<hbm>> -> memref<640xf32, #tpu.memory_space<hbm>>
      %dma_start3A_52 = tpu.memref_slice %arg7[%mul3A_48] : memref<10240xf32, #tpu.memory_space<vmem_shared>> -> memref<640xf32, #tpu.memory_space<vmem_shared>>
      tpu.enqueue_dma source(%dma_start3A_52 : memref<640xf32, #tpu.memory_space<vmem_shared>>) target(%dma_start3A_51 : memref<640xf32, #tpu.memory_space<hbm>>) target_semaphore(%run_scoped3A : memref<!tpu.dma_semaphore, #tpu.memory_space<semaphore_mem>>)
      %dma_wait3A = tpu.memref_slice %arg3[%arg0, %mul3A_50] : memref<2x10240xf32, #tpu.memory_space<hbm>> -> memref<1x640xf32, #tpu.memory_space<hbm>>
      %dma_wait3A_53 = tpu.memref_squeeze %dma_wait3A : memref<1x640xf32, #tpu.memory_space<hbm>> -> memref<640xf32, #tpu.memory_space<hbm>>
      %dma_wait3A_54 = tpu.memref_slice %arg7[%mul3A_48] : memref<10240xf32, #tpu.memory_space<vmem_shared>> -> memref<640xf32, #tpu.memory_space<vmem_shared>>
      tpu.wait_dma2 semaphore(%run_scoped3A : memref<!tpu.dma_semaphore, #tpu.memory_space<semaphore_mem>>) src(%dma_wait3A_54 : memref<640xf32, #tpu.memory_space<vmem_shared>>) dst(%dma_wait3A_53 : memref<640xf32, #tpu.memory_space<hbm>>)
      tpu.yield
    }) : () -> ()
    return
  }
}

#map = affine_map<(d0, d1) -> (0, 0)>
#map1 = affine_map<(d0, d1) -> (0)>
#map2 = affine_map<(d0, d1) -> (0, 0, 0)>
module attributes {stable_mosaic.version = 14 : i64} {
  func.func @_sc_msg(%arg0: i32, %arg1: i32, %arg2: memref<10240x64xf32, #tpu.memory_space<hbm>>, %arg3: memref<10240xf32, #tpu.memory_space<hbm>>, %arg4: memref<10240xf32, #tpu.memory_space<hbm>>, %arg5: memref<10240xf32, #tpu.memory_space<hbm>>, %arg6: memref<323584xi32, #tpu.memory_space<hbm>>, %arg7: memref<323584xi32, #tpu.memory_space<hbm>>, %arg8: memref<2x10240x64xf32, #tpu.memory_space<hbm>>, %arg9: memref<10240xf32, #tpu.memory_space<vmem>>, %arg10: memref<10240xf32, #tpu.memory_space<vmem>>, %arg11: memref<10240xf32, #tpu.memory_space<vmem>>, %arg12: memref<128xi32, #tpu.memory_space<vmem>>, %arg13: memref<128xi32, #tpu.memory_space<vmem>>, %arg14: memref<128xf32, #tpu.memory_space<vmem>>, %arg15: memref<128x64xf32, #tpu.memory_space<vmem>>, %arg16: memref<10240x64xf32, #tpu.memory_space<vmem_shared>>, %arg17: memref<!tpu.dma_semaphore, #tpu.memory_space<semaphore_mem>>) attributes {dimension_semantics = [#tpu.dimension_semantics<core_parallel>, #tpu.dimension_semantics<subcore_parallel>], iteration_bounds = array<i64: 2, 16>, scalar_prefetch = 0 : i64, scratch_operands = 9 : i64, tpu.core_type = #tpu.core_type<sc_vector_subcore>, window_params = [{transform_indices = #map}, {transform_indices = #map1}, {transform_indices = #map1}, {transform_indices = #map1}, {transform_indices = #map1}, {transform_indices = #map1}, {transform_indices = #map2}]} {
    %mul3A = arith.constant 16 : i32
    %mul3A_0 = arith.muli %arg0, %mul3A : i32
    %add3A = arith.addi %mul3A_0, %arg1 : i32
    %scan3A = arith.constant 0 : i32
    %scan3A_1 = arith.constant 0 : i32
    %scan3A_2 = arith.constant 128 : i32
    %scan3A_3 = arith.addi %scan3A_1, %scan3A_2 : i32
    %scan3A_4 = arith.constant 1 : i32
    scf.for %scan3A_39 = %scan3A_1 to %scan3A_3 step %scan3A_4  : i32 {
      %broadcast_in_dim3A = arith.constant 0.000000e+00 : f32
      %broadcast_in_dim3A_40 = vector.broadcast %broadcast_in_dim3A : f32 to vector<16xf32>
      %swap3A = arith.index_cast %scan3A_39 : i32 to index
      %swap3A_41 = arith.constant 0 : index
      %swap3A_42 = tpu.vector_load %arg15[%swap3A, %swap3A_41] {strides = array<i32>} : memref<128x64xf32, #tpu.memory_space<vmem>>, vector<16xf32>,
      tpu.vector_store %arg15[%swap3A, %swap3A_41], %broadcast_in_dim3A_40 {strides = array<i32>} : memref<128x64xf32, #tpu.memory_space<vmem>>, vector<16xf32>,
      %broadcast_in_dim3A_43 = arith.constant 0.000000e+00 : f32
      %broadcast_in_dim3A_44 = vector.broadcast %broadcast_in_dim3A_43 : f32 to vector<16xf32>
      %swap3A_45 = arith.index_cast %scan3A_39 : i32 to index
      %swap3A_46 = arith.constant 16 : index
      %swap3A_47 = tpu.vector_load %arg15[%swap3A_45, %swap3A_46] {strides = array<i32>} : memref<128x64xf32, #tpu.memory_space<vmem>>, vector<16xf32>,
      tpu.vector_store %arg15[%swap3A_45, %swap3A_46], %broadcast_in_dim3A_44 {strides = array<i32>} : memref<128x64xf32, #tpu.memory_space<vmem>>, vector<16xf32>,
      %broadcast_in_dim3A_48 = arith.constant 0.000000e+00 : f32
      %broadcast_in_dim3A_49 = vector.broadcast %broadcast_in_dim3A_48 : f32 to vector<16xf32>
      %swap3A_50 = arith.index_cast %scan3A_39 : i32 to index
      %swap3A_51 = arith.constant 32 : index
      %swap3A_52 = tpu.vector_load %arg15[%swap3A_50, %swap3A_51] {strides = array<i32>} : memref<128x64xf32, #tpu.memory_space<vmem>>, vector<16xf32>,
      tpu.vector_store %arg15[%swap3A_50, %swap3A_51], %broadcast_in_dim3A_49 {strides = array<i32>} : memref<128x64xf32, #tpu.memory_space<vmem>>, vector<16xf32>,
      %broadcast_in_dim3A_53 = arith.constant 0.000000e+00 : f32
      %broadcast_in_dim3A_54 = vector.broadcast %broadcast_in_dim3A_53 : f32 to vector<16xf32>
      %swap3A_55 = arith.index_cast %scan3A_39 : i32 to index
      %swap3A_56 = arith.constant 48 : index
      %swap3A_57 = tpu.vector_load %arg15[%swap3A_55, %swap3A_56] {strides = array<i32>} : memref<128x64xf32, #tpu.memory_space<vmem>>, vector<16xf32>,
      tpu.vector_store %arg15[%swap3A_55, %swap3A_56], %broadcast_in_dim3A_54 {strides = array<i32>} : memref<128x64xf32, #tpu.memory_space<vmem>>, vector<16xf32>,
    }
    %scan3A_5 = arith.constant 128 : i32
    %mul3A_6 = arith.constant 640 : i32
    %mul3A_7 = arith.muli %arg1, %mul3A_6 : i32
    %add3A_8 = arith.constant 0 : i32
    %add3A_9 = arith.addi %mul3A_7, %add3A_8 : i32
    "tpu.region"() ({
      %run_scoped3A = tpu.sem_alloc : memref<!tpu.dma_semaphore, #tpu.memory_space<semaphore_mem>>
      %dma_start3A = arith.constant 0 : i32
      %dma_start3A_39 = tpu.memref_slice %arg16[%add3A_9, %dma_start3A] : memref<10240x64xf32, #tpu.memory_space<vmem_shared>> -> memref<128x64xf32, #tpu.memory_space<vmem_shared>>
      %dma_start3A_40 = arith.constant 0 : i32
      %dma_start3A_41 = tpu.memref_slice %arg16[%add3A_9, %dma_start3A_40] : memref<10240x64xf32, #tpu.memory_space<vmem_shared>> -> memref<128x64xf32, #tpu.memory_space<vmem_shared>>
      tpu.enqueue_dma source(%arg15 : memref<128x64xf32, #tpu.memory_space<vmem>>) target(%dma_start3A_41 : memref<128x64xf32, #tpu.memory_space<vmem_shared>>) target_semaphore(%run_scoped3A : memref<!tpu.dma_semaphore, #tpu.memory_space<semaphore_mem>>)
      %dma_wait3A = arith.constant 0 : i32
      %dma_wait3A_42 = tpu.memref_slice %arg16[%add3A_9, %dma_wait3A] : memref<10240x64xf32, #tpu.memory_space<vmem_shared>> -> memref<128x64xf32, #tpu.memory_space<vmem_shared>>
      %dma_wait3A_43 = arith.constant 0 : i32
      %dma_wait3A_44 = tpu.memref_slice %arg16[%add3A_9, %dma_wait3A_43] : memref<10240x64xf32, #tpu.memory_space<vmem_shared>> -> memref<128x64xf32, #tpu.memory_space<vmem_shared>>
      tpu.wait_dma2 semaphore(%run_scoped3A : memref<!tpu.dma_semaphore, #tpu.memory_space<semaphore_mem>>) src(%arg15 : memref<128x64xf32, #tpu.memory_space<vmem>>) dst(%dma_wait3A_44 : memref<128x64xf32, #tpu.memory_space<vmem_shared>>)
      tpu.yield
    }) : () -> ()
    %mul3A_10 = arith.constant 640 : i32
    %mul3A_11 = arith.muli %arg1, %mul3A_10 : i32
    %add3A_12 = arith.constant 128 : i32
    %add3A_13 = arith.addi %mul3A_11, %add3A_12 : i32
    "tpu.region"() ({
      %run_scoped3A = tpu.sem_alloc : memref<!tpu.dma_semaphore, #tpu.memory_space<semaphore_mem>>
      %dma_start3A = arith.constant 0 : i32
      %dma_start3A_39 = tpu.memref_slice %arg16[%add3A_13, %dma_start3A] : memref<10240x64xf32, #tpu.memory_space<vmem_shared>> -> memref<128x64xf32, #tpu.memory_space<vmem_shared>>
      %dma_start3A_40 = arith.constant 0 : i32
      %dma_start3A_41 = tpu.memref_slice %arg16[%add3A_13, %dma_start3A_40] : memref<10240x64xf32, #tpu.memory_space<vmem_shared>> -> memref<128x64xf32, #tpu.memory_space<vmem_shared>>
      tpu.enqueue_dma source(%arg15 : memref<128x64xf32, #tpu.memory_space<vmem>>) target(%dma_start3A_41 : memref<128x64xf32, #tpu.memory_space<vmem_shared>>) target_semaphore(%run_scoped3A : memref<!tpu.dma_semaphore, #tpu.memory_space<semaphore_mem>>)
      %dma_wait3A = arith.constant 0 : i32
      %dma_wait3A_42 = tpu.memref_slice %arg16[%add3A_13, %dma_wait3A] : memref<10240x64xf32, #tpu.memory_space<vmem_shared>> -> memref<128x64xf32, #tpu.memory_space<vmem_shared>>
      %dma_wait3A_43 = arith.constant 0 : i32
      %dma_wait3A_44 = tpu.memref_slice %arg16[%add3A_13, %dma_wait3A_43] : memref<10240x64xf32, #tpu.memory_space<vmem_shared>> -> memref<128x64xf32, #tpu.memory_space<vmem_shared>>
      tpu.wait_dma2 semaphore(%run_scoped3A : memref<!tpu.dma_semaphore, #tpu.memory_space<semaphore_mem>>) src(%arg15 : memref<128x64xf32, #tpu.memory_space<vmem>>) dst(%dma_wait3A_44 : memref<128x64xf32, #tpu.memory_space<vmem_shared>>)
      tpu.yield
    }) : () -> ()
    %mul3A_14 = arith.constant 640 : i32
    %mul3A_15 = arith.muli %arg1, %mul3A_14 : i32
    %add3A_16 = arith.constant 256 : i32
    %add3A_17 = arith.addi %mul3A_15, %add3A_16 : i32
    "tpu.region"() ({
      %run_scoped3A = tpu.sem_alloc : memref<!tpu.dma_semaphore, #tpu.memory_space<semaphore_mem>>
      %dma_start3A = arith.constant 0 : i32
      %dma_start3A_39 = tpu.memref_slice %arg16[%add3A_17, %dma_start3A] : memref<10240x64xf32, #tpu.memory_space<vmem_shared>> -> memref<128x64xf32, #tpu.memory_space<vmem_shared>>
      %dma_start3A_40 = arith.constant 0 : i32
      %dma_start3A_41 = tpu.memref_slice %arg16[%add3A_17, %dma_start3A_40] : memref<10240x64xf32, #tpu.memory_space<vmem_shared>> -> memref<128x64xf32, #tpu.memory_space<vmem_shared>>
      tpu.enqueue_dma source(%arg15 : memref<128x64xf32, #tpu.memory_space<vmem>>) target(%dma_start3A_41 : memref<128x64xf32, #tpu.memory_space<vmem_shared>>) target_semaphore(%run_scoped3A : memref<!tpu.dma_semaphore, #tpu.memory_space<semaphore_mem>>)
      %dma_wait3A = arith.constant 0 : i32
      %dma_wait3A_42 = tpu.memref_slice %arg16[%add3A_17, %dma_wait3A] : memref<10240x64xf32, #tpu.memory_space<vmem_shared>> -> memref<128x64xf32, #tpu.memory_space<vmem_shared>>
      %dma_wait3A_43 = arith.constant 0 : i32
      %dma_wait3A_44 = tpu.memref_slice %arg16[%add3A_17, %dma_wait3A_43] : memref<10240x64xf32, #tpu.memory_space<vmem_shared>> -> memref<128x64xf32, #tpu.memory_space<vmem_shared>>
      tpu.wait_dma2 semaphore(%run_scoped3A : memref<!tpu.dma_semaphore, #tpu.memory_space<semaphore_mem>>) src(%arg15 : memref<128x64xf32, #tpu.memory_space<vmem>>) dst(%dma_wait3A_44 : memref<128x64xf32, #tpu.memory_space<vmem_shared>>)
      tpu.yield
    }) : () -> ()
    %mul3A_18 = arith.constant 640 : i32
    %mul3A_19 = arith.muli %arg1, %mul3A_18 : i32
    %add3A_20 = arith.constant 384 : i32
    %add3A_21 = arith.addi %mul3A_19, %add3A_20 : i32
    "tpu.region"() ({
      %run_scoped3A = tpu.sem_alloc : memref<!tpu.dma_semaphore, #tpu.memory_space<semaphore_mem>>
      %dma_start3A = arith.constant 0 : i32
      %dma_start3A_39 = tpu.memref_slice %arg16[%add3A_21, %dma_start3A] : memref<10240x64xf32, #tpu.memory_space<vmem_shared>> -> memref<128x64xf32, #tpu.memory_space<vmem_shared>>
      %dma_start3A_40 = arith.constant 0 : i32
      %dma_start3A_41 = tpu.memref_slice %arg16[%add3A_21, %dma_start3A_40] : memref<10240x64xf32, #tpu.memory_space<vmem_shared>> -> memref<128x64xf32, #tpu.memory_space<vmem_shared>>
      tpu.enqueue_dma source(%arg15 : memref<128x64xf32, #tpu.memory_space<vmem>>) target(%dma_start3A_41 : memref<128x64xf32, #tpu.memory_space<vmem_shared>>) target_semaphore(%run_scoped3A : memref<!tpu.dma_semaphore, #tpu.memory_space<semaphore_mem>>)
      %dma_wait3A = arith.constant 0 : i32
      %dma_wait3A_42 = tpu.memref_slice %arg16[%add3A_21, %dma_wait3A] : memref<10240x64xf32, #tpu.memory_space<vmem_shared>> -> memref<128x64xf32, #tpu.memory_space<vmem_shared>>
      %dma_wait3A_43 = arith.constant 0 : i32
      %dma_wait3A_44 = tpu.memref_slice %arg16[%add3A_21, %dma_wait3A_43] : memref<10240x64xf32, #tpu.memory_space<vmem_shared>> -> memref<128x64xf32, #tpu.memory_space<vmem_shared>>
      tpu.wait_dma2 semaphore(%run_scoped3A : memref<!tpu.dma_semaphore, #tpu.memory_space<semaphore_mem>>) src(%arg15 : memref<128x64xf32, #tpu.memory_space<vmem>>) dst(%dma_wait3A_44 : memref<128x64xf32, #tpu.memory_space<vmem_shared>>)
      tpu.yield
    }) : () -> ()
    %mul3A_22 = arith.constant 640 : i32
    %mul3A_23 = arith.muli %arg1, %mul3A_22 : i32
    %add3A_24 = arith.constant 512 : i32
    %add3A_25 = arith.addi %mul3A_23, %add3A_24 : i32
    "tpu.region"() ({
      %run_scoped3A = tpu.sem_alloc : memref<!tpu.dma_semaphore, #tpu.memory_space<semaphore_mem>>
      %dma_start3A = arith.constant 0 : i32
      %dma_start3A_39 = tpu.memref_slice %arg16[%add3A_25, %dma_start3A] : memref<10240x64xf32, #tpu.memory_space<vmem_shared>> -> memref<128x64xf32, #tpu.memory_space<vmem_shared>>
      %dma_start3A_40 = arith.constant 0 : i32
      %dma_start3A_41 = tpu.memref_slice %arg16[%add3A_25, %dma_start3A_40] : memref<10240x64xf32, #tpu.memory_space<vmem_shared>> -> memref<128x64xf32, #tpu.memory_space<vmem_shared>>
      tpu.enqueue_dma source(%arg15 : memref<128x64xf32, #tpu.memory_space<vmem>>) target(%dma_start3A_41 : memref<128x64xf32, #tpu.memory_space<vmem_shared>>) target_semaphore(%run_scoped3A : memref<!tpu.dma_semaphore, #tpu.memory_space<semaphore_mem>>)
      %dma_wait3A = arith.constant 0 : i32
      %dma_wait3A_42 = tpu.memref_slice %arg16[%add3A_25, %dma_wait3A] : memref<10240x64xf32, #tpu.memory_space<vmem_shared>> -> memref<128x64xf32, #tpu.memory_space<vmem_shared>>
      %dma_wait3A_43 = arith.constant 0 : i32
      %dma_wait3A_44 = tpu.memref_slice %arg16[%add3A_25, %dma_wait3A_43] : memref<10240x64xf32, #tpu.memory_space<vmem_shared>> -> memref<128x64xf32, #tpu.memory_space<vmem_shared>>
      tpu.wait_dma2 semaphore(%run_scoped3A : memref<!tpu.dma_semaphore, #tpu.memory_space<semaphore_mem>>) src(%arg15 : memref<128x64xf32, #tpu.memory_space<vmem>>) dst(%dma_wait3A_44 : memref<128x64xf32, #tpu.memory_space<vmem_shared>>)
      tpu.yield
    }) : () -> ()
    "tpu.region"() ({
      %run_scoped3A = tpu.sem_alloc : memref<!tpu.dma_semaphore, #tpu.memory_space<semaphore_mem>>
      tpu.enqueue_dma source(%arg3 : memref<10240xf32, #tpu.memory_space<hbm>>) target(%arg9 : memref<10240xf32, #tpu.memory_space<vmem>>) target_semaphore(%run_scoped3A : memref<!tpu.dma_semaphore, #tpu.memory_space<semaphore_mem>>)
      tpu.wait_dma2 semaphore(%run_scoped3A : memref<!tpu.dma_semaphore, #tpu.memory_space<semaphore_mem>>) src(%arg3 : memref<10240xf32, #tpu.memory_space<hbm>>) dst(%arg9 : memref<10240xf32, #tpu.memory_space<vmem>>)
      tpu.yield
    }) : () -> ()
    "tpu.region"() ({
      %run_scoped3A = tpu.sem_alloc : memref<!tpu.dma_semaphore, #tpu.memory_space<semaphore_mem>>
      tpu.enqueue_dma source(%arg4 : memref<10240xf32, #tpu.memory_space<hbm>>) target(%arg10 : memref<10240xf32, #tpu.memory_space<vmem>>) target_semaphore(%run_scoped3A : memref<!tpu.dma_semaphore, #tpu.memory_space<semaphore_mem>>)
      tpu.wait_dma2 semaphore(%run_scoped3A : memref<!tpu.dma_semaphore, #tpu.memory_space<semaphore_mem>>) src(%arg4 : memref<10240xf32, #tpu.memory_space<hbm>>) dst(%arg10 : memref<10240xf32, #tpu.memory_space<vmem>>)
      tpu.yield
    }) : () -> ()
    "tpu.region"() ({
      %run_scoped3A = tpu.sem_alloc : memref<!tpu.dma_semaphore, #tpu.memory_space<semaphore_mem>>
      tpu.enqueue_dma source(%arg5 : memref<10240xf32, #tpu.memory_space<hbm>>) target(%arg11 : memref<10240xf32, #tpu.memory_space<vmem>>) target_semaphore(%run_scoped3A : memref<!tpu.dma_semaphore, #tpu.memory_space<semaphore_mem>>)
      tpu.wait_dma2 semaphore(%run_scoped3A : memref<!tpu.dma_semaphore, #tpu.memory_space<semaphore_mem>>) src(%arg5 : memref<10240xf32, #tpu.memory_space<hbm>>) dst(%arg11 : memref<10240xf32, #tpu.memory_space<vmem>>)
      tpu.yield
    }) : () -> ()
    %barrier3A = arith.constant 0 : index
    tpu.barrier barrier_id(%barrier3A)
    %mul3A_26 = arith.constant 10112 : i32
    %mul3A_27 = arith.muli %add3A, %mul3A_26 : i32
    %scan3A_28 = arith.constant 0 : i32
    %scan3A_29 = arith.constant 0 : i32
    %scan3A_30 = arith.constant 79 : i32
    %scan3A_31 = arith.addi %scan3A_29, %scan3A_30 : i32
    %scan3A_32 = arith.constant 1 : i32
    scf.for %scan3A_39 = %scan3A_29 to %scan3A_31 step %scan3A_32  : i32 {
      %mul3A_40 = arith.constant 128 : i32
      %mul3A_41 = arith.muli %scan3A_39, %mul3A_40 : i32
      %add3A_42 = arith.addi %mul3A_27, %mul3A_41 : i32
      "tpu.region"() ({
        %run_scoped3A = tpu.sem_alloc : memref<!tpu.dma_semaphore, #tpu.memory_space<semaphore_mem>>
        %dma_start3A_239 = tpu.memref_slice %arg6[%add3A_42] : memref<323584xi32, #tpu.memory_space<hbm>> -> memref<128xi32, #tpu.memory_space<hbm>>
        %dma_start3A_240 = tpu.memref_slice %arg6[%add3A_42] : memref<323584xi32, #tpu.memory_space<hbm>> -> memref<128xi32, #tpu.memory_space<hbm>>
        tpu.enqueue_dma source(%dma_start3A_240 : memref<128xi32, #tpu.memory_space<hbm>>) target(%arg12 : memref<128xi32, #tpu.memory_space<vmem>>) target_semaphore(%run_scoped3A : memref<!tpu.dma_semaphore, #tpu.memory_space<semaphore_mem>>)
        %dma_wait3A_241 = tpu.memref_slice %arg6[%add3A_42] : memref<323584xi32, #tpu.memory_space<hbm>> -> memref<128xi32, #tpu.memory_space<hbm>>
        %dma_wait3A_242 = tpu.memref_slice %arg6[%add3A_42] : memref<323584xi32, #tpu.memory_space<hbm>> -> memref<128xi32, #tpu.memory_space<hbm>>
        tpu.wait_dma2 semaphore(%run_scoped3A : memref<!tpu.dma_semaphore, #tpu.memory_space<semaphore_mem>>) src(%dma_wait3A_242 : memref<128xi32, #tpu.memory_space<hbm>>) dst(%arg12 : memref<128xi32, #tpu.memory_space<vmem>>)
        tpu.yield
      }) : () -> ()
      "tpu.region"() ({
        %run_scoped3A = tpu.sem_alloc : memref<!tpu.dma_semaphore, #tpu.memory_space<semaphore_mem>>
        %dma_start3A_239 = tpu.memref_slice %arg7[%add3A_42] : memref<323584xi32, #tpu.memory_space<hbm>> -> memref<128xi32, #tpu.memory_space<hbm>>
        %dma_start3A_240 = tpu.memref_slice %arg7[%add3A_42] : memref<323584xi32, #tpu.memory_space<hbm>> -> memref<128xi32, #tpu.memory_space<hbm>>
        tpu.enqueue_dma source(%dma_start3A_240 : memref<128xi32, #tpu.memory_space<hbm>>) target(%arg13 : memref<128xi32, #tpu.memory_space<vmem>>) target_semaphore(%run_scoped3A : memref<!tpu.dma_semaphore, #tpu.memory_space<semaphore_mem>>)
        %dma_wait3A_241 = tpu.memref_slice %arg7[%add3A_42] : memref<323584xi32, #tpu.memory_space<hbm>> -> memref<128xi32, #tpu.memory_space<hbm>>
        %dma_wait3A_242 = tpu.memref_slice %arg7[%add3A_42] : memref<323584xi32, #tpu.memory_space<hbm>> -> memref<128xi32, #tpu.memory_space<hbm>>
        tpu.wait_dma2 semaphore(%run_scoped3A : memref<!tpu.dma_semaphore, #tpu.memory_space<semaphore_mem>>) src(%dma_wait3A_242 : memref<128xi32, #tpu.memory_space<hbm>>) dst(%arg13 : memref<128xi32, #tpu.memory_space<vmem>>)
        tpu.yield
      }) : () -> ()
      %get3A = arith.constant 0 : index
      %get3A_43 = tpu.vector_load %arg12[%get3A] {strides = array<i32>} : memref<128xi32, #tpu.memory_space<vmem>>, vector<16xi32>,
      %get3A_44 = arith.constant 0 : index
      %get3A_45 = tpu.vector_load %arg13[%get3A_44] {strides = array<i32>} : memref<128xi32, #tpu.memory_space<vmem>>, vector<16xi32>,
      %gather3A = tpu.vector_load_idx %arg9[%get3A_43] : memref<10240xf32, #tpu.memory_space<vmem>>[vector<16xi32>], vector<16xf32>,
      %gather3A_46 = tpu.vector_load_idx %arg10[%get3A_45] : memref<10240xf32, #tpu.memory_space<vmem>>[vector<16xi32>], vector<16xf32>,
      %gather3A_47 = tpu.vector_load_idx %arg11[%get3A_43] : memref<10240xf32, #tpu.memory_space<vmem>>[vector<16xi32>], vector<16xf32>,
      %gather3A_48 = tpu.vector_load_idx %arg11[%get3A_45] : memref<10240xf32, #tpu.memory_space<vmem>>[vector<16xi32>], vector<16xf32>,
      %add3A_49 = arith.addf %gather3A, %gather3A_46 : vector<16xf32>
      %add3A_50 = arith.addf %add3A_49, %add3A_49 : vector<16xf32>
      %exp3A = math.exp %add3A_50 : vector<16xf32>
      %add3A_51 = arith.constant 1.000000e+00 : f32
      %add3A_52 = vector.broadcast %add3A_51 : f32 to vector<16xf32>
      %add3A_53 = arith.addf %exp3A, %add3A_52 : vector<16xf32>
      %div3A = arith.constant 2.000000e+00 : f32
      %div3A_54 = vector.broadcast %div3A : f32 to vector<16xf32>
      %div3A_55 = arith.divf %div3A_54, %add3A_53 : vector<16xf32>
      %sub3A = arith.constant 1.000000e+00 : f32
      %sub3A_56 = vector.broadcast %sub3A : f32 to vector<16xf32>
      %sub3A_57 = arith.subf %sub3A_56, %div3A_55 : vector<16xf32>
      %mul3A_58 = arith.mulf %sub3A_57, %gather3A_47 : vector<16xf32>
      %mul3A_59 = arith.mulf %mul3A_58, %gather3A_48 : vector<16xf32>
      %swap3A = arith.constant 0 : index
      %swap3A_60 = tpu.vector_load %arg14[%swap3A] {strides = array<i32>} : memref<128xf32, #tpu.memory_space<vmem>>, vector<16xf32>,
      tpu.vector_store %arg14[%swap3A], %mul3A_59 {strides = array<i32>} : memref<128xf32, #tpu.memory_space<vmem>>, vector<16xf32>,
      %get3A_61 = arith.constant 16 : index
      %get3A_62 = tpu.vector_load %arg12[%get3A_61] {strides = array<i32>} : memref<128xi32, #tpu.memory_space<vmem>>, vector<16xi32>,
      %get3A_63 = arith.constant 16 : index
      %get3A_64 = tpu.vector_load %arg13[%get3A_63] {strides = array<i32>} : memref<128xi32, #tpu.memory_space<vmem>>, vector<16xi32>,
      %gather3A_65 = tpu.vector_load_idx %arg9[%get3A_62] : memref<10240xf32, #tpu.memory_space<vmem>>[vector<16xi32>], vector<16xf32>,
      %gather3A_66 = tpu.vector_load_idx %arg10[%get3A_64] : memref<10240xf32, #tpu.memory_space<vmem>>[vector<16xi32>], vector<16xf32>,
      %gather3A_67 = tpu.vector_load_idx %arg11[%get3A_62] : memref<10240xf32, #tpu.memory_space<vmem>>[vector<16xi32>], vector<16xf32>,
      %gather3A_68 = tpu.vector_load_idx %arg11[%get3A_64] : memref<10240xf32, #tpu.memory_space<vmem>>[vector<16xi32>], vector<16xf32>,
      %add3A_69 = arith.addf %gather3A_65, %gather3A_66 : vector<16xf32>
      %add3A_70 = arith.addf %add3A_69, %add3A_69 : vector<16xf32>
      %exp3A_71 = math.exp %add3A_70 : vector<16xf32>
      %add3A_72 = arith.constant 1.000000e+00 : f32
      %add3A_73 = vector.broadcast %add3A_72 : f32 to vector<16xf32>
      %add3A_74 = arith.addf %exp3A_71, %add3A_73 : vector<16xf32>
      %div3A_75 = arith.constant 2.000000e+00 : f32
      %div3A_76 = vector.broadcast %div3A_75 : f32 to vector<16xf32>
      %div3A_77 = arith.divf %div3A_76, %add3A_74 : vector<16xf32>
      %sub3A_78 = arith.constant 1.000000e+00 : f32
      %sub3A_79 = vector.broadcast %sub3A_78 : f32 to vector<16xf32>
      %sub3A_80 = arith.subf %sub3A_79, %div3A_77 : vector<16xf32>
      %mul3A_81 = arith.mulf %sub3A_80, %gather3A_67 : vector<16xf32>
      %mul3A_82 = arith.mulf %mul3A_81, %gather3A_68 : vector<16xf32>
      %swap3A_83 = arith.constant 16 : index
      %swap3A_84 = tpu.vector_load %arg14[%swap3A_83] {strides = array<i32>} : memref<128xf32, #tpu.memory_space<vmem>>, vector<16xf32>,
      tpu.vector_store %arg14[%swap3A_83], %mul3A_82 {strides = array<i32>} : memref<128xf32, #tpu.memory_space<vmem>>, vector<16xf32>,
      %get3A_85 = arith.constant 32 : index
      %get3A_86 = tpu.vector_load %arg12[%get3A_85] {strides = array<i32>} : memref<128xi32, #tpu.memory_space<vmem>>, vector<16xi32>,
      %get3A_87 = arith.constant 32 : index
      %get3A_88 = tpu.vector_load %arg13[%get3A_87] {strides = array<i32>} : memref<128xi32, #tpu.memory_space<vmem>>, vector<16xi32>,
      %gather3A_89 = tpu.vector_load_idx %arg9[%get3A_86] : memref<10240xf32, #tpu.memory_space<vmem>>[vector<16xi32>], vector<16xf32>,
      %gather3A_90 = tpu.vector_load_idx %arg10[%get3A_88] : memref<10240xf32, #tpu.memory_space<vmem>>[vector<16xi32>], vector<16xf32>,
      %gather3A_91 = tpu.vector_load_idx %arg11[%get3A_86] : memref<10240xf32, #tpu.memory_space<vmem>>[vector<16xi32>], vector<16xf32>,
      %gather3A_92 = tpu.vector_load_idx %arg11[%get3A_88] : memref<10240xf32, #tpu.memory_space<vmem>>[vector<16xi32>], vector<16xf32>,
      %add3A_93 = arith.addf %gather3A_89, %gather3A_90 : vector<16xf32>
      %add3A_94 = arith.addf %add3A_93, %add3A_93 : vector<16xf32>
      %exp3A_95 = math.exp %add3A_94 : vector<16xf32>
      %add3A_96 = arith.constant 1.000000e+00 : f32
      %add3A_97 = vector.broadcast %add3A_96 : f32 to vector<16xf32>
      %add3A_98 = arith.addf %exp3A_95, %add3A_97 : vector<16xf32>
      %div3A_99 = arith.constant 2.000000e+00 : f32
      %div3A_100 = vector.broadcast %div3A_99 : f32 to vector<16xf32>
      %div3A_101 = arith.divf %div3A_100, %add3A_98 : vector<16xf32>
      %sub3A_102 = arith.constant 1.000000e+00 : f32
      %sub3A_103 = vector.broadcast %sub3A_102 : f32 to vector<16xf32>
      %sub3A_104 = arith.subf %sub3A_103, %div3A_101 : vector<16xf32>
      %mul3A_105 = arith.mulf %sub3A_104, %gather3A_91 : vector<16xf32>
      %mul3A_106 = arith.mulf %mul3A_105, %gather3A_92 : vector<16xf32>
      %swap3A_107 = arith.constant 32 : index
      %swap3A_108 = tpu.vector_load %arg14[%swap3A_107] {strides = array<i32>} : memref<128xf32, #tpu.memory_space<vmem>>, vector<16xf32>,
      tpu.vector_store %arg14[%swap3A_107], %mul3A_106 {strides = array<i32>} : memref<128xf32, #tpu.memory_space<vmem>>, vector<16xf32>,
      %get3A_109 = arith.constant 48 : index
      %get3A_110 = tpu.vector_load %arg12[%get3A_109] {strides = array<i32>} : memref<128xi32, #tpu.memory_space<vmem>>, vector<16xi32>,
      %get3A_111 = arith.constant 48 : index
      %get3A_112 = tpu.vector_load %arg13[%get3A_111] {strides = array<i32>} : memref<128xi32, #tpu.memory_space<vmem>>, vector<16xi32>,
      %gather3A_113 = tpu.vector_load_idx %arg9[%get3A_110] : memref<10240xf32, #tpu.memory_space<vmem>>[vector<16xi32>], vector<16xf32>,
      %gather3A_114 = tpu.vector_load_idx %arg10[%get3A_112] : memref<10240xf32, #tpu.memory_space<vmem>>[vector<16xi32>], vector<16xf32>,
      %gather3A_115 = tpu.vector_load_idx %arg11[%get3A_110] : memref<10240xf32, #tpu.memory_space<vmem>>[vector<16xi32>], vector<16xf32>,
      %gather3A_116 = tpu.vector_load_idx %arg11[%get3A_112] : memref<10240xf32, #tpu.memory_space<vmem>>[vector<16xi32>], vector<16xf32>,
      %add3A_117 = arith.addf %gather3A_113, %gather3A_114 : vector<16xf32>
      %add3A_118 = arith.addf %add3A_117, %add3A_117 : vector<16xf32>
      %exp3A_119 = math.exp %add3A_118 : vector<16xf32>
      %add3A_120 = arith.constant 1.000000e+00 : f32
      %add3A_121 = vector.broadcast %add3A_120 : f32 to vector<16xf32>
      %add3A_122 = arith.addf %exp3A_119, %add3A_121 : vector<16xf32>
      %div3A_123 = arith.constant 2.000000e+00 : f32
      %div3A_124 = vector.broadcast %div3A_123 : f32 to vector<16xf32>
      %div3A_125 = arith.divf %div3A_124, %add3A_122 : vector<16xf32>
      %sub3A_126 = arith.constant 1.000000e+00 : f32
      %sub3A_127 = vector.broadcast %sub3A_126 : f32 to vector<16xf32>
      %sub3A_128 = arith.subf %sub3A_127, %div3A_125 : vector<16xf32>
      %mul3A_129 = arith.mulf %sub3A_128, %gather3A_115 : vector<16xf32>
      %mul3A_130 = arith.mulf %mul3A_129, %gather3A_116 : vector<16xf32>
      %swap3A_131 = arith.constant 48 : index
      %swap3A_132 = tpu.vector_load %arg14[%swap3A_131] {strides = array<i32>} : memref<128xf32, #tpu.memory_space<vmem>>, vector<16xf32>,
      tpu.vector_store %arg14[%swap3A_131], %mul3A_130 {strides = array<i32>} : memref<128xf32, #tpu.memory_space<vmem>>, vector<16xf32>,
      %get3A_133 = arith.constant 64 : index
      %get3A_134 = tpu.vector_load %arg12[%get3A_133] {strides = array<i32>} : memref<128xi32, #tpu.memory_space<vmem>>, vector<16xi32>,
      %get3A_135 = arith.constant 64 : index
      %get3A_136 = tpu.vector_load %arg13[%get3A_135] {strides = array<i32>} : memref<128xi32, #tpu.memory_space<vmem>>, vector<16xi32>,
      %gather3A_137 = tpu.vector_load_idx %arg9[%get3A_134] : memref<10240xf32, #tpu.memory_space<vmem>>[vector<16xi32>], vector<16xf32>,
      %gather3A_138 = tpu.vector_load_idx %arg10[%get3A_136] : memref<10240xf32, #tpu.memory_space<vmem>>[vector<16xi32>], vector<16xf32>,
      %gather3A_139 = tpu.vector_load_idx %arg11[%get3A_134] : memref<10240xf32, #tpu.memory_space<vmem>>[vector<16xi32>], vector<16xf32>,
      %gather3A_140 = tpu.vector_load_idx %arg11[%get3A_136] : memref<10240xf32, #tpu.memory_space<vmem>>[vector<16xi32>], vector<16xf32>,
      %add3A_141 = arith.addf %gather3A_137, %gather3A_138 : vector<16xf32>
      %add3A_142 = arith.addf %add3A_141, %add3A_141 : vector<16xf32>
      %exp3A_143 = math.exp %add3A_142 : vector<16xf32>
      %add3A_144 = arith.constant 1.000000e+00 : f32
      %add3A_145 = vector.broadcast %add3A_144 : f32 to vector<16xf32>
      %add3A_146 = arith.addf %exp3A_143, %add3A_145 : vector<16xf32>
      %div3A_147 = arith.constant 2.000000e+00 : f32
      %div3A_148 = vector.broadcast %div3A_147 : f32 to vector<16xf32>
      %div3A_149 = arith.divf %div3A_148, %add3A_146 : vector<16xf32>
      %sub3A_150 = arith.constant 1.000000e+00 : f32
      %sub3A_151 = vector.broadcast %sub3A_150 : f32 to vector<16xf32>
      %sub3A_152 = arith.subf %sub3A_151, %div3A_149 : vector<16xf32>
      %mul3A_153 = arith.mulf %sub3A_152, %gather3A_139 : vector<16xf32>
      %mul3A_154 = arith.mulf %mul3A_153, %gather3A_140 : vector<16xf32>
      %swap3A_155 = arith.constant 64 : index
      %swap3A_156 = tpu.vector_load %arg14[%swap3A_155] {strides = array<i32>} : memref<128xf32, #tpu.memory_space<vmem>>, vector<16xf32>,
      tpu.vector_store %arg14[%swap3A_155], %mul3A_154 {strides = array<i32>} : memref<128xf32, #tpu.memory_space<vmem>>, vector<16xf32>,
      %get3A_157 = arith.constant 80 : index
      %get3A_158 = tpu.vector_load %arg12[%get3A_157] {strides = array<i32>} : memref<128xi32, #tpu.memory_space<vmem>>, vector<16xi32>,
      %get3A_159 = arith.constant 80 : index
      %get3A_160 = tpu.vector_load %arg13[%get3A_159] {strides = array<i32>} : memref<128xi32, #tpu.memory_space<vmem>>, vector<16xi32>,
      %gather3A_161 = tpu.vector_load_idx %arg9[%get3A_158] : memref<10240xf32, #tpu.memory_space<vmem>>[vector<16xi32>], vector<16xf32>,
      %gather3A_162 = tpu.vector_load_idx %arg10[%get3A_160] : memref<10240xf32, #tpu.memory_space<vmem>>[vector<16xi32>], vector<16xf32>,
      %gather3A_163 = tpu.vector_load_idx %arg11[%get3A_158] : memref<10240xf32, #tpu.memory_space<vmem>>[vector<16xi32>], vector<16xf32>,
      %gather3A_164 = tpu.vector_load_idx %arg11[%get3A_160] : memref<10240xf32, #tpu.memory_space<vmem>>[vector<16xi32>], vector<16xf32>,
      %add3A_165 = arith.addf %gather3A_161, %gather3A_162 : vector<16xf32>
      %add3A_166 = arith.addf %add3A_165, %add3A_165 : vector<16xf32>
      %exp3A_167 = math.exp %add3A_166 : vector<16xf32>
      %add3A_168 = arith.constant 1.000000e+00 : f32
      %add3A_169 = vector.broadcast %add3A_168 : f32 to vector<16xf32>
      %add3A_170 = arith.addf %exp3A_167, %add3A_169 : vector<16xf32>
      %div3A_171 = arith.constant 2.000000e+00 : f32
      %div3A_172 = vector.broadcast %div3A_171 : f32 to vector<16xf32>
      %div3A_173 = arith.divf %div3A_172, %add3A_170 : vector<16xf32>
      %sub3A_174 = arith.constant 1.000000e+00 : f32
      %sub3A_175 = vector.broadcast %sub3A_174 : f32 to vector<16xf32>
      %sub3A_176 = arith.subf %sub3A_175, %div3A_173 : vector<16xf32>
      %mul3A_177 = arith.mulf %sub3A_176, %gather3A_163 : vector<16xf32>
      %mul3A_178 = arith.mulf %mul3A_177, %gather3A_164 : vector<16xf32>
      %swap3A_179 = arith.constant 80 : index
      %swap3A_180 = tpu.vector_load %arg14[%swap3A_179] {strides = array<i32>} : memref<128xf32, #tpu.memory_space<vmem>>, vector<16xf32>,
      tpu.vector_store %arg14[%swap3A_179], %mul3A_178 {strides = array<i32>} : memref<128xf32, #tpu.memory_space<vmem>>, vector<16xf32>,
      %get3A_181 = arith.constant 96 : index
      %get3A_182 = tpu.vector_load %arg12[%get3A_181] {strides = array<i32>} : memref<128xi32, #tpu.memory_space<vmem>>, vector<16xi32>,
      %get3A_183 = arith.constant 96 : index
      %get3A_184 = tpu.vector_load %arg13[%get3A_183] {strides = array<i32>} : memref<128xi32, #tpu.memory_space<vmem>>, vector<16xi32>,
      %gather3A_185 = tpu.vector_load_idx %arg9[%get3A_182] : memref<10240xf32, #tpu.memory_space<vmem>>[vector<16xi32>], vector<16xf32>,
      %gather3A_186 = tpu.vector_load_idx %arg10[%get3A_184] : memref<10240xf32, #tpu.memory_space<vmem>>[vector<16xi32>], vector<16xf32>,
      %gather3A_187 = tpu.vector_load_idx %arg11[%get3A_182] : memref<10240xf32, #tpu.memory_space<vmem>>[vector<16xi32>], vector<16xf32>,
      %gather3A_188 = tpu.vector_load_idx %arg11[%get3A_184] : memref<10240xf32, #tpu.memory_space<vmem>>[vector<16xi32>], vector<16xf32>,
      %add3A_189 = arith.addf %gather3A_185, %gather3A_186 : vector<16xf32>
      %add3A_190 = arith.addf %add3A_189, %add3A_189 : vector<16xf32>
      %exp3A_191 = math.exp %add3A_190 : vector<16xf32>
      %add3A_192 = arith.constant 1.000000e+00 : f32
      %add3A_193 = vector.broadcast %add3A_192 : f32 to vector<16xf32>
      %add3A_194 = arith.addf %exp3A_191, %add3A_193 : vector<16xf32>
      %div3A_195 = arith.constant 2.000000e+00 : f32
      %div3A_196 = vector.broadcast %div3A_195 : f32 to vector<16xf32>
      %div3A_197 = arith.divf %div3A_196, %add3A_194 : vector<16xf32>
      %sub3A_198 = arith.constant 1.000000e+00 : f32
      %sub3A_199 = vector.broadcast %sub3A_198 : f32 to vector<16xf32>
      %sub3A_200 = arith.subf %sub3A_199, %div3A_197 : vector<16xf32>
      %mul3A_201 = arith.mulf %sub3A_200, %gather3A_187 : vector<16xf32>
      %mul3A_202 = arith.mulf %mul3A_201, %gather3A_188 : vector<16xf32>
      %swap3A_203 = arith.constant 96 : index
      %swap3A_204 = tpu.vector_load %arg14[%swap3A_203] {strides = array<i32>} : memref<128xf32, #tpu.memory_space<vmem>>, vector<16xf32>,
      tpu.vector_store %arg14[%swap3A_203], %mul3A_202 {strides = array<i32>} : memref<128xf32, #tpu.memory_space<vmem>>, vector<16xf32>,
      %get3A_205 = arith.constant 112 : index
      %get3A_206 = tpu.vector_load %arg12[%get3A_205] {strides = array<i32>} : memref<128xi32, #tpu.memory_space<vmem>>, vector<16xi32>,
      %get3A_207 = arith.constant 112 : index
      %get3A_208 = tpu.vector_load %arg13[%get3A_207] {strides = array<i32>} : memref<128xi32, #tpu.memory_space<vmem>>, vector<16xi32>,
      %gather3A_209 = tpu.vector_load_idx %arg9[%get3A_206] : memref<10240xf32, #tpu.memory_space<vmem>>[vector<16xi32>], vector<16xf32>,
      %gather3A_210 = tpu.vector_load_idx %arg10[%get3A_208] : memref<10240xf32, #tpu.memory_space<vmem>>[vector<16xi32>], vector<16xf32>,
      %gather3A_211 = tpu.vector_load_idx %arg11[%get3A_206] : memref<10240xf32, #tpu.memory_space<vmem>>[vector<16xi32>], vector<16xf32>,
      %gather3A_212 = tpu.vector_load_idx %arg11[%get3A_208] : memref<10240xf32, #tpu.memory_space<vmem>>[vector<16xi32>], vector<16xf32>,
      %add3A_213 = arith.addf %gather3A_209, %gather3A_210 : vector<16xf32>
      %add3A_214 = arith.addf %add3A_213, %add3A_213 : vector<16xf32>
      %exp3A_215 = math.exp %add3A_214 : vector<16xf32>
      %add3A_216 = arith.constant 1.000000e+00 : f32
      %add3A_217 = vector.broadcast %add3A_216 : f32 to vector<16xf32>
      %add3A_218 = arith.addf %exp3A_215, %add3A_217 : vector<16xf32>
      %div3A_219 = arith.constant 2.000000e+00 : f32
      %div3A_220 = vector.broadcast %div3A_219 : f32 to vector<16xf32>
      %div3A_221 = arith.divf %div3A_220, %add3A_218 : vector<16xf32>
      %sub3A_222 = arith.constant 1.000000e+00 : f32
      %sub3A_223 = vector.broadcast %sub3A_222 : f32 to vector<16xf32>
      %sub3A_224 = arith.subf %sub3A_223, %div3A_221 : vector<16xf32>
      %mul3A_225 = arith.mulf %sub3A_224, %gather3A_211 : vector<16xf32>
      %mul3A_226 = arith.mulf %mul3A_225, %gather3A_212 : vector<16xf32>
      %swap3A_227 = arith.constant 112 : index
      %swap3A_228 = tpu.vector_load %arg14[%swap3A_227] {strides = array<i32>} : memref<128xf32, #tpu.memory_space<vmem>>, vector<16xf32>,
      tpu.vector_store %arg14[%swap3A_227], %mul3A_226 {strides = array<i32>} : memref<128xf32, #tpu.memory_space<vmem>>, vector<16xf32>,
      %dma_start3A = arith.constant 0 : i32
      %dma_start3A_229 = arith.constant 0 : i32
      %dma_start3A_230 = tpu.memref_slice %arg2[%dma_start3A, %dma_start3A_229] : memref<10240x64xf32, #tpu.memory_space<hbm>> -> memref<10240x64xf32, #tpu.memory_space<hbm>>
      tpu.enqueue_indirect_dma source(%dma_start3A_230 : memref<10240x64xf32, #tpu.memory_space<hbm>>) target(%arg15 : memref<128x64xf32, #tpu.memory_space<vmem>>) offsets(%arg12 : memref<128xi32, #tpu.memory_space<vmem>>) semaphore(%arg17 : memref<!tpu.dma_semaphore, #tpu.memory_space<semaphore_mem>>)
      %dma_wait3A = arith.constant 0 : i32
      %dma_wait3A_231 = arith.constant 0 : i32
      %dma_wait3A_232 = tpu.memref_slice %arg2[%dma_wait3A, %dma_wait3A_231] : memref<10240x64xf32, #tpu.memory_space<hbm>> -> memref<10240x64xf32, #tpu.memory_space<hbm>>
      tpu.wait_indirect_dma semaphore(%arg17 : memref<!tpu.dma_semaphore, #tpu.memory_space<semaphore_mem>>) src(%dma_wait3A_232 : memref<10240x64xf32, #tpu.memory_space<hbm>>) dst(%arg15 : memref<128x64xf32, #tpu.memory_space<vmem>>)
      %scan3A_233 = arith.constant 0 : i32
      %scan3A_234 = arith.constant 0 : i32
      %scan3A_235 = arith.constant 128 : i32
      %scan3A_236 = arith.addi %scan3A_234, %scan3A_235 : i32
      %scan3A_237 = arith.constant 1 : i32
      scf.for %scan3A_239 = %scan3A_234 to %scan3A_236 step %scan3A_237  : i32 {
        %broadcast_in_dim3A = vector.broadcast %scan3A_239 : i32 to vector<16xi32>
        %gather3A_240 = tpu.vector_load_idx %arg14[%broadcast_in_dim3A] : memref<128xf32, #tpu.memory_space<vmem>>[vector<16xi32>], vector<16xf32>,
        %get3A_241 = arith.constant 0 : i32
        %get3A_242 = tpu.memref_slice %arg15[%scan3A_239, %get3A_241] : memref<128x64xf32, #tpu.memory_space<vmem>> -> memref<1x64xf32, #tpu.memory_space<vmem>>
        %get3A_243 = tpu.memref_squeeze %get3A_242 : memref<1x64xf32, #tpu.memory_space<vmem>> -> memref<64xf32, #tpu.memory_space<vmem>>
        %get3A_244 = arith.constant 0 : index
        %get3A_245 = tpu.vector_load %get3A_243[%get3A_244] {strides = array<i32>} : memref<64xf32, #tpu.memory_space<vmem>>, vector<16xf32>,
        %mul3A_246 = arith.mulf %get3A_245, %gather3A_240 : vector<16xf32>
        %swap3A_247 = arith.constant 0 : i32
        %swap3A_248 = tpu.memref_slice %arg15[%scan3A_239, %swap3A_247] : memref<128x64xf32, #tpu.memory_space<vmem>> -> memref<1x64xf32, #tpu.memory_space<vmem>>
        %swap3A_249 = tpu.memref_squeeze %swap3A_248 : memref<1x64xf32, #tpu.memory_space<vmem>> -> memref<64xf32, #tpu.memory_space<vmem>>
        %swap3A_250 = arith.constant 0 : index
        %swap3A_251 = tpu.vector_load %swap3A_249[%swap3A_250] {strides = array<i32>} : memref<64xf32, #tpu.memory_space<vmem>>, vector<16xf32>,
        tpu.vector_store %swap3A_249[%swap3A_250], %mul3A_246 {strides = array<i32>} : memref<64xf32, #tpu.memory_space<vmem>>, vector<16xf32>,
        %get3A_252 = arith.constant 0 : i32
        %get3A_253 = tpu.memref_slice %arg15[%scan3A_239, %get3A_252] : memref<128x64xf32, #tpu.memory_space<vmem>> -> memref<1x64xf32, #tpu.memory_space<vmem>>
        %get3A_254 = tpu.memref_squeeze %get3A_253 : memref<1x64xf32, #tpu.memory_space<vmem>> -> memref<64xf32, #tpu.memory_space<vmem>>
        %get3A_255 = arith.constant 16 : index
        %get3A_256 = tpu.vector_load %get3A_254[%get3A_255] {strides = array<i32>} : memref<64xf32, #tpu.memory_space<vmem>>, vector<16xf32>,
        %mul3A_257 = arith.mulf %get3A_256, %gather3A_240 : vector<16xf32>
        %swap3A_258 = arith.constant 0 : i32
        %swap3A_259 = tpu.memref_slice %arg15[%scan3A_239, %swap3A_258] : memref<128x64xf32, #tpu.memory_space<vmem>> -> memref<1x64xf32, #tpu.memory_space<vmem>>
        %swap3A_260 = tpu.memref_squeeze %swap3A_259 : memref<1x64xf32, #tpu.memory_space<vmem>> -> memref<64xf32, #tpu.memory_space<vmem>>
        %swap3A_261 = arith.constant 16 : index
        %swap3A_262 = tpu.vector_load %swap3A_260[%swap3A_261] {strides = array<i32>} : memref<64xf32, #tpu.memory_space<vmem>>, vector<16xf32>,
        tpu.vector_store %swap3A_260[%swap3A_261], %mul3A_257 {strides = array<i32>} : memref<64xf32, #tpu.memory_space<vmem>>, vector<16xf32>,
        %get3A_263 = arith.constant 0 : i32
        %get3A_264 = tpu.memref_slice %arg15[%scan3A_239, %get3A_263] : memref<128x64xf32, #tpu.memory_space<vmem>> -> memref<1x64xf32, #tpu.memory_space<vmem>>
        %get3A_265 = tpu.memref_squeeze %get3A_264 : memref<1x64xf32, #tpu.memory_space<vmem>> -> memref<64xf32, #tpu.memory_space<vmem>>
        %get3A_266 = arith.constant 32 : index
        %get3A_267 = tpu.vector_load %get3A_265[%get3A_266] {strides = array<i32>} : memref<64xf32, #tpu.memory_space<vmem>>, vector<16xf32>,
        %mul3A_268 = arith.mulf %get3A_267, %gather3A_240 : vector<16xf32>
        %swap3A_269 = arith.constant 0 : i32
        %swap3A_270 = tpu.memref_slice %arg15[%scan3A_239, %swap3A_269] : memref<128x64xf32, #tpu.memory_space<vmem>> -> memref<1x64xf32, #tpu.memory_space<vmem>>
        %swap3A_271 = tpu.memref_squeeze %swap3A_270 : memref<1x64xf32, #tpu.memory_space<vmem>> -> memref<64xf32, #tpu.memory_space<vmem>>
        %swap3A_272 = arith.constant 32 : index
        %swap3A_273 = tpu.vector_load %swap3A_271[%swap3A_272] {strides = array<i32>} : memref<64xf32, #tpu.memory_space<vmem>>, vector<16xf32>,
        tpu.vector_store %swap3A_271[%swap3A_272], %mul3A_268 {strides = array<i32>} : memref<64xf32, #tpu.memory_space<vmem>>, vector<16xf32>,
        %get3A_274 = arith.constant 0 : i32
        %get3A_275 = tpu.memref_slice %arg15[%scan3A_239, %get3A_274] : memref<128x64xf32, #tpu.memory_space<vmem>> -> memref<1x64xf32, #tpu.memory_space<vmem>>
        %get3A_276 = tpu.memref_squeeze %get3A_275 : memref<1x64xf32, #tpu.memory_space<vmem>> -> memref<64xf32, #tpu.memory_space<vmem>>
        %get3A_277 = arith.constant 48 : index
        %get3A_278 = tpu.vector_load %get3A_276[%get3A_277] {strides = array<i32>} : memref<64xf32, #tpu.memory_space<vmem>>, vector<16xf32>,
        %mul3A_279 = arith.mulf %get3A_278, %gather3A_240 : vector<16xf32>
        %swap3A_280 = arith.constant 0 : i32
        %swap3A_281 = tpu.memref_slice %arg15[%scan3A_239, %swap3A_280] : memref<128x64xf32, #tpu.memory_space<vmem>> -> memref<1x64xf32, #tpu.memory_space<vmem>>
        %swap3A_282 = tpu.memref_squeeze %swap3A_281 : memref<1x64xf32, #tpu.memory_space<vmem>> -> memref<64xf32, #tpu.memory_space<vmem>>
        %swap3A_283 = arith.constant 48 : index
        %swap3A_284 = tpu.vector_load %swap3A_282[%swap3A_283] {strides = array<i32>} : memref<64xf32, #tpu.memory_space<vmem>>, vector<16xf32>,
        tpu.vector_store %swap3A_282[%swap3A_283], %mul3A_279 {strides = array<i32>} : memref<64xf32, #tpu.memory_space<vmem>>, vector<16xf32>,
      }
      %scan3A_238 = arith.constant 128 : i32
      "tpu.region"() ({
        %run_scoped3A = tpu.sem_alloc : memref<!tpu.dma_semaphore, #tpu.memory_space<semaphore_mem>>
        %dma_start3A_239 = arith.constant 0 : i32
        %dma_start3A_240 = arith.constant 0 : i32
        %dma_start3A_241 = tpu.memref_slice %arg16[%dma_start3A_239, %dma_start3A_240] : memref<10240x64xf32, #tpu.memory_space<vmem_shared>> -> memref<10240x64xf32, #tpu.memory_space<vmem_shared>>
        tpu.enqueue_indirect_dma source(%arg15 : memref<128x64xf32, #tpu.memory_space<vmem>>) target(%dma_start3A_241 : memref<10240x64xf32, #tpu.memory_space<vmem_shared>>) offsets(%arg13 : memref<128xi32, #tpu.memory_space<vmem>>) semaphore(%run_scoped3A : memref<!tpu.dma_semaphore, #tpu.memory_space<semaphore_mem>>) {add = true}
        %dma_wait3A_242 = arith.constant 0 : i32
        %dma_wait3A_243 = arith.constant 0 : i32
        %dma_wait3A_244 = tpu.memref_slice %arg16[%dma_wait3A_242, %dma_wait3A_243] : memref<10240x64xf32, #tpu.memory_space<vmem_shared>> -> memref<10240x64xf32, #tpu.memory_space<vmem_shared>>
        tpu.wait_indirect_dma semaphore(%run_scoped3A : memref<!tpu.dma_semaphore, #tpu.memory_space<semaphore_mem>>) src(%arg15 : memref<128x64xf32, #tpu.memory_space<vmem>>) dst(%dma_wait3A_244 : memref<10240x64xf32, #tpu.memory_space<vmem_shared>>)
        tpu.yield
      }) : () -> ()
    }
    %scan3A_33 = arith.constant 79 : i32
    %barrier3A_34 = arith.constant 0 : index
    tpu.barrier barrier_id(%barrier3A_34)
    %mul3A_35 = arith.constant 640 : i32
    %mul3A_36 = arith.muli %arg1, %mul3A_35 : i32
    %mul3A_37 = arith.constant 640 : i32
    %mul3A_38 = arith.muli %arg1, %mul3A_37 : i32
    "tpu.region"() ({
      %run_scoped3A = tpu.sem_alloc : memref<!tpu.dma_semaphore, #tpu.memory_space<semaphore_mem>>
      %dma_start3A = arith.constant 0 : i32
      %dma_start3A_39 = tpu.memref_slice %arg8[%arg0, %mul3A_38, %dma_start3A] : memref<2x10240x64xf32, #tpu.memory_space<hbm>> -> memref<1x640x64xf32, #tpu.memory_space<hbm>>
      %dma_start3A_40 = tpu.memref_squeeze %dma_start3A_39 : memref<1x640x64xf32, #tpu.memory_space<hbm>> -> memref<640x64xf32, #tpu.memory_space<hbm>>
      %dma_start3A_41 = arith.constant 0 : i32
      %dma_start3A_42 = tpu.memref_slice %arg16[%mul3A_36, %dma_start3A_41] : memref<10240x64xf32, #tpu.memory_space<vmem_shared>> -> memref<640x64xf32, #tpu.memory_space<vmem_shared>>
      tpu.enqueue_dma source(%dma_start3A_42 : memref<640x64xf32, #tpu.memory_space<vmem_shared>>) target(%dma_start3A_40 : memref<640x64xf32, #tpu.memory_space<hbm>>) target_semaphore(%run_scoped3A : memref<!tpu.dma_semaphore, #tpu.memory_space<semaphore_mem>>)
      %dma_wait3A = arith.constant 0 : i32
      %dma_wait3A_43 = tpu.memref_slice %arg8[%arg0, %mul3A_38, %dma_wait3A] : memref<2x10240x64xf32, #tpu.memory_space<hbm>> -> memref<1x640x64xf32, #tpu.memory_space<hbm>>
      %dma_wait3A_44 = tpu.memref_squeeze %dma_wait3A_43 : memref<1x640x64xf32, #tpu.memory_space<hbm>> -> memref<640x64xf32, #tpu.memory_space<hbm>>
      %dma_wait3A_45 = arith.constant 0 : i32
      %dma_wait3A_46 = tpu.memref_slice %arg16[%mul3A_36, %dma_wait3A_45] : memref<10240x64xf32, #tpu.memory_space<vmem_shared>> -> memref<640x64xf32, #tpu.memory_space<vmem_shared>>
      tpu.wait_dma2 semaphore(%run_scoped3A : memref<!tpu.dma_semaphore, #tpu.memory_space<semaphore_mem>>) src(%dma_wait3A_46 : memref<640x64xf32, #tpu.memory_space<vmem_shared>>) dst(%dma_wait3A_44 : memref<640x64xf32, #tpu.memory_space<hbm>>)
      tpu.yield
    }) : () -> ()
    return
  }
}

#map = affine_map<(d0, d1) -> (0, 0)>
#map1 = affine_map<(d0, d1) -> (0)>
#map2 = affine_map<(d0, d1) -> (0, 0, 0)>
module attributes {stable_mosaic.version = 14 : i64} {
  func.func @_sc_msg(%arg0: i32, %arg1: i32, %arg2: memref<10240x64xf32, #tpu.memory_space<hbm>>, %arg3: memref<10240xf32, #tpu.memory_space<hbm>>, %arg4: memref<10240xf32, #tpu.memory_space<hbm>>, %arg5: memref<10240xf32, #tpu.memory_space<hbm>>, %arg6: memref<323584xi32, #tpu.memory_space<hbm>>, %arg7: memref<323584xi32, #tpu.memory_space<hbm>>, %arg8: memref<2x10240x64xf32, #tpu.memory_space<hbm>>, %arg9: memref<10240xf32, #tpu.memory_space<vmem>>, %arg10: memref<10240xf32, #tpu.memory_space<vmem>>, %arg11: memref<10240xf32, #tpu.memory_space<vmem>>, %arg12: memref<128xi32, #tpu.memory_space<vmem>>, %arg13: memref<128xi32, #tpu.memory_space<vmem>>, %arg14: memref<128xf32, #tpu.memory_space<vmem>>, %arg15: memref<128x64xf32, #tpu.memory_space<vmem>>, %arg16: memref<10240x64xf32, #tpu.memory_space<vmem_shared>>, %arg17: memref<!tpu.dma_semaphore, #tpu.memory_space<semaphore_mem>>) attributes {dimension_semantics = [#tpu.dimension_semantics<core_parallel>, #tpu.dimension_semantics<subcore_parallel>], iteration_bounds = array<i64: 2, 16>, scalar_prefetch = 0 : i64, scratch_operands = 9 : i64, tpu.core_type = #tpu.core_type<sc_vector_subcore>, window_params = [{transform_indices = #map}, {transform_indices = #map1}, {transform_indices = #map1}, {transform_indices = #map1}, {transform_indices = #map1}, {transform_indices = #map1}, {transform_indices = #map2}]} {
    %mul3A = arith.constant 16 : i32
    %mul3A_0 = arith.muli %arg0, %mul3A : i32
    %add3A = arith.addi %mul3A_0, %arg1 : i32
    %scan3A = arith.constant 0 : i32
    %scan3A_1 = arith.constant 0 : i32
    %scan3A_2 = arith.constant 128 : i32
    %scan3A_3 = arith.addi %scan3A_1, %scan3A_2 : i32
    %scan3A_4 = arith.constant 1 : i32
    scf.for %scan3A_39 = %scan3A_1 to %scan3A_3 step %scan3A_4  : i32 {
      %broadcast_in_dim3A = arith.constant 0.000000e+00 : f32
      %broadcast_in_dim3A_40 = vector.broadcast %broadcast_in_dim3A : f32 to vector<16xf32>
      %swap3A = arith.index_cast %scan3A_39 : i32 to index
      %swap3A_41 = arith.constant 0 : index
      %swap3A_42 = tpu.vector_load %arg15[%swap3A, %swap3A_41] {strides = array<i32>} : memref<128x64xf32, #tpu.memory_space<vmem>>, vector<16xf32>,
      tpu.vector_store %arg15[%swap3A, %swap3A_41], %broadcast_in_dim3A_40 {strides = array<i32>} : memref<128x64xf32, #tpu.memory_space<vmem>>, vector<16xf32>,
      %broadcast_in_dim3A_43 = arith.constant 0.000000e+00 : f32
      %broadcast_in_dim3A_44 = vector.broadcast %broadcast_in_dim3A_43 : f32 to vector<16xf32>
      %swap3A_45 = arith.index_cast %scan3A_39 : i32 to index
      %swap3A_46 = arith.constant 16 : index
      %swap3A_47 = tpu.vector_load %arg15[%swap3A_45, %swap3A_46] {strides = array<i32>} : memref<128x64xf32, #tpu.memory_space<vmem>>, vector<16xf32>,
      tpu.vector_store %arg15[%swap3A_45, %swap3A_46], %broadcast_in_dim3A_44 {strides = array<i32>} : memref<128x64xf32, #tpu.memory_space<vmem>>, vector<16xf32>,
      %broadcast_in_dim3A_48 = arith.constant 0.000000e+00 : f32
      %broadcast_in_dim3A_49 = vector.broadcast %broadcast_in_dim3A_48 : f32 to vector<16xf32>
      %swap3A_50 = arith.index_cast %scan3A_39 : i32 to index
      %swap3A_51 = arith.constant 32 : index
      %swap3A_52 = tpu.vector_load %arg15[%swap3A_50, %swap3A_51] {strides = array<i32>} : memref<128x64xf32, #tpu.memory_space<vmem>>, vector<16xf32>,
      tpu.vector_store %arg15[%swap3A_50, %swap3A_51], %broadcast_in_dim3A_49 {strides = array<i32>} : memref<128x64xf32, #tpu.memory_space<vmem>>, vector<16xf32>,
      %broadcast_in_dim3A_53 = arith.constant 0.000000e+00 : f32
      %broadcast_in_dim3A_54 = vector.broadcast %broadcast_in_dim3A_53 : f32 to vector<16xf32>
      %swap3A_55 = arith.index_cast %scan3A_39 : i32 to index
      %swap3A_56 = arith.constant 48 : index
      %swap3A_57 = tpu.vector_load %arg15[%swap3A_55, %swap3A_56] {strides = array<i32>} : memref<128x64xf32, #tpu.memory_space<vmem>>, vector<16xf32>,
      tpu.vector_store %arg15[%swap3A_55, %swap3A_56], %broadcast_in_dim3A_54 {strides = array<i32>} : memref<128x64xf32, #tpu.memory_space<vmem>>, vector<16xf32>,
    }
    %scan3A_5 = arith.constant 128 : i32
    %mul3A_6 = arith.constant 640 : i32
    %mul3A_7 = arith.muli %arg1, %mul3A_6 : i32
    %add3A_8 = arith.constant 0 : i32
    %add3A_9 = arith.addi %mul3A_7, %add3A_8 : i32
    "tpu.region"() ({
      %run_scoped3A = tpu.sem_alloc : memref<!tpu.dma_semaphore, #tpu.memory_space<semaphore_mem>>
      %dma_start3A = arith.constant 0 : i32
      %dma_start3A_39 = tpu.memref_slice %arg16[%add3A_9, %dma_start3A] : memref<10240x64xf32, #tpu.memory_space<vmem_shared>> -> memref<128x64xf32, #tpu.memory_space<vmem_shared>>
      %dma_start3A_40 = arith.constant 0 : i32
      %dma_start3A_41 = tpu.memref_slice %arg16[%add3A_9, %dma_start3A_40] : memref<10240x64xf32, #tpu.memory_space<vmem_shared>> -> memref<128x64xf32, #tpu.memory_space<vmem_shared>>
      tpu.enqueue_dma source(%arg15 : memref<128x64xf32, #tpu.memory_space<vmem>>) target(%dma_start3A_41 : memref<128x64xf32, #tpu.memory_space<vmem_shared>>) target_semaphore(%run_scoped3A : memref<!tpu.dma_semaphore, #tpu.memory_space<semaphore_mem>>)
      %dma_wait3A = arith.constant 0 : i32
      %dma_wait3A_42 = tpu.memref_slice %arg16[%add3A_9, %dma_wait3A] : memref<10240x64xf32, #tpu.memory_space<vmem_shared>> -> memref<128x64xf32, #tpu.memory_space<vmem_shared>>
      %dma_wait3A_43 = arith.constant 0 : i32
      %dma_wait3A_44 = tpu.memref_slice %arg16[%add3A_9, %dma_wait3A_43] : memref<10240x64xf32, #tpu.memory_space<vmem_shared>> -> memref<128x64xf32, #tpu.memory_space<vmem_shared>>
      tpu.wait_dma2 semaphore(%run_scoped3A : memref<!tpu.dma_semaphore, #tpu.memory_space<semaphore_mem>>) src(%arg15 : memref<128x64xf32, #tpu.memory_space<vmem>>) dst(%dma_wait3A_44 : memref<128x64xf32, #tpu.memory_space<vmem_shared>>)
      tpu.yield
    }) : () -> ()
    %mul3A_10 = arith.constant 640 : i32
    %mul3A_11 = arith.muli %arg1, %mul3A_10 : i32
    %add3A_12 = arith.constant 128 : i32
    %add3A_13 = arith.addi %mul3A_11, %add3A_12 : i32
    "tpu.region"() ({
      %run_scoped3A = tpu.sem_alloc : memref<!tpu.dma_semaphore, #tpu.memory_space<semaphore_mem>>
      %dma_start3A = arith.constant 0 : i32
      %dma_start3A_39 = tpu.memref_slice %arg16[%add3A_13, %dma_start3A] : memref<10240x64xf32, #tpu.memory_space<vmem_shared>> -> memref<128x64xf32, #tpu.memory_space<vmem_shared>>
      %dma_start3A_40 = arith.constant 0 : i32
      %dma_start3A_41 = tpu.memref_slice %arg16[%add3A_13, %dma_start3A_40] : memref<10240x64xf32, #tpu.memory_space<vmem_shared>> -> memref<128x64xf32, #tpu.memory_space<vmem_shared>>
      tpu.enqueue_dma source(%arg15 : memref<128x64xf32, #tpu.memory_space<vmem>>) target(%dma_start3A_41 : memref<128x64xf32, #tpu.memory_space<vmem_shared>>) target_semaphore(%run_scoped3A : memref<!tpu.dma_semaphore, #tpu.memory_space<semaphore_mem>>)
      %dma_wait3A = arith.constant 0 : i32
      %dma_wait3A_42 = tpu.memref_slice %arg16[%add3A_13, %dma_wait3A] : memref<10240x64xf32, #tpu.memory_space<vmem_shared>> -> memref<128x64xf32, #tpu.memory_space<vmem_shared>>
      %dma_wait3A_43 = arith.constant 0 : i32
      %dma_wait3A_44 = tpu.memref_slice %arg16[%add3A_13, %dma_wait3A_43] : memref<10240x64xf32, #tpu.memory_space<vmem_shared>> -> memref<128x64xf32, #tpu.memory_space<vmem_shared>>
      tpu.wait_dma2 semaphore(%run_scoped3A : memref<!tpu.dma_semaphore, #tpu.memory_space<semaphore_mem>>) src(%arg15 : memref<128x64xf32, #tpu.memory_space<vmem>>) dst(%dma_wait3A_44 : memref<128x64xf32, #tpu.memory_space<vmem_shared>>)
      tpu.yield
    }) : () -> ()
    %mul3A_14 = arith.constant 640 : i32
    %mul3A_15 = arith.muli %arg1, %mul3A_14 : i32
    %add3A_16 = arith.constant 256 : i32
    %add3A_17 = arith.addi %mul3A_15, %add3A_16 : i32
    "tpu.region"() ({
      %run_scoped3A = tpu.sem_alloc : memref<!tpu.dma_semaphore, #tpu.memory_space<semaphore_mem>>
      %dma_start3A = arith.constant 0 : i32
      %dma_start3A_39 = tpu.memref_slice %arg16[%add3A_17, %dma_start3A] : memref<10240x64xf32, #tpu.memory_space<vmem_shared>> -> memref<128x64xf32, #tpu.memory_space<vmem_shared>>
      %dma_start3A_40 = arith.constant 0 : i32
      %dma_start3A_41 = tpu.memref_slice %arg16[%add3A_17, %dma_start3A_40] : memref<10240x64xf32, #tpu.memory_space<vmem_shared>> -> memref<128x64xf32, #tpu.memory_space<vmem_shared>>
      tpu.enqueue_dma source(%arg15 : memref<128x64xf32, #tpu.memory_space<vmem>>) target(%dma_start3A_41 : memref<128x64xf32, #tpu.memory_space<vmem_shared>>) target_semaphore(%run_scoped3A : memref<!tpu.dma_semaphore, #tpu.memory_space<semaphore_mem>>)
      %dma_wait3A = arith.constant 0 : i32
      %dma_wait3A_42 = tpu.memref_slice %arg16[%add3A_17, %dma_wait3A] : memref<10240x64xf32, #tpu.memory_space<vmem_shared>> -> memref<128x64xf32, #tpu.memory_space<vmem_shared>>
      %dma_wait3A_43 = arith.constant 0 : i32
      %dma_wait3A_44 = tpu.memref_slice %arg16[%add3A_17, %dma_wait3A_43] : memref<10240x64xf32, #tpu.memory_space<vmem_shared>> -> memref<128x64xf32, #tpu.memory_space<vmem_shared>>
      tpu.wait_dma2 semaphore(%run_scoped3A : memref<!tpu.dma_semaphore, #tpu.memory_space<semaphore_mem>>) src(%arg15 : memref<128x64xf32, #tpu.memory_space<vmem>>) dst(%dma_wait3A_44 : memref<128x64xf32, #tpu.memory_space<vmem_shared>>)
      tpu.yield
    }) : () -> ()
    %mul3A_18 = arith.constant 640 : i32
    %mul3A_19 = arith.muli %arg1, %mul3A_18 : i32
    %add3A_20 = arith.constant 384 : i32
    %add3A_21 = arith.addi %mul3A_19, %add3A_20 : i32
    "tpu.region"() ({
      %run_scoped3A = tpu.sem_alloc : memref<!tpu.dma_semaphore, #tpu.memory_space<semaphore_mem>>
      %dma_start3A = arith.constant 0 : i32
      %dma_start3A_39 = tpu.memref_slice %arg16[%add3A_21, %dma_start3A] : memref<10240x64xf32, #tpu.memory_space<vmem_shared>> -> memref<128x64xf32, #tpu.memory_space<vmem_shared>>
      %dma_start3A_40 = arith.constant 0 : i32
      %dma_start3A_41 = tpu.memref_slice %arg16[%add3A_21, %dma_start3A_40] : memref<10240x64xf32, #tpu.memory_space<vmem_shared>> -> memref<128x64xf32, #tpu.memory_space<vmem_shared>>
      tpu.enqueue_dma source(%arg15 : memref<128x64xf32, #tpu.memory_space<vmem>>) target(%dma_start3A_41 : memref<128x64xf32, #tpu.memory_space<vmem_shared>>) target_semaphore(%run_scoped3A : memref<!tpu.dma_semaphore, #tpu.memory_space<semaphore_mem>>)
      %dma_wait3A = arith.constant 0 : i32
      %dma_wait3A_42 = tpu.memref_slice %arg16[%add3A_21, %dma_wait3A] : memref<10240x64xf32, #tpu.memory_space<vmem_shared>> -> memref<128x64xf32, #tpu.memory_space<vmem_shared>>
      %dma_wait3A_43 = arith.constant 0 : i32
      %dma_wait3A_44 = tpu.memref_slice %arg16[%add3A_21, %dma_wait3A_43] : memref<10240x64xf32, #tpu.memory_space<vmem_shared>> -> memref<128x64xf32, #tpu.memory_space<vmem_shared>>
      tpu.wait_dma2 semaphore(%run_scoped3A : memref<!tpu.dma_semaphore, #tpu.memory_space<semaphore_mem>>) src(%arg15 : memref<128x64xf32, #tpu.memory_space<vmem>>) dst(%dma_wait3A_44 : memref<128x64xf32, #tpu.memory_space<vmem_shared>>)
      tpu.yield
    }) : () -> ()
    %mul3A_22 = arith.constant 640 : i32
    %mul3A_23 = arith.muli %arg1, %mul3A_22 : i32
    %add3A_24 = arith.constant 512 : i32
    %add3A_25 = arith.addi %mul3A_23, %add3A_24 : i32
    "tpu.region"() ({
      %run_scoped3A = tpu.sem_alloc : memref<!tpu.dma_semaphore, #tpu.memory_space<semaphore_mem>>
      %dma_start3A = arith.constant 0 : i32
      %dma_start3A_39 = tpu.memref_slice %arg16[%add3A_25, %dma_start3A] : memref<10240x64xf32, #tpu.memory_space<vmem_shared>> -> memref<128x64xf32, #tpu.memory_space<vmem_shared>>
      %dma_start3A_40 = arith.constant 0 : i32
      %dma_start3A_41 = tpu.memref_slice %arg16[%add3A_25, %dma_start3A_40] : memref<10240x64xf32, #tpu.memory_space<vmem_shared>> -> memref<128x64xf32, #tpu.memory_space<vmem_shared>>
      tpu.enqueue_dma source(%arg15 : memref<128x64xf32, #tpu.memory_space<vmem>>) target(%dma_start3A_41 : memref<128x64xf32, #tpu.memory_space<vmem_shared>>) target_semaphore(%run_scoped3A : memref<!tpu.dma_semaphore, #tpu.memory_space<semaphore_mem>>)
      %dma_wait3A = arith.constant 0 : i32
      %dma_wait3A_42 = tpu.memref_slice %arg16[%add3A_25, %dma_wait3A] : memref<10240x64xf32, #tpu.memory_space<vmem_shared>> -> memref<128x64xf32, #tpu.memory_space<vmem_shared>>
      %dma_wait3A_43 = arith.constant 0 : i32
      %dma_wait3A_44 = tpu.memref_slice %arg16[%add3A_25, %dma_wait3A_43] : memref<10240x64xf32, #tpu.memory_space<vmem_shared>> -> memref<128x64xf32, #tpu.memory_space<vmem_shared>>
      tpu.wait_dma2 semaphore(%run_scoped3A : memref<!tpu.dma_semaphore, #tpu.memory_space<semaphore_mem>>) src(%arg15 : memref<128x64xf32, #tpu.memory_space<vmem>>) dst(%dma_wait3A_44 : memref<128x64xf32, #tpu.memory_space<vmem_shared>>)
      tpu.yield
    }) : () -> ()
    "tpu.region"() ({
      %run_scoped3A = tpu.sem_alloc : memref<!tpu.dma_semaphore, #tpu.memory_space<semaphore_mem>>
      tpu.enqueue_dma source(%arg3 : memref<10240xf32, #tpu.memory_space<hbm>>) target(%arg9 : memref<10240xf32, #tpu.memory_space<vmem>>) target_semaphore(%run_scoped3A : memref<!tpu.dma_semaphore, #tpu.memory_space<semaphore_mem>>)
      tpu.wait_dma2 semaphore(%run_scoped3A : memref<!tpu.dma_semaphore, #tpu.memory_space<semaphore_mem>>) src(%arg3 : memref<10240xf32, #tpu.memory_space<hbm>>) dst(%arg9 : memref<10240xf32, #tpu.memory_space<vmem>>)
      tpu.yield
    }) : () -> ()
    "tpu.region"() ({
      %run_scoped3A = tpu.sem_alloc : memref<!tpu.dma_semaphore, #tpu.memory_space<semaphore_mem>>
      tpu.enqueue_dma source(%arg4 : memref<10240xf32, #tpu.memory_space<hbm>>) target(%arg10 : memref<10240xf32, #tpu.memory_space<vmem>>) target_semaphore(%run_scoped3A : memref<!tpu.dma_semaphore, #tpu.memory_space<semaphore_mem>>)
      tpu.wait_dma2 semaphore(%run_scoped3A : memref<!tpu.dma_semaphore, #tpu.memory_space<semaphore_mem>>) src(%arg4 : memref<10240xf32, #tpu.memory_space<hbm>>) dst(%arg10 : memref<10240xf32, #tpu.memory_space<vmem>>)
      tpu.yield
    }) : () -> ()
    "tpu.region"() ({
      %run_scoped3A = tpu.sem_alloc : memref<!tpu.dma_semaphore, #tpu.memory_space<semaphore_mem>>
      tpu.enqueue_dma source(%arg5 : memref<10240xf32, #tpu.memory_space<hbm>>) target(%arg11 : memref<10240xf32, #tpu.memory_space<vmem>>) target_semaphore(%run_scoped3A : memref<!tpu.dma_semaphore, #tpu.memory_space<semaphore_mem>>)
      tpu.wait_dma2 semaphore(%run_scoped3A : memref<!tpu.dma_semaphore, #tpu.memory_space<semaphore_mem>>) src(%arg5 : memref<10240xf32, #tpu.memory_space<hbm>>) dst(%arg11 : memref<10240xf32, #tpu.memory_space<vmem>>)
      tpu.yield
    }) : () -> ()
    %barrier3A = arith.constant 0 : index
    tpu.barrier barrier_id(%barrier3A)
    %mul3A_26 = arith.constant 10112 : i32
    %mul3A_27 = arith.muli %add3A, %mul3A_26 : i32
    %scan3A_28 = arith.constant 0 : i32
    %scan3A_29 = arith.constant 0 : i32
    %scan3A_30 = arith.constant 79 : i32
    %scan3A_31 = arith.addi %scan3A_29, %scan3A_30 : i32
    %scan3A_32 = arith.constant 1 : i32
    scf.for %scan3A_39 = %scan3A_29 to %scan3A_31 step %scan3A_32  : i32 {
      %mul3A_40 = arith.constant 128 : i32
      %mul3A_41 = arith.muli %scan3A_39, %mul3A_40 : i32
      %add3A_42 = arith.addi %mul3A_27, %mul3A_41 : i32
      "tpu.region"() ({
        %run_scoped3A = tpu.sem_alloc : memref<!tpu.dma_semaphore, #tpu.memory_space<semaphore_mem>>
        %dma_start3A_239 = tpu.memref_slice %arg6[%add3A_42] : memref<323584xi32, #tpu.memory_space<hbm>> -> memref<128xi32, #tpu.memory_space<hbm>>
        %dma_start3A_240 = tpu.memref_slice %arg6[%add3A_42] : memref<323584xi32, #tpu.memory_space<hbm>> -> memref<128xi32, #tpu.memory_space<hbm>>
        tpu.enqueue_dma source(%dma_start3A_240 : memref<128xi32, #tpu.memory_space<hbm>>) target(%arg12 : memref<128xi32, #tpu.memory_space<vmem>>) target_semaphore(%run_scoped3A : memref<!tpu.dma_semaphore, #tpu.memory_space<semaphore_mem>>)
        %dma_wait3A_241 = tpu.memref_slice %arg6[%add3A_42] : memref<323584xi32, #tpu.memory_space<hbm>> -> memref<128xi32, #tpu.memory_space<hbm>>
        %dma_wait3A_242 = tpu.memref_slice %arg6[%add3A_42] : memref<323584xi32, #tpu.memory_space<hbm>> -> memref<128xi32, #tpu.memory_space<hbm>>
        tpu.wait_dma2 semaphore(%run_scoped3A : memref<!tpu.dma_semaphore, #tpu.memory_space<semaphore_mem>>) src(%dma_wait3A_242 : memref<128xi32, #tpu.memory_space<hbm>>) dst(%arg12 : memref<128xi32, #tpu.memory_space<vmem>>)
        tpu.yield
      }) : () -> ()
      "tpu.region"() ({
        %run_scoped3A = tpu.sem_alloc : memref<!tpu.dma_semaphore, #tpu.memory_space<semaphore_mem>>
        %dma_start3A_239 = tpu.memref_slice %arg7[%add3A_42] : memref<323584xi32, #tpu.memory_space<hbm>> -> memref<128xi32, #tpu.memory_space<hbm>>
        %dma_start3A_240 = tpu.memref_slice %arg7[%add3A_42] : memref<323584xi32, #tpu.memory_space<hbm>> -> memref<128xi32, #tpu.memory_space<hbm>>
        tpu.enqueue_dma source(%dma_start3A_240 : memref<128xi32, #tpu.memory_space<hbm>>) target(%arg13 : memref<128xi32, #tpu.memory_space<vmem>>) target_semaphore(%run_scoped3A : memref<!tpu.dma_semaphore, #tpu.memory_space<semaphore_mem>>)
        %dma_wait3A_241 = tpu.memref_slice %arg7[%add3A_42] : memref<323584xi32, #tpu.memory_space<hbm>> -> memref<128xi32, #tpu.memory_space<hbm>>
        %dma_wait3A_242 = tpu.memref_slice %arg7[%add3A_42] : memref<323584xi32, #tpu.memory_space<hbm>> -> memref<128xi32, #tpu.memory_space<hbm>>
        tpu.wait_dma2 semaphore(%run_scoped3A : memref<!tpu.dma_semaphore, #tpu.memory_space<semaphore_mem>>) src(%dma_wait3A_242 : memref<128xi32, #tpu.memory_space<hbm>>) dst(%arg13 : memref<128xi32, #tpu.memory_space<vmem>>)
        tpu.yield
      }) : () -> ()
      %get3A = arith.constant 0 : index
      %get3A_43 = tpu.vector_load %arg12[%get3A] {strides = array<i32>} : memref<128xi32, #tpu.memory_space<vmem>>, vector<16xi32>,
      %get3A_44 = arith.constant 0 : index
      %get3A_45 = tpu.vector_load %arg13[%get3A_44] {strides = array<i32>} : memref<128xi32, #tpu.memory_space<vmem>>, vector<16xi32>,
      %gather3A = tpu.vector_load_idx %arg9[%get3A_43] : memref<10240xf32, #tpu.memory_space<vmem>>[vector<16xi32>], vector<16xf32>,
      %gather3A_46 = tpu.vector_load_idx %arg10[%get3A_45] : memref<10240xf32, #tpu.memory_space<vmem>>[vector<16xi32>], vector<16xf32>,
      %gather3A_47 = tpu.vector_load_idx %arg11[%get3A_43] : memref<10240xf32, #tpu.memory_space<vmem>>[vector<16xi32>], vector<16xf32>,
      %gather3A_48 = tpu.vector_load_idx %arg11[%get3A_45] : memref<10240xf32, #tpu.memory_space<vmem>>[vector<16xi32>], vector<16xf32>,
      %add3A_49 = arith.addf %gather3A, %gather3A_46 : vector<16xf32>
      %add3A_50 = arith.addf %add3A_49, %add3A_49 : vector<16xf32>
      %exp3A = math.exp %add3A_50 : vector<16xf32>
      %add3A_51 = arith.constant 1.000000e+00 : f32
      %add3A_52 = vector.broadcast %add3A_51 : f32 to vector<16xf32>
      %add3A_53 = arith.addf %exp3A, %add3A_52 : vector<16xf32>
      %div3A = arith.constant 2.000000e+00 : f32
      %div3A_54 = vector.broadcast %div3A : f32 to vector<16xf32>
      %div3A_55 = arith.divf %div3A_54, %add3A_53 : vector<16xf32>
      %sub3A = arith.constant 1.000000e+00 : f32
      %sub3A_56 = vector.broadcast %sub3A : f32 to vector<16xf32>
      %sub3A_57 = arith.subf %sub3A_56, %div3A_55 : vector<16xf32>
      %mul3A_58 = arith.mulf %sub3A_57, %gather3A_47 : vector<16xf32>
      %mul3A_59 = arith.mulf %mul3A_58, %gather3A_48 : vector<16xf32>
      %swap3A = arith.constant 0 : index
      %swap3A_60 = tpu.vector_load %arg14[%swap3A] {strides = array<i32>} : memref<128xf32, #tpu.memory_space<vmem>>, vector<16xf32>,
      tpu.vector_store %arg14[%swap3A], %mul3A_59 {strides = array<i32>} : memref<128xf32, #tpu.memory_space<vmem>>, vector<16xf32>,
      %get3A_61 = arith.constant 16 : index
      %get3A_62 = tpu.vector_load %arg12[%get3A_61] {strides = array<i32>} : memref<128xi32, #tpu.memory_space<vmem>>, vector<16xi32>,
      %get3A_63 = arith.constant 16 : index
      %get3A_64 = tpu.vector_load %arg13[%get3A_63] {strides = array<i32>} : memref<128xi32, #tpu.memory_space<vmem>>, vector<16xi32>,
      %gather3A_65 = tpu.vector_load_idx %arg9[%get3A_62] : memref<10240xf32, #tpu.memory_space<vmem>>[vector<16xi32>], vector<16xf32>,
      %gather3A_66 = tpu.vector_load_idx %arg10[%get3A_64] : memref<10240xf32, #tpu.memory_space<vmem>>[vector<16xi32>], vector<16xf32>,
      %gather3A_67 = tpu.vector_load_idx %arg11[%get3A_62] : memref<10240xf32, #tpu.memory_space<vmem>>[vector<16xi32>], vector<16xf32>,
      %gather3A_68 = tpu.vector_load_idx %arg11[%get3A_64] : memref<10240xf32, #tpu.memory_space<vmem>>[vector<16xi32>], vector<16xf32>,
      %add3A_69 = arith.addf %gather3A_65, %gather3A_66 : vector<16xf32>
      %add3A_70 = arith.addf %add3A_69, %add3A_69 : vector<16xf32>
      %exp3A_71 = math.exp %add3A_70 : vector<16xf32>
      %add3A_72 = arith.constant 1.000000e+00 : f32
      %add3A_73 = vector.broadcast %add3A_72 : f32 to vector<16xf32>
      %add3A_74 = arith.addf %exp3A_71, %add3A_73 : vector<16xf32>
      %div3A_75 = arith.constant 2.000000e+00 : f32
      %div3A_76 = vector.broadcast %div3A_75 : f32 to vector<16xf32>
      %div3A_77 = arith.divf %div3A_76, %add3A_74 : vector<16xf32>
      %sub3A_78 = arith.constant 1.000000e+00 : f32
      %sub3A_79 = vector.broadcast %sub3A_78 : f32 to vector<16xf32>
      %sub3A_80 = arith.subf %sub3A_79, %div3A_77 : vector<16xf32>
      %mul3A_81 = arith.mulf %sub3A_80, %gather3A_67 : vector<16xf32>
      %mul3A_82 = arith.mulf %mul3A_81, %gather3A_68 : vector<16xf32>
      %swap3A_83 = arith.constant 16 : index
      %swap3A_84 = tpu.vector_load %arg14[%swap3A_83] {strides = array<i32>} : memref<128xf32, #tpu.memory_space<vmem>>, vector<16xf32>,
      tpu.vector_store %arg14[%swap3A_83], %mul3A_82 {strides = array<i32>} : memref<128xf32, #tpu.memory_space<vmem>>, vector<16xf32>,
      %get3A_85 = arith.constant 32 : index
      %get3A_86 = tpu.vector_load %arg12[%get3A_85] {strides = array<i32>} : memref<128xi32, #tpu.memory_space<vmem>>, vector<16xi32>,
      %get3A_87 = arith.constant 32 : index
      %get3A_88 = tpu.vector_load %arg13[%get3A_87] {strides = array<i32>} : memref<128xi32, #tpu.memory_space<vmem>>, vector<16xi32>,
      %gather3A_89 = tpu.vector_load_idx %arg9[%get3A_86] : memref<10240xf32, #tpu.memory_space<vmem>>[vector<16xi32>], vector<16xf32>,
      %gather3A_90 = tpu.vector_load_idx %arg10[%get3A_88] : memref<10240xf32, #tpu.memory_space<vmem>>[vector<16xi32>], vector<16xf32>,
      %gather3A_91 = tpu.vector_load_idx %arg11[%get3A_86] : memref<10240xf32, #tpu.memory_space<vmem>>[vector<16xi32>], vector<16xf32>,
      %gather3A_92 = tpu.vector_load_idx %arg11[%get3A_88] : memref<10240xf32, #tpu.memory_space<vmem>>[vector<16xi32>], vector<16xf32>,
      %add3A_93 = arith.addf %gather3A_89, %gather3A_90 : vector<16xf32>
      %add3A_94 = arith.addf %add3A_93, %add3A_93 : vector<16xf32>
      %exp3A_95 = math.exp %add3A_94 : vector<16xf32>
      %add3A_96 = arith.constant 1.000000e+00 : f32
      %add3A_97 = vector.broadcast %add3A_96 : f32 to vector<16xf32>
      %add3A_98 = arith.addf %exp3A_95, %add3A_97 : vector<16xf32>
      %div3A_99 = arith.constant 2.000000e+00 : f32
      %div3A_100 = vector.broadcast %div3A_99 : f32 to vector<16xf32>
      %div3A_101 = arith.divf %div3A_100, %add3A_98 : vector<16xf32>
      %sub3A_102 = arith.constant 1.000000e+00 : f32
      %sub3A_103 = vector.broadcast %sub3A_102 : f32 to vector<16xf32>
      %sub3A_104 = arith.subf %sub3A_103, %div3A_101 : vector<16xf32>
      %mul3A_105 = arith.mulf %sub3A_104, %gather3A_91 : vector<16xf32>
      %mul3A_106 = arith.mulf %mul3A_105, %gather3A_92 : vector<16xf32>
      %swap3A_107 = arith.constant 32 : index
      %swap3A_108 = tpu.vector_load %arg14[%swap3A_107] {strides = array<i32>} : memref<128xf32, #tpu.memory_space<vmem>>, vector<16xf32>,
      tpu.vector_store %arg14[%swap3A_107], %mul3A_106 {strides = array<i32>} : memref<128xf32, #tpu.memory_space<vmem>>, vector<16xf32>,
      %get3A_109 = arith.constant 48 : index
      %get3A_110 = tpu.vector_load %arg12[%get3A_109] {strides = array<i32>} : memref<128xi32, #tpu.memory_space<vmem>>, vector<16xi32>,
      %get3A_111 = arith.constant 48 : index
      %get3A_112 = tpu.vector_load %arg13[%get3A_111] {strides = array<i32>} : memref<128xi32, #tpu.memory_space<vmem>>, vector<16xi32>,
      %gather3A_113 = tpu.vector_load_idx %arg9[%get3A_110] : memref<10240xf32, #tpu.memory_space<vmem>>[vector<16xi32>], vector<16xf32>,
      %gather3A_114 = tpu.vector_load_idx %arg10[%get3A_112] : memref<10240xf32, #tpu.memory_space<vmem>>[vector<16xi32>], vector<16xf32>,
      %gather3A_115 = tpu.vector_load_idx %arg11[%get3A_110] : memref<10240xf32, #tpu.memory_space<vmem>>[vector<16xi32>], vector<16xf32>,
      %gather3A_116 = tpu.vector_load_idx %arg11[%get3A_112] : memref<10240xf32, #tpu.memory_space<vmem>>[vector<16xi32>], vector<16xf32>,
      %add3A_117 = arith.addf %gather3A_113, %gather3A_114 : vector<16xf32>
      %add3A_118 = arith.addf %add3A_117, %add3A_117 : vector<16xf32>
      %exp3A_119 = math.exp %add3A_118 : vector<16xf32>
      %add3A_120 = arith.constant 1.000000e+00 : f32
      %add3A_121 = vector.broadcast %add3A_120 : f32 to vector<16xf32>
      %add3A_122 = arith.addf %exp3A_119, %add3A_121 : vector<16xf32>
      %div3A_123 = arith.constant 2.000000e+00 : f32
      %div3A_124 = vector.broadcast %div3A_123 : f32 to vector<16xf32>
      %div3A_125 = arith.divf %div3A_124, %add3A_122 : vector<16xf32>
      %sub3A_126 = arith.constant 1.000000e+00 : f32
      %sub3A_127 = vector.broadcast %sub3A_126 : f32 to vector<16xf32>
      %sub3A_128 = arith.subf %sub3A_127, %div3A_125 : vector<16xf32>
      %mul3A_129 = arith.mulf %sub3A_128, %gather3A_115 : vector<16xf32>
      %mul3A_130 = arith.mulf %mul3A_129, %gather3A_116 : vector<16xf32>
      %swap3A_131 = arith.constant 48 : index
      %swap3A_132 = tpu.vector_load %arg14[%swap3A_131] {strides = array<i32>} : memref<128xf32, #tpu.memory_space<vmem>>, vector<16xf32>,
      tpu.vector_store %arg14[%swap3A_131], %mul3A_130 {strides = array<i32>} : memref<128xf32, #tpu.memory_space<vmem>>, vector<16xf32>,
      %get3A_133 = arith.constant 64 : index
      %get3A_134 = tpu.vector_load %arg12[%get3A_133] {strides = array<i32>} : memref<128xi32, #tpu.memory_space<vmem>>, vector<16xi32>,
      %get3A_135 = arith.constant 64 : index
      %get3A_136 = tpu.vector_load %arg13[%get3A_135] {strides = array<i32>} : memref<128xi32, #tpu.memory_space<vmem>>, vector<16xi32>,
      %gather3A_137 = tpu.vector_load_idx %arg9[%get3A_134] : memref<10240xf32, #tpu.memory_space<vmem>>[vector<16xi32>], vector<16xf32>,
      %gather3A_138 = tpu.vector_load_idx %arg10[%get3A_136] : memref<10240xf32, #tpu.memory_space<vmem>>[vector<16xi32>], vector<16xf32>,
      %gather3A_139 = tpu.vector_load_idx %arg11[%get3A_134] : memref<10240xf32, #tpu.memory_space<vmem>>[vector<16xi32>], vector<16xf32>,
      %gather3A_140 = tpu.vector_load_idx %arg11[%get3A_136] : memref<10240xf32, #tpu.memory_space<vmem>>[vector<16xi32>], vector<16xf32>,
      %add3A_141 = arith.addf %gather3A_137, %gather3A_138 : vector<16xf32>
      %add3A_142 = arith.addf %add3A_141, %add3A_141 : vector<16xf32>
      %exp3A_143 = math.exp %add3A_142 : vector<16xf32>
      %add3A_144 = arith.constant 1.000000e+00 : f32
      %add3A_145 = vector.broadcast %add3A_144 : f32 to vector<16xf32>
      %add3A_146 = arith.addf %exp3A_143, %add3A_145 : vector<16xf32>
      %div3A_147 = arith.constant 2.000000e+00 : f32
      %div3A_148 = vector.broadcast %div3A_147 : f32 to vector<16xf32>
      %div3A_149 = arith.divf %div3A_148, %add3A_146 : vector<16xf32>
      %sub3A_150 = arith.constant 1.000000e+00 : f32
      %sub3A_151 = vector.broadcast %sub3A_150 : f32 to vector<16xf32>
      %sub3A_152 = arith.subf %sub3A_151, %div3A_149 : vector<16xf32>
      %mul3A_153 = arith.mulf %sub3A_152, %gather3A_139 : vector<16xf32>
      %mul3A_154 = arith.mulf %mul3A_153, %gather3A_140 : vector<16xf32>
      %swap3A_155 = arith.constant 64 : index
      %swap3A_156 = tpu.vector_load %arg14[%swap3A_155] {strides = array<i32>} : memref<128xf32, #tpu.memory_space<vmem>>, vector<16xf32>,
      tpu.vector_store %arg14[%swap3A_155], %mul3A_154 {strides = array<i32>} : memref<128xf32, #tpu.memory_space<vmem>>, vector<16xf32>,
      %get3A_157 = arith.constant 80 : index
      %get3A_158 = tpu.vector_load %arg12[%get3A_157] {strides = array<i32>} : memref<128xi32, #tpu.memory_space<vmem>>, vector<16xi32>,
      %get3A_159 = arith.constant 80 : index
      %get3A_160 = tpu.vector_load %arg13[%get3A_159] {strides = array<i32>} : memref<128xi32, #tpu.memory_space<vmem>>, vector<16xi32>,
      %gather3A_161 = tpu.vector_load_idx %arg9[%get3A_158] : memref<10240xf32, #tpu.memory_space<vmem>>[vector<16xi32>], vector<16xf32>,
      %gather3A_162 = tpu.vector_load_idx %arg10[%get3A_160] : memref<10240xf32, #tpu.memory_space<vmem>>[vector<16xi32>], vector<16xf32>,
      %gather3A_163 = tpu.vector_load_idx %arg11[%get3A_158] : memref<10240xf32, #tpu.memory_space<vmem>>[vector<16xi32>], vector<16xf32>,
      %gather3A_164 = tpu.vector_load_idx %arg11[%get3A_160] : memref<10240xf32, #tpu.memory_space<vmem>>[vector<16xi32>], vector<16xf32>,
      %add3A_165 = arith.addf %gather3A_161, %gather3A_162 : vector<16xf32>
      %add3A_166 = arith.addf %add3A_165, %add3A_165 : vector<16xf32>
      %exp3A_167 = math.exp %add3A_166 : vector<16xf32>
      %add3A_168 = arith.constant 1.000000e+00 : f32
      %add3A_169 = vector.broadcast %add3A_168 : f32 to vector<16xf32>
      %add3A_170 = arith.addf %exp3A_167, %add3A_169 : vector<16xf32>
      %div3A_171 = arith.constant 2.000000e+00 : f32
      %div3A_172 = vector.broadcast %div3A_171 : f32 to vector<16xf32>
      %div3A_173 = arith.divf %div3A_172, %add3A_170 : vector<16xf32>
      %sub3A_174 = arith.constant 1.000000e+00 : f32
      %sub3A_175 = vector.broadcast %sub3A_174 : f32 to vector<16xf32>
      %sub3A_176 = arith.subf %sub3A_175, %div3A_173 : vector<16xf32>
      %mul3A_177 = arith.mulf %sub3A_176, %gather3A_163 : vector<16xf32>
      %mul3A_178 = arith.mulf %mul3A_177, %gather3A_164 : vector<16xf32>
      %swap3A_179 = arith.constant 80 : index
      %swap3A_180 = tpu.vector_load %arg14[%swap3A_179] {strides = array<i32>} : memref<128xf32, #tpu.memory_space<vmem>>, vector<16xf32>,
      tpu.vector_store %arg14[%swap3A_179], %mul3A_178 {strides = array<i32>} : memref<128xf32, #tpu.memory_space<vmem>>, vector<16xf32>,
      %get3A_181 = arith.constant 96 : index
      %get3A_182 = tpu.vector_load %arg12[%get3A_181] {strides = array<i32>} : memref<128xi32, #tpu.memory_space<vmem>>, vector<16xi32>,
      %get3A_183 = arith.constant 96 : index
      %get3A_184 = tpu.vector_load %arg13[%get3A_183] {strides = array<i32>} : memref<128xi32, #tpu.memory_space<vmem>>, vector<16xi32>,
      %gather3A_185 = tpu.vector_load_idx %arg9[%get3A_182] : memref<10240xf32, #tpu.memory_space<vmem>>[vector<16xi32>], vector<16xf32>,
      %gather3A_186 = tpu.vector_load_idx %arg10[%get3A_184] : memref<10240xf32, #tpu.memory_space<vmem>>[vector<16xi32>], vector<16xf32>,
      %gather3A_187 = tpu.vector_load_idx %arg11[%get3A_182] : memref<10240xf32, #tpu.memory_space<vmem>>[vector<16xi32>], vector<16xf32>,
      %gather3A_188 = tpu.vector_load_idx %arg11[%get3A_184] : memref<10240xf32, #tpu.memory_space<vmem>>[vector<16xi32>], vector<16xf32>,
      %add3A_189 = arith.addf %gather3A_185, %gather3A_186 : vector<16xf32>
      %add3A_190 = arith.addf %add3A_189, %add3A_189 : vector<16xf32>
      %exp3A_191 = math.exp %add3A_190 : vector<16xf32>
      %add3A_192 = arith.constant 1.000000e+00 : f32
      %add3A_193 = vector.broadcast %add3A_192 : f32 to vector<16xf32>
      %add3A_194 = arith.addf %exp3A_191, %add3A_193 : vector<16xf32>
      %div3A_195 = arith.constant 2.000000e+00 : f32
      %div3A_196 = vector.broadcast %div3A_195 : f32 to vector<16xf32>
      %div3A_197 = arith.divf %div3A_196, %add3A_194 : vector<16xf32>
      %sub3A_198 = arith.constant 1.000000e+00 : f32
      %sub3A_199 = vector.broadcast %sub3A_198 : f32 to vector<16xf32>
      %sub3A_200 = arith.subf %sub3A_199, %div3A_197 : vector<16xf32>
      %mul3A_201 = arith.mulf %sub3A_200, %gather3A_187 : vector<16xf32>
      %mul3A_202 = arith.mulf %mul3A_201, %gather3A_188 : vector<16xf32>
      %swap3A_203 = arith.constant 96 : index
      %swap3A_204 = tpu.vector_load %arg14[%swap3A_203] {strides = array<i32>} : memref<128xf32, #tpu.memory_space<vmem>>, vector<16xf32>,
      tpu.vector_store %arg14[%swap3A_203], %mul3A_202 {strides = array<i32>} : memref<128xf32, #tpu.memory_space<vmem>>, vector<16xf32>,
      %get3A_205 = arith.constant 112 : index
      %get3A_206 = tpu.vector_load %arg12[%get3A_205] {strides = array<i32>} : memref<128xi32, #tpu.memory_space<vmem>>, vector<16xi32>,
      %get3A_207 = arith.constant 112 : index
      %get3A_208 = tpu.vector_load %arg13[%get3A_207] {strides = array<i32>} : memref<128xi32, #tpu.memory_space<vmem>>, vector<16xi32>,
      %gather3A_209 = tpu.vector_load_idx %arg9[%get3A_206] : memref<10240xf32, #tpu.memory_space<vmem>>[vector<16xi32>], vector<16xf32>,
      %gather3A_210 = tpu.vector_load_idx %arg10[%get3A_208] : memref<10240xf32, #tpu.memory_space<vmem>>[vector<16xi32>], vector<16xf32>,
      %gather3A_211 = tpu.vector_load_idx %arg11[%get3A_206] : memref<10240xf32, #tpu.memory_space<vmem>>[vector<16xi32>], vector<16xf32>,
      %gather3A_212 = tpu.vector_load_idx %arg11[%get3A_208] : memref<10240xf32, #tpu.memory_space<vmem>>[vector<16xi32>], vector<16xf32>,
      %add3A_213 = arith.addf %gather3A_209, %gather3A_210 : vector<16xf32>
      %add3A_214 = arith.addf %add3A_213, %add3A_213 : vector<16xf32>
      %exp3A_215 = math.exp %add3A_214 : vector<16xf32>
      %add3A_216 = arith.constant 1.000000e+00 : f32
      %add3A_217 = vector.broadcast %add3A_216 : f32 to vector<16xf32>
      %add3A_218 = arith.addf %exp3A_215, %add3A_217 : vector<16xf32>
      %div3A_219 = arith.constant 2.000000e+00 : f32
      %div3A_220 = vector.broadcast %div3A_219 : f32 to vector<16xf32>
      %div3A_221 = arith.divf %div3A_220, %add3A_218 : vector<16xf32>
      %sub3A_222 = arith.constant 1.000000e+00 : f32
      %sub3A_223 = vector.broadcast %sub3A_222 : f32 to vector<16xf32>
      %sub3A_224 = arith.subf %sub3A_223, %div3A_221 : vector<16xf32>
      %mul3A_225 = arith.mulf %sub3A_224, %gather3A_211 : vector<16xf32>
      %mul3A_226 = arith.mulf %mul3A_225, %gather3A_212 : vector<16xf32>
      %swap3A_227 = arith.constant 112 : index
      %swap3A_228 = tpu.vector_load %arg14[%swap3A_227] {strides = array<i32>} : memref<128xf32, #tpu.memory_space<vmem>>, vector<16xf32>,
      tpu.vector_store %arg14[%swap3A_227], %mul3A_226 {strides = array<i32>} : memref<128xf32, #tpu.memory_space<vmem>>, vector<16xf32>,
      %dma_start3A = arith.constant 0 : i32
      %dma_start3A_229 = arith.constant 0 : i32
      %dma_start3A_230 = tpu.memref_slice %arg2[%dma_start3A, %dma_start3A_229] : memref<10240x64xf32, #tpu.memory_space<hbm>> -> memref<10240x64xf32, #tpu.memory_space<hbm>>
      tpu.enqueue_indirect_dma source(%dma_start3A_230 : memref<10240x64xf32, #tpu.memory_space<hbm>>) target(%arg15 : memref<128x64xf32, #tpu.memory_space<vmem>>) offsets(%arg12 : memref<128xi32, #tpu.memory_space<vmem>>) semaphore(%arg17 : memref<!tpu.dma_semaphore, #tpu.memory_space<semaphore_mem>>)
      %dma_wait3A = arith.constant 0 : i32
      %dma_wait3A_231 = arith.constant 0 : i32
      %dma_wait3A_232 = tpu.memref_slice %arg2[%dma_wait3A, %dma_wait3A_231] : memref<10240x64xf32, #tpu.memory_space<hbm>> -> memref<10240x64xf32, #tpu.memory_space<hbm>>
      tpu.wait_indirect_dma semaphore(%arg17 : memref<!tpu.dma_semaphore, #tpu.memory_space<semaphore_mem>>) src(%dma_wait3A_232 : memref<10240x64xf32, #tpu.memory_space<hbm>>) dst(%arg15 : memref<128x64xf32, #tpu.memory_space<vmem>>)
      %scan3A_233 = arith.constant 0 : i32
      %scan3A_234 = arith.constant 0 : i32
      %scan3A_235 = arith.constant 128 : i32
      %scan3A_236 = arith.addi %scan3A_234, %scan3A_235 : i32
      %scan3A_237 = arith.constant 1 : i32
      scf.for %scan3A_239 = %scan3A_234 to %scan3A_236 step %scan3A_237  : i32 {
        %broadcast_in_dim3A = vector.broadcast %scan3A_239 : i32 to vector<16xi32>
        %gather3A_240 = tpu.vector_load_idx %arg14[%broadcast_in_dim3A] : memref<128xf32, #tpu.memory_space<vmem>>[vector<16xi32>], vector<16xf32>,
        %get3A_241 = arith.constant 0 : i32
        %get3A_242 = tpu.memref_slice %arg15[%scan3A_239, %get3A_241] : memref<128x64xf32, #tpu.memory_space<vmem>> -> memref<1x64xf32, #tpu.memory_space<vmem>>
        %get3A_243 = tpu.memref_squeeze %get3A_242 : memref<1x64xf32, #tpu.memory_space<vmem>> -> memref<64xf32, #tpu.memory_space<vmem>>
        %get3A_244 = arith.constant 0 : index
        %get3A_245 = tpu.vector_load %get3A_243[%get3A_244] {strides = array<i32>} : memref<64xf32, #tpu.memory_space<vmem>>, vector<16xf32>,
        %mul3A_246 = arith.mulf %get3A_245, %gather3A_240 : vector<16xf32>
        %swap3A_247 = arith.constant 0 : i32
        %swap3A_248 = tpu.memref_slice %arg15[%scan3A_239, %swap3A_247] : memref<128x64xf32, #tpu.memory_space<vmem>> -> memref<1x64xf32, #tpu.memory_space<vmem>>
        %swap3A_249 = tpu.memref_squeeze %swap3A_248 : memref<1x64xf32, #tpu.memory_space<vmem>> -> memref<64xf32, #tpu.memory_space<vmem>>
        %swap3A_250 = arith.constant 0 : index
        %swap3A_251 = tpu.vector_load %swap3A_249[%swap3A_250] {strides = array<i32>} : memref<64xf32, #tpu.memory_space<vmem>>, vector<16xf32>,
        tpu.vector_store %swap3A_249[%swap3A_250], %mul3A_246 {strides = array<i32>} : memref<64xf32, #tpu.memory_space<vmem>>, vector<16xf32>,
        %get3A_252 = arith.constant 0 : i32
        %get3A_253 = tpu.memref_slice %arg15[%scan3A_239, %get3A_252] : memref<128x64xf32, #tpu.memory_space<vmem>> -> memref<1x64xf32, #tpu.memory_space<vmem>>
        %get3A_254 = tpu.memref_squeeze %get3A_253 : memref<1x64xf32, #tpu.memory_space<vmem>> -> memref<64xf32, #tpu.memory_space<vmem>>
        %get3A_255 = arith.constant 16 : index
        %get3A_256 = tpu.vector_load %get3A_254[%get3A_255] {strides = array<i32>} : memref<64xf32, #tpu.memory_space<vmem>>, vector<16xf32>,
        %mul3A_257 = arith.mulf %get3A_256, %gather3A_240 : vector<16xf32>
        %swap3A_258 = arith.constant 0 : i32
        %swap3A_259 = tpu.memref_slice %arg15[%scan3A_239, %swap3A_258] : memref<128x64xf32, #tpu.memory_space<vmem>> -> memref<1x64xf32, #tpu.memory_space<vmem>>
        %swap3A_260 = tpu.memref_squeeze %swap3A_259 : memref<1x64xf32, #tpu.memory_space<vmem>> -> memref<64xf32, #tpu.memory_space<vmem>>
        %swap3A_261 = arith.constant 16 : index
        %swap3A_262 = tpu.vector_load %swap3A_260[%swap3A_261] {strides = array<i32>} : memref<64xf32, #tpu.memory_space<vmem>>, vector<16xf32>,
        tpu.vector_store %swap3A_260[%swap3A_261], %mul3A_257 {strides = array<i32>} : memref<64xf32, #tpu.memory_space<vmem>>, vector<16xf32>,
        %get3A_263 = arith.constant 0 : i32
        %get3A_264 = tpu.memref_slice %arg15[%scan3A_239, %get3A_263] : memref<128x64xf32, #tpu.memory_space<vmem>> -> memref<1x64xf32, #tpu.memory_space<vmem>>
        %get3A_265 = tpu.memref_squeeze %get3A_264 : memref<1x64xf32, #tpu.memory_space<vmem>> -> memref<64xf32, #tpu.memory_space<vmem>>
        %get3A_266 = arith.constant 32 : index
        %get3A_267 = tpu.vector_load %get3A_265[%get3A_266] {strides = array<i32>} : memref<64xf32, #tpu.memory_space<vmem>>, vector<16xf32>,
        %mul3A_268 = arith.mulf %get3A_267, %gather3A_240 : vector<16xf32>
        %swap3A_269 = arith.constant 0 : i32
        %swap3A_270 = tpu.memref_slice %arg15[%scan3A_239, %swap3A_269] : memref<128x64xf32, #tpu.memory_space<vmem>> -> memref<1x64xf32, #tpu.memory_space<vmem>>
        %swap3A_271 = tpu.memref_squeeze %swap3A_270 : memref<1x64xf32, #tpu.memory_space<vmem>> -> memref<64xf32, #tpu.memory_space<vmem>>
        %swap3A_272 = arith.constant 32 : index
        %swap3A_273 = tpu.vector_load %swap3A_271[%swap3A_272] {strides = array<i32>} : memref<64xf32, #tpu.memory_space<vmem>>, vector<16xf32>,
        tpu.vector_store %swap3A_271[%swap3A_272], %mul3A_268 {strides = array<i32>} : memref<64xf32, #tpu.memory_space<vmem>>, vector<16xf32>,
        %get3A_274 = arith.constant 0 : i32
        %get3A_275 = tpu.memref_slice %arg15[%scan3A_239, %get3A_274] : memref<128x64xf32, #tpu.memory_space<vmem>> -> memref<1x64xf32, #tpu.memory_space<vmem>>
        %get3A_276 = tpu.memref_squeeze %get3A_275 : memref<1x64xf32, #tpu.memory_space<vmem>> -> memref<64xf32, #tpu.memory_space<vmem>>
        %get3A_277 = arith.constant 48 : index
        %get3A_278 = tpu.vector_load %get3A_276[%get3A_277] {strides = array<i32>} : memref<64xf32, #tpu.memory_space<vmem>>, vector<16xf32>,
        %mul3A_279 = arith.mulf %get3A_278, %gather3A_240 : vector<16xf32>
        %swap3A_280 = arith.constant 0 : i32
        %swap3A_281 = tpu.memref_slice %arg15[%scan3A_239, %swap3A_280] : memref<128x64xf32, #tpu.memory_space<vmem>> -> memref<1x64xf32, #tpu.memory_space<vmem>>
        %swap3A_282 = tpu.memref_squeeze %swap3A_281 : memref<1x64xf32, #tpu.memory_space<vmem>> -> memref<64xf32, #tpu.memory_space<vmem>>
        %swap3A_283 = arith.constant 48 : index
        %swap3A_284 = tpu.vector_load %swap3A_282[%swap3A_283] {strides = array<i32>} : memref<64xf32, #tpu.memory_space<vmem>>, vector<16xf32>,
        tpu.vector_store %swap3A_282[%swap3A_283], %mul3A_279 {strides = array<i32>} : memref<64xf32, #tpu.memory_space<vmem>>, vector<16xf32>,
      }
      %scan3A_238 = arith.constant 128 : i32
      "tpu.region"() ({
        %run_scoped3A = tpu.sem_alloc : memref<!tpu.dma_semaphore, #tpu.memory_space<semaphore_mem>>
        %dma_start3A_239 = arith.constant 0 : i32
        %dma_start3A_240 = arith.constant 0 : i32
        %dma_start3A_241 = tpu.memref_slice %arg16[%dma_start3A_239, %dma_start3A_240] : memref<10240x64xf32, #tpu.memory_space<vmem_shared>> -> memref<10240x64xf32, #tpu.memory_space<vmem_shared>>
        tpu.enqueue_indirect_dma source(%arg15 : memref<128x64xf32, #tpu.memory_space<vmem>>) target(%dma_start3A_241 : memref<10240x64xf32, #tpu.memory_space<vmem_shared>>) offsets(%arg13 : memref<128xi32, #tpu.memory_space<vmem>>) semaphore(%run_scoped3A : memref<!tpu.dma_semaphore, #tpu.memory_space<semaphore_mem>>) {add = true}
        %dma_wait3A_242 = arith.constant 0 : i32
        %dma_wait3A_243 = arith.constant 0 : i32
        %dma_wait3A_244 = tpu.memref_slice %arg16[%dma_wait3A_242, %dma_wait3A_243] : memref<10240x64xf32, #tpu.memory_space<vmem_shared>> -> memref<10240x64xf32, #tpu.memory_space<vmem_shared>>
        tpu.wait_indirect_dma semaphore(%run_scoped3A : memref<!tpu.dma_semaphore, #tpu.memory_space<semaphore_mem>>) src(%arg15 : memref<128x64xf32, #tpu.memory_space<vmem>>) dst(%dma_wait3A_244 : memref<10240x64xf32, #tpu.memory_space<vmem_shared>>)
        tpu.yield
      }) : () -> ()
    }
    %scan3A_33 = arith.constant 79 : i32
    %barrier3A_34 = arith.constant 0 : index
    tpu.barrier barrier_id(%barrier3A_34)
    %mul3A_35 = arith.constant 640 : i32
    %mul3A_36 = arith.muli %arg1, %mul3A_35 : i32
    %mul3A_37 = arith.constant 640 : i32
    %mul3A_38 = arith.muli %arg1, %mul3A_37 : i32
    "tpu.region"() ({
      %run_scoped3A = tpu.sem_alloc : memref<!tpu.dma_semaphore, #tpu.memory_space<semaphore_mem>>
      %dma_start3A = arith.constant 0 : i32
      %dma_start3A_39 = tpu.memref_slice %arg8[%arg0, %mul3A_38, %dma_start3A] : memref<2x10240x64xf32, #tpu.memory_space<hbm>> -> memref<1x640x64xf32, #tpu.memory_space<hbm>>
      %dma_start3A_40 = tpu.memref_squeeze %dma_start3A_39 : memref<1x640x64xf32, #tpu.memory_space<hbm>> -> memref<640x64xf32, #tpu.memory_space<hbm>>
      %dma_start3A_41 = arith.constant 0 : i32
      %dma_start3A_42 = tpu.memref_slice %arg16[%mul3A_36, %dma_start3A_41] : memref<10240x64xf32, #tpu.memory_space<vmem_shared>> -> memref<640x64xf32, #tpu.memory_space<vmem_shared>>
      tpu.enqueue_dma source(%dma_start3A_42 : memref<640x64xf32, #tpu.memory_space<vmem_shared>>) target(%dma_start3A_40 : memref<640x64xf32, #tpu.memory_space<hbm>>) target_semaphore(%run_scoped3A : memref<!tpu.dma_semaphore, #tpu.memory_space<semaphore_mem>>)
      %dma_wait3A = arith.constant 0 : i32
      %dma_wait3A_43 = tpu.memref_slice %arg8[%arg0, %mul3A_38, %dma_wait3A] : memref<2x10240x64xf32, #tpu.memory_space<hbm>> -> memref<1x640x64xf32, #tpu.memory_space<hbm>>
      %dma_wait3A_44 = tpu.memref_squeeze %dma_wait3A_43 : memref<1x640x64xf32, #tpu.memory_space<hbm>> -> memref<640x64xf32, #tpu.memory_space<hbm>>
      %dma_wait3A_45 = arith.constant 0 : i32
      %dma_wait3A_46 = tpu.memref_slice %arg16[%mul3A_36, %dma_wait3A_45] : memref<10240x64xf32, #tpu.memory_space<vmem_shared>> -> memref<640x64xf32, #tpu.memory_space<vmem_shared>>
      tpu.wait_dma2 semaphore(%run_scoped3A : memref<!tpu.dma_semaphore, #tpu.memory_space<semaphore_mem>>) src(%dma_wait3A_46 : memref<640x64xf32, #tpu.memory_space<vmem_shared>>) dst(%dma_wait3A_44 : memref<640x64xf32, #tpu.memory_space<hbm>>)
      tpu.yield
    }) : () -> ()
    return
  }
}

module attributes {stable_mosaic.version = 14 : i64} {
  func.func @body(%arg0: i32, %arg1: memref<1024x128xf32, #tpu.memory_space<vmem>>, %arg2: memref<128x64xf32, #tpu.memory_space<vmem>>, %arg3: memref<1x64xf32, #tpu.memory_space<vmem>>, %arg4: memref<64x8xf32, #tpu.memory_space<vmem>>, %arg5: memref<1x8xf32, #tpu.memory_space<vmem>>, %arg6: memref<2x1024xf32, #tpu.memory_space<vmem>>, %arg7: memref<1024x64xf32, #tpu.memory_space<vmem>>, %arg8: memref<1024x8xf32, #tpu.memory_space<vmem>>, %arg9: memref<1x1024xf32, #tpu.memory_space<vmem>>) attributes {dimension_semantics = [#tpu.dimension_semantics<arbitrary>], iteration_bounds = array<i64: 10>, scalar_prefetch = 0 : i64, scratch_operands = 0 : i64, tpu.core_type = #tpu.core_type<tc>, window_params = [{transform_indices = @transform_0, window_bounds = array<i64: 1024, 128>}, {pipeline_mode = #tpu.pipeline_mode<synchronous>, transform_indices = @transform_1, window_bounds = array<i64: 128, 64>}, {pipeline_mode = #tpu.pipeline_mode<synchronous>, transform_indices = @transform_2, window_bounds = array<i64: 1, 64>}, {pipeline_mode = #tpu.pipeline_mode<synchronous>, transform_indices = @transform_3, window_bounds = array<i64: 64, 8>}, {pipeline_mode = #tpu.pipeline_mode<synchronous>, transform_indices = @transform_4, window_bounds = array<i64: 1, 8>}, {transform_indices = @transform_5, window_bounds = array<i64: 2, 1024>}, {transform_indices = @transform_6, window_bounds = array<i64: 1024, 64>}, {transform_indices = @transform_7, window_bounds = array<i64: 1024, 8>}, {transform_indices = @transform_8, window_bounds = array<i64: 1, 1024>}]} {
    %get3A = arith.constant 0 : index
    %get3A_0 = arith.constant 0 : index
    %get3A_1 = vector.load %arg1[%get3A, %get3A_0] : memref<1024x128xf32, #tpu.memory_space<vmem>>, vector<1024x128xf32>
    %get3A_2 = arith.constant 0 : index
    %get3A_3 = arith.constant 0 : index
    %get3A_4 = vector.load %arg2[%get3A_2, %get3A_3] : memref<128x64xf32, #tpu.memory_space<vmem>>, vector<128x64xf32>
    %dot_general3A = arith.constant dense<0.000000e+00> : vector<1024x64xf32>
    %dot_general3A_5 = tpu.matmul %get3A_1, %get3A_4, %dot_general3A {dimension_numbers = #tpu.dot_dimension_numbers<[1], [0], [0], [1], [0, 0, 1, 1], [], []>, transpose_lhs_hint = false} : vector<1024x128xf32>, vector<128x64xf32>, vector<1024x64xf32> -> vector<1024x64xf32>
    %get3A_6 = arith.constant 0 : index
    %get3A_7 = arith.constant 0 : index
    %get3A_8 = vector.load %arg3[%get3A_6, %get3A_7] : memref<1x64xf32, #tpu.memory_space<vmem>>, vector<1x64xf32>
    %add3A = vector.broadcast %get3A_8 : vector<1x64xf32> to vector<1024x64xf32>
    %add3A_9 = arith.addf %dot_general3A_5, %add3A : vector<1024x64xf32>
    %max3A = arith.constant 0.000000e+00 : f32
    %max3A_10 = vector.broadcast %max3A : f32 to vector<1024x64xf32>
    %max3A_11 = arith.maximumf %add3A_9, %max3A_10 : vector<1024x64xf32>
    %swap3A = arith.constant 0 : index
    %swap3A_12 = arith.constant 0 : index
    %swap3A_13 = vector.load %arg7[%swap3A, %swap3A_12] : memref<1024x64xf32, #tpu.memory_space<vmem>>, vector<1024x64xf32>
    tpu.vector_store %arg7[%swap3A, %swap3A_12], %max3A_11 {strides = array<i32>} : memref<1024x64xf32, #tpu.memory_space<vmem>>, vector<1024x64xf32>,
    %get3A_14 = arith.constant 0 : index
    %get3A_15 = arith.constant 0 : index
    %get3A_16 = vector.load %arg4[%get3A_14, %get3A_15] : memref<64x8xf32, #tpu.memory_space<vmem>>, vector<64x8xf32>
    %dot_general3A_17 = arith.constant dense<0.000000e+00> : vector<1024x8xf32>
    %dot_general3A_18 = tpu.matmul %max3A_11, %get3A_16, %dot_general3A_17 {dimension_numbers = #tpu.dot_dimension_numbers<[1], [0], [0], [1], [0, 0, 1, 1], [], []>, transpose_lhs_hint = false} : vector<1024x64xf32>, vector<64x8xf32>, vector<1024x8xf32> -> vector<1024x8xf32>
    %get3A_19 = arith.constant 0 : index
    %get3A_20 = arith.constant 0 : index
    %get3A_21 = vector.load %arg5[%get3A_19, %get3A_20] : memref<1x8xf32, #tpu.memory_space<vmem>>, vector<1x8xf32>
    %add3A_22 = vector.broadcast %get3A_21 : vector<1x8xf32> to vector<1024x8xf32>
    %add3A_23 = arith.addf %dot_general3A_18, %add3A_22 : vector<1024x8xf32>
    %swap3A_24 = arith.constant 0 : index
    %swap3A_25 = arith.constant 0 : index
    %swap3A_26 = vector.load %arg8[%swap3A_24, %swap3A_25] : memref<1024x8xf32, #tpu.memory_space<vmem>>, vector<1024x8xf32>
    tpu.vector_store %arg8[%swap3A_24, %swap3A_25], %add3A_23 {strides = array<i32>} : memref<1024x8xf32, #tpu.memory_space<vmem>>, vector<1024x8xf32>,
    %get3A_27 = arith.constant 0 : index
    %get3A_28 = arith.constant 0 : index
    %get3A_29 = vector.load %arg6[%get3A_27, %get3A_28] : memref<2x1024xf32, #tpu.memory_space<vmem>>, vector<1x1024xf32>
    %get3A_30 = arith.constant 1 : index
    %get3A_31 = arith.constant 0 : index
    %get3A_32 = vector.load %arg6[%get3A_30, %get3A_31] : memref<2x1024xf32, #tpu.memory_space<vmem>>, vector<1x1024xf32>
    %add3A_33 = arith.addf %get3A_29, %get3A_32 : vector<1x1024xf32>
    %gt3A = arith.constant 0.000000e+00 : f32
    %gt3A_34 = vector.broadcast %gt3A : f32 to vector<1x1024xf32>
    %gt3A_35 = arith.cmpf ogt, %add3A_33, %gt3A_34 : vector<1x1024xf32>
    %jit3A = arith.constant 1.000000e+00 : f32
    %broadcast_in_dim3A = vector.broadcast %jit3A : f32 to vector<1x1024xf32>
    %select_n3A = arith.select %gt3A_35, %add3A_33, %broadcast_in_dim3A : vector<1x1024xi1>, vector<1x1024xf32>
    %rsqrt3A = math.rsqrt %select_n3A : vector<1x1024xf32>
    %jit3A_36 = arith.constant 0.000000e+00 : f32
    %broadcast_in_dim3A_37 = vector.broadcast %jit3A_36 : f32 to vector<1x1024xf32>
    %select_n3A_38 = arith.select %gt3A_35, %rsqrt3A, %broadcast_in_dim3A_37 : vector<1x1024xi1>, vector<1x1024xf32>
    %swap3A_39 = arith.constant 0 : index
    %swap3A_40 = arith.constant 0 : index
    %swap3A_41 = vector.load %arg9[%swap3A_39, %swap3A_40] : memref<1x1024xf32, #tpu.memory_space<vmem>>, vector<1x1024xf32>
    tpu.vector_store %arg9[%swap3A_39, %swap3A_40], %select_n3A_38 {strides = array<i32>} : memref<1x1024xf32, #tpu.memory_space<vmem>>, vector<1x1024xf32>,
    return
  }
  func.func @transform_0(%arg0: i32) -> (i32, i32) {
    %c0_i32 = arith.constant 0 : i32
    %c0_i32_0 = arith.constant 0 : i32
    return %arg0, %c0_i32 : i32, i32
  }
  func.func @transform_1(%arg0: i32) -> (i32, i32) {
    %c0_i32 = arith.constant 0 : i32
    %c0_i32_0 = arith.constant 0 : i32
    %c0_i32_1 = arith.constant 0 : i32
    return %c0_i32, %c0_i32_0 : i32, i32
  }
  func.func @transform_2(%arg0: i32) -> (i32, i32) {
    %c0_i32 = arith.constant 0 : i32
    %c0_i32_0 = arith.constant 0 : i32
    %c0_i32_1 = arith.constant 0 : i32
    return %c0_i32, %c0_i32_0 : i32, i32
  }
  func.func @transform_3(%arg0: i32) -> (i32, i32) {
    %c0_i32 = arith.constant 0 : i32
    %c0_i32_0 = arith.constant 0 : i32
    %c0_i32_1 = arith.constant 0 : i32
    return %c0_i32, %c0_i32_0 : i32, i32
  }
  func.func @transform_4(%arg0: i32) -> (i32, i32) {
    %c0_i32 = arith.constant 0 : i32
    %c0_i32_0 = arith.constant 0 : i32
    %c0_i32_1 = arith.constant 0 : i32
    return %c0_i32, %c0_i32_0 : i32, i32
  }
  func.func @transform_5(%arg0: i32) -> (i32, i32) {
    %c0_i32 = arith.constant 0 : i32
    %c0_i32_0 = arith.constant 0 : i32
    return %c0_i32, %arg0 : i32, i32
  }
  func.func @transform_6(%arg0: i32) -> (i32, i32) {
    %c0_i32 = arith.constant 0 : i32
    %c0_i32_0 = arith.constant 0 : i32
    return %arg0, %c0_i32 : i32, i32
  }
  func.func @transform_7(%arg0: i32) -> (i32, i32) {
    %c0_i32 = arith.constant 0 : i32
    %c0_i32_0 = arith.constant 0 : i32
    return %arg0, %c0_i32 : i32, i32
  }
  func.func @transform_8(%arg0: i32) -> (i32, i32) {
    %c0_i32 = arith.constant 0 : i32
    %c0_i32_0 = arith.constant 0 : i32
    return %c0_i32, %arg0 : i32, i32
  }
}

module attributes {stable_mosaic.version = 14 : i64} {
  func.func @body(%arg0: i32, %arg1: memref<2x1024x64xf32, #tpu.memory_space<vmem>>, %arg2: memref<1024x64xf32, #tpu.memory_space<vmem>>, %arg3: memref<64x8xf32, #tpu.memory_space<vmem>>, %arg4: memref<1x8xf32, #tpu.memory_space<vmem>>, %arg5: memref<1024x64xf32, #tpu.memory_space<vmem>>, %arg6: memref<1024x8xf32, #tpu.memory_space<vmem>>) attributes {dimension_semantics = [#tpu.dimension_semantics<arbitrary>], iteration_bounds = array<i64: 10>, scalar_prefetch = 0 : i64, scratch_operands = 0 : i64, tpu.core_type = #tpu.core_type<tc>, window_params = [{transform_indices = @transform_0, window_bounds = array<i64: 2, 1024, 64>}, {transform_indices = @transform_1, window_bounds = array<i64: 1024, 64>}, {pipeline_mode = #tpu.pipeline_mode<synchronous>, transform_indices = @transform_2, window_bounds = array<i64: 64, 8>}, {pipeline_mode = #tpu.pipeline_mode<synchronous>, transform_indices = @transform_3, window_bounds = array<i64: 1, 8>}, {transform_indices = @transform_4, window_bounds = array<i64: 1024, 64>}, {transform_indices = @transform_5, window_bounds = array<i64: 1024, 8>}]} {
    %get3A = arith.constant 0 : index
    %get3A_0 = arith.constant 0 : index
    %get3A_1 = arith.constant 0 : index
    %get3A_2 = vector.load %arg1[%get3A, %get3A_0, %get3A_1] : memref<2x1024x64xf32, #tpu.memory_space<vmem>>, vector<1x1024x64xf32>
    %get3A_3 = vector.shape_cast %get3A_2 : vector<1x1024x64xf32> to vector<1024x64xf32>
    %get3A_4 = arith.constant 1 : index
    %get3A_5 = arith.constant 0 : index
    %get3A_6 = arith.constant 0 : index
    %get3A_7 = vector.load %arg1[%get3A_4, %get3A_5, %get3A_6] : memref<2x1024x64xf32, #tpu.memory_space<vmem>>, vector<1x1024x64xf32>
    %get3A_8 = vector.shape_cast %get3A_7 : vector<1x1024x64xf32> to vector<1024x64xf32>
    %add3A = arith.addf %get3A_3, %get3A_8 : vector<1024x64xf32>
    %get3A_9 = arith.constant 0 : index
    %get3A_10 = arith.constant 0 : index
    %get3A_11 = vector.load %arg2[%get3A_9, %get3A_10] : memref<1024x64xf32, #tpu.memory_space<vmem>>, vector<1024x64xf32>
    %mul3A = arith.constant 2.000000e-01 : f32
    %mul3A_12 = vector.broadcast %mul3A : f32 to vector<1024x64xf32>
    %mul3A_13 = arith.mulf %mul3A_12, %get3A_11 : vector<1024x64xf32>
    %add3A_14 = arith.addf %add3A, %mul3A_13 : vector<1024x64xf32>
    %swap3A = arith.constant 0 : index
    %swap3A_15 = arith.constant 0 : index
    %swap3A_16 = vector.load %arg5[%swap3A, %swap3A_15] : memref<1024x64xf32, #tpu.memory_space<vmem>>, vector<1024x64xf32>
    tpu.vector_store %arg5[%swap3A, %swap3A_15], %add3A_14 {strides = array<i32>} : memref<1024x64xf32, #tpu.memory_space<vmem>>, vector<1024x64xf32>,
    %get3A_17 = arith.constant 0 : index
    %get3A_18 = arith.constant 0 : index
    %get3A_19 = vector.load %arg3[%get3A_17, %get3A_18] : memref<64x8xf32, #tpu.memory_space<vmem>>, vector<64x8xf32>
    %dot_general3A = arith.constant dense<0.000000e+00> : vector<1024x8xf32>
    %dot_general3A_20 = tpu.matmul %add3A_14, %get3A_19, %dot_general3A {dimension_numbers = #tpu.dot_dimension_numbers<[1], [0], [0], [1], [0, 0, 1, 1], [], []>, transpose_lhs_hint = false} : vector<1024x64xf32>, vector<64x8xf32>, vector<1024x8xf32> -> vector<1024x8xf32>
    %get3A_21 = arith.constant 0 : index
    %get3A_22 = arith.constant 0 : index
    %get3A_23 = vector.load %arg4[%get3A_21, %get3A_22] : memref<1x8xf32, #tpu.memory_space<vmem>>, vector<1x8xf32>
    %add3A_24 = vector.broadcast %get3A_23 : vector<1x8xf32> to vector<1024x8xf32>
    %add3A_25 = arith.addf %dot_general3A_20, %add3A_24 : vector<1024x8xf32>
    %swap3A_26 = arith.constant 0 : index
    %swap3A_27 = arith.constant 0 : index
    %swap3A_28 = vector.load %arg6[%swap3A_26, %swap3A_27] : memref<1024x8xf32, #tpu.memory_space<vmem>>, vector<1024x8xf32>
    tpu.vector_store %arg6[%swap3A_26, %swap3A_27], %add3A_25 {strides = array<i32>} : memref<1024x8xf32, #tpu.memory_space<vmem>>, vector<1024x8xf32>,
    return
  }
  func.func @transform_0(%arg0: i32) -> (i32, i32, i32) {
    %c0_i32 = arith.constant 0 : i32
    %c0_i32_0 = arith.constant 0 : i32
    %c0_i32_1 = arith.constant 0 : i32
    return %c0_i32, %arg0, %c0_i32_0 : i32, i32, i32
  }
  func.func @transform_1(%arg0: i32) -> (i32, i32) {
    %c0_i32 = arith.constant 0 : i32
    %c0_i32_0 = arith.constant 0 : i32
    return %arg0, %c0_i32 : i32, i32
  }
  func.func @transform_2(%arg0: i32) -> (i32, i32) {
    %c0_i32 = arith.constant 0 : i32
    %c0_i32_0 = arith.constant 0 : i32
    %c0_i32_1 = arith.constant 0 : i32
    return %c0_i32, %c0_i32_0 : i32, i32
  }
  func.func @transform_3(%arg0: i32) -> (i32, i32) {
    %c0_i32 = arith.constant 0 : i32
    %c0_i32_0 = arith.constant 0 : i32
    %c0_i32_1 = arith.constant 0 : i32
    return %c0_i32, %c0_i32_0 : i32, i32
  }
  func.func @transform_4(%arg0: i32) -> (i32, i32) {
    %c0_i32 = arith.constant 0 : i32
    %c0_i32_0 = arith.constant 0 : i32
    return %arg0, %c0_i32 : i32, i32
  }
  func.func @transform_5(%arg0: i32) -> (i32, i32) {
    %c0_i32 = arith.constant 0 : i32
    %c0_i32_0 = arith.constant 0 : i32
    return %arg0, %c0_i32 : i32, i32
  }
}

module attributes {stable_mosaic.version = 14 : i64} {
  func.func @body(%arg0: i32, %arg1: memref<2x1024x64xf32, #tpu.memory_space<vmem>>, %arg2: memref<1024x64xf32, #tpu.memory_space<vmem>>, %arg3: memref<64x40xf32, #tpu.memory_space<vmem>>, %arg4: memref<1x40xf32, #tpu.memory_space<vmem>>, %arg5: memref<1024x40xf32, #tpu.memory_space<vmem>>, %arg6: memref<1024x40xf32, #tpu.memory_space<vmem>>) attributes {dimension_semantics = [#tpu.dimension_semantics<arbitrary>], iteration_bounds = array<i64: 10>, scalar_prefetch = 0 : i64, scratch_operands = 0 : i64, tpu.core_type = #tpu.core_type<tc>, window_params = [{transform_indices = @transform_0, window_bounds = array<i64: 2, 1024, 64>}, {transform_indices = @transform_1, window_bounds = array<i64: 1024, 64>}, {pipeline_mode = #tpu.pipeline_mode<synchronous>, transform_indices = @transform_2, window_bounds = array<i64: 64, 40>}, {pipeline_mode = #tpu.pipeline_mode<synchronous>, transform_indices = @transform_3, window_bounds = array<i64: 1, 40>}, {transform_indices = @transform_4, window_bounds = array<i64: 1024, 40>}, {transform_indices = @transform_5, window_bounds = array<i64: 1024, 40>}]} {
    %get3A = arith.constant 0 : index
    %get3A_0 = arith.constant 0 : index
    %get3A_1 = arith.constant 0 : index
    %get3A_2 = vector.load %arg1[%get3A, %get3A_0, %get3A_1] : memref<2x1024x64xf32, #tpu.memory_space<vmem>>, vector<1x1024x64xf32>
    %get3A_3 = vector.shape_cast %get3A_2 : vector<1x1024x64xf32> to vector<1024x64xf32>
    %get3A_4 = arith.constant 1 : index
    %get3A_5 = arith.constant 0 : index
    %get3A_6 = arith.constant 0 : index
    %get3A_7 = vector.load %arg1[%get3A_4, %get3A_5, %get3A_6] : memref<2x1024x64xf32, #tpu.memory_space<vmem>>, vector<1x1024x64xf32>
    %get3A_8 = vector.shape_cast %get3A_7 : vector<1x1024x64xf32> to vector<1024x64xf32>
    %add3A = arith.addf %get3A_3, %get3A_8 : vector<1024x64xf32>
    %get3A_9 = arith.constant 0 : index
    %get3A_10 = arith.constant 0 : index
    %get3A_11 = vector.load %arg2[%get3A_9, %get3A_10] : memref<1024x64xf32, #tpu.memory_space<vmem>>, vector<1024x64xf32>
    %mul3A = arith.constant 2.000000e-01 : f32
    %mul3A_12 = vector.broadcast %mul3A : f32 to vector<1024x64xf32>
    %mul3A_13 = arith.mulf %mul3A_12, %get3A_11 : vector<1024x64xf32>
    %add3A_14 = arith.addf %add3A, %mul3A_13 : vector<1024x64xf32>
    %get3A_15 = arith.constant 0 : index
    %get3A_16 = arith.constant 0 : index
    %get3A_17 = vector.load %arg3[%get3A_15, %get3A_16] : memref<64x40xf32, #tpu.memory_space<vmem>>, vector<64x40xf32>
    %dot_general3A = arith.constant dense<0.000000e+00> : vector<1024x40xf32>
    %dot_general3A_18 = tpu.matmul %add3A_14, %get3A_17, %dot_general3A {dimension_numbers = #tpu.dot_dimension_numbers<[1], [0], [0], [1], [0, 0, 1, 1], [], []>, transpose_lhs_hint = false} : vector<1024x64xf32>, vector<64x40xf32>, vector<1024x40xf32> -> vector<1024x40xf32>
    %get3A_19 = arith.constant 0 : index
    %get3A_20 = arith.constant 0 : index
    %get3A_21 = vector.load %arg4[%get3A_19, %get3A_20] : memref<1x40xf32, #tpu.memory_space<vmem>>, vector<1x40xf32>
    %add3A_22 = vector.broadcast %get3A_21 : vector<1x40xf32> to vector<1024x40xf32>
    %add3A_23 = arith.addf %dot_general3A_18, %add3A_22 : vector<1024x40xf32>
    %reduce_max3A = arith.constant dense<0xFF800000> : vector<1024xf32>
    %reduce_max3A_24 = vector.multi_reduction <maximumf>, %add3A_23, %reduce_max3A [1] : vector<1024x40xf32> to vector<1024xf32>
    %broadcast_in_dim3A = vector.shape_cast %reduce_max3A_24 : vector<1024xf32> to vector<1024x1xf32>
    %sub3A = vector.broadcast %broadcast_in_dim3A : vector<1024x1xf32> to vector<1024x40xf32>
    %sub3A_25 = arith.subf %add3A_23, %sub3A : vector<1024x40xf32>
    %exp3A = math.exp %sub3A_25 : vector<1024x40xf32>
    %reduce_sum3A = arith.constant dense<0.000000e+00> : vector<1024xf32>
    %reduce_sum3A_26 = vector.multi_reduction <add>, %exp3A, %reduce_sum3A [1] : vector<1024x40xf32> to vector<1024xf32>
    %broadcast_in_dim3A_27 = vector.shape_cast %reduce_sum3A_26 : vector<1024xf32> to vector<1024x1xf32>
    %log3A = math.log %broadcast_in_dim3A_27 : vector<1024x1xf32>
    %add3A_28 = arith.addf %log3A, %broadcast_in_dim3A : vector<1024x1xf32>
    %swap3A = arith.constant 0 : index
    %swap3A_29 = arith.constant 0 : index
    %swap3A_30 = vector.load %arg6[%swap3A, %swap3A_29] : memref<1024x40xf32, #tpu.memory_space<vmem>>, vector<1024x40xf32>
    tpu.vector_store %arg6[%swap3A, %swap3A_29], %add3A_23 {strides = array<i32>} : memref<1024x40xf32, #tpu.memory_space<vmem>>, vector<1024x40xf32>,
    %sub3A_31 = vector.broadcast %add3A_28 : vector<1024x1xf32> to vector<1024x40xf32>
    %sub3A_32 = arith.subf %add3A_23, %sub3A_31 : vector<1024x40xf32>
    %swap3A_33 = arith.constant 0 : index
    %swap3A_34 = arith.constant 0 : index
    %swap3A_35 = vector.load %arg5[%swap3A_33, %swap3A_34] : memref<1024x40xf32, #tpu.memory_space<vmem>>, vector<1024x40xf32>
    tpu.vector_store %arg5[%swap3A_33, %swap3A_34], %sub3A_32 {strides = array<i32>} : memref<1024x40xf32, #tpu.memory_space<vmem>>, vector<1024x40xf32>,
    return
  }
  func.func @transform_0(%arg0: i32) -> (i32, i32, i32) {
    %c0_i32 = arith.constant 0 : i32
    %c0_i32_0 = arith.constant 0 : i32
    %c0_i32_1 = arith.constant 0 : i32
    return %c0_i32, %arg0, %c0_i32_0 : i32, i32, i32
  }
  func.func @transform_1(%arg0: i32) -> (i32, i32) {
    %c0_i32 = arith.constant 0 : i32
    %c0_i32_0 = arith.constant 0 : i32
    return %arg0, %c0_i32 : i32, i32
  }
  func.func @transform_2(%arg0: i32) -> (i32, i32) {
    %c0_i32 = arith.constant 0 : i32
    %c0_i32_0 = arith.constant 0 : i32
    %c0_i32_1 = arith.constant 0 : i32
    return %c0_i32, %c0_i32_0 : i32, i32
  }
  func.func @transform_3(%arg0: i32) -> (i32, i32) {
    %c0_i32 = arith.constant 0 : i32
    %c0_i32_0 = arith.constant 0 : i32
    %c0_i32_1 = arith.constant 0 : i32
    return %c0_i32, %c0_i32_0 : i32, i32
  }
  func.func @transform_4(%arg0: i32) -> (i32, i32) {
    %c0_i32 = arith.constant 0 : i32
    %c0_i32_0 = arith.constant 0 : i32
    return %arg0, %c0_i32 : i32, i32
  }
  func.func @transform_5(%arg0: i32) -> (i32, i32) {
    %c0_i32 = arith.constant 0 : i32
    %c0_i32_0 = arith.constant 0 : i32
    return %arg0, %c0_i32 : i32, i32
  }
}

</mosaic_0001>

<sc_bundles>
// kernel: kernel.11.cloned.1.call-start
scs
__scs_entry_jumppad:
0x0: {  	(pc) =	sbr.rel $0x88, $3  }
0x1: {  	(tag) =	ssettag $0x0;
	lr =	simm.s32 $0x1  }
0x2: {  	[smem:$0x3F97] =	sst lr;
	_ =	strace $0xD0000000  }
0x3: {  	_ = 	snop  }
0x4: {  	_ = 	snop  }
0x5: {  	_ = 	snop  }
0x6: {  	_ = 	snop  }
0x7: {  	_ = 	snop  }
__scs_overlays_trampoline_lowered:
0x8: {  	[smem:$0x3FA6] =	sst s0  }
0x9: {  	[smem:$0x3FA7] =	sst s1  }
0xa: {  	[smem:$0x3FA8] =	sst s2  }
0xb: {  	[smem:$0x3FA9] =	sst s3  }
0xc: {  	[smem:$0x3FAA] =	sst s4  }
0xd: {  	[smem:$0x3FAB] =	sst s5  }
0xe: {  	[smem:$0x3FAC] =	sst s6  }
0xf: {  	[smem:$0x3FAD] =	sst s7  }
0x10: {  	[smem:$0x3FAE] =	sst s8  }
0x11: {  	[smem:$0x3FAF] =	sst s9;
	s0 =	simm.s32 @!p0 $0x0  }
0x12: {  	s1 =	sld [smem:$0x3F95];
	s0 =	simm.s32 @p0 $0x1  }
0x13: {  	[smem:$0x3FB0] =	sst s0;
	s0 =	simm.s32 @!p1 $0x0  }
0x14: {  	s2 =	sld [smem:$0x3F94];
	s0 =	simm.s32 @p1 $0x1  }
0x15: {  	[smem:$0x3FB1] =	sst s0;
	s0 =	simm.s32 @!p2 $0x0  }
0x16: {  	s3 =	sld [smem:$0x3FDB];
	s0 =	simm.s32 @p2 $0x1  }
0x17: {  	s4 =	simm.s32 $0x1BF5;
	[smem:$0x3FB3] =	sst s0  }
0x18: {  	s0 =	sld [smem:$0x3F96];
	_ =	swait.ge [sflag:s4], $0x0  }
0x19: {  	s7 =	sld [smem:$0x3F97]  }
0x1a: {  	s8 =	sadd.s32 $0xFFFFE003, lr  }
0x1b: {  	s9 =	sadd.s32 $0xFFFFFEF7, lr;
	s5 =	simm.s32 $0xFFFFFFFF;
	p2 =	slt.u32 s8, $0xFFFFF086  }
0x1c: {  	p1 =	slt.u32 s9, $0xF7A;
	s5 =	simm.s32 @!p2 $0x0  }
0x1d: {  	s5 =	simm.s32 @p1 $0x1;
	p0 =	seq.s32 s7, s2  }
0x1e: {  	s7 =	smul.u32 @!p0 $0xF7A, s2;
	p2 =	seq.s32 @!p0 s5, $0x0  }
0x1f: {  	s9 =	smul.u32 $0xF7A, s1;
	s8 =	simm.s32 @!p0 $0x1BF5;
	p2 =	por !p2, p0  }
0x20: {  	[sflag:s8] =	ssyncset.s32 @!p0 $0xFFFFF086;
	s6 =	sadd.s32 @!p0 s3, s7;
	s7 =	simm.s32 @!p0 $0x108  }
0x21: {  	s3 =	sadd.s32 s3, s9;
	s6 =	sadd.s32 @!p0 $0x88, s6;
	s7 =	simm.s32 @p2 $0x1082  }
0x22: {  	[simem:s7], [sflag:s8] =	dma.local @!p0 [hbm:s6], $0xF7A  }
0x23: {  	s9 =	sor.u32 $0xD0000000, s2;
	s6 =	simm.s32 $0x108;
	_ =	swait.ge @!p0 [sflag:s8], $0x0  }
0x24: {  	s3 =	sadd.s32 $0x88, s3;
	s6 =	simm.s32 @!p1 $0x1082;
	[sflag:s4] =	ssyncset.s32 $0xFFFFF086  }
0x25: {  	[simem:s6], [sflag:s4] =	dma.local [hbm:s3], $0xF7A  }
0x26: {  	[smem:$0x3F97] =	sst s1;
	(tag) =	ssettag s2;
	_ =	strace s9  }
0x27: {  	s1 =	sld [smem:$0x3FA7]  }
0x28: {  	s2 =	sld [smem:$0x3FA8]  }
0x29: {  	s4 =	sld [smem:$0x3FAA]  }
0x2a: {  	p0 =	seq.s32 s5, $0x0;
	s5 =	sld [smem:$0x3FAB]  }
0x2b: {  	s6 =	sld [smem:$0x3FAC]  }
0x2c: {  	s7 =	sld [smem:$0x3FAD]  }
0x2d: {  	s3 =	simm.s32 $0x108;
	s8 =	sld [smem:$0x3FAE]  }
0x2e: {  	s3 =	simm.s32 @!p0 $0x1082;
	s9 =	sld [smem:$0x3FAF]  }
0x2f: {  	lr =	sadd.s32 s0, s3;
	s0 =	sld [smem:$0x3FA6]  }
0x30: {  	s3 =	sld [smem:$0x3FA9]  }
0x31: {  	[smem:$0x3FB2] =	sst s10  }
0x32: {  	s10 =	sld [smem:$0x3FB0];
	_ =	sdelay $0x3  }
0x33: {  	p0 =	seq.s32 s10, $0x1;
	s10 =	sld [smem:$0x3FB2];
	_ =	sdelay $0x3  }
0x34: {  	[smem:$0x3FB2] =	sst s10  }
0x35: {  	s10 =	sld [smem:$0x3FB1];
	_ =	sdelay $0x3  }
0x36: {  	p1 =	seq.s32 s10, $0x1;
	s10 =	sld [smem:$0x3FB2];
	_ =	sdelay $0x3  }
0x37: {  	[smem:$0x3FB2] =	sst s10  }
0x38: {  	s10 =	sld [smem:$0x3FB3]  }
0x39: {  	_ = 	snop;
	(pc) =	sbr.ind lr, $3  }
0x3a: {  	_ = 	snop  }
0x3b: {  	_ = 	snop  }
0x3c: {  	p2 =	seq.s32 s10, $0x1;
	s10 =	sld [smem:$0x3FB2]  }
0x3d: {  	_ =	shalt  }
0x3e: {  	_ =	shalt  }
0x3f: {  	_ =	shalt  }
0x40: {  	_ =	shalt  }
0x41: {  	_ =	shalt  }
0x42: {  	_ =	shalt  }
0x43: {  	_ =	shalt  }
0x44: {  	_ =	shalt  }
0x45: {  	_ =	shalt  }
0x46: {  	_ =	shalt  }
0x47: {  	_ =	shalt  }
0x48: {  	_ =	shalt  }
0x49: {  	_ =	shalt  }
0x4a: {  	_ =	shalt  }
0x4b: {  	_ =	shalt  }
0x4c: {  	_ =	shalt  }
0x4d: {  	_ =	shalt  }
0x4e: {  	_ =	shalt  }
0x4f: {  	_ =	shalt  }
0x50: {  	_ =	shalt  }
0x51: {  	_ =	shalt  }
0x52: {  	_ =	shalt  }
0x53: {  	_ =	shalt  }
0x54: {  	_ =	shalt  }
0x55: {  	_ =	shalt  }
0x56: {  	_ =	shalt  }
0x57: {  	_ =	shalt  }
0x58: {  	_ =	shalt  }
0x59: {  	_ =	shalt  }
0x5a: {  	_ =	shalt  }
0x5b: {  	_ =	shalt  }
0x5c: {  	_ =	shalt  }
0x5d: {  	_ =	shalt  }
0x5e: {  	_ =	shalt  }
0x5f: {  	_ =	shalt  }
0x60: {  	_ =	shalt  }
0x61: {  	_ =	shalt  }
0x62: {  	_ =	shalt  }
0x63: {  	_ =	shalt  }
0x64: {  	_ =	shalt  }
0x65: {  	_ =	shalt  }
0x66: {  	_ =	shalt  }
0x67: {  	_ =	shalt  }
0x68: {  	_ =	shalt  }
0x69: {  	_ =	shalt  }
0x6a: {  	_ =	shalt  }
0x6b: {  	_ =	shalt  }
0x6c: {  	_ =	shalt  }
0x6d: {  	_ =	shalt  }
0x6e: {  	_ =	shalt  }
0x6f: {  	_ =	shalt  }
0x70: {  	_ =	shalt  }
0x71: {  	_ =	shalt  }
0x72: {  	_ =	shalt  }
0x73: {  	_ =	shalt  }
0x74: {  	_ =	shalt  }
0x75: {  	_ =	shalt  }
0x76: {  	_ =	shalt  }
0x77: {  	_ =	shalt  }
0x78: {  	_ =	shalt  }
0x79: {  	_ =	shalt  }
0x7a: {  	_ =	shalt  }
0x7b: {  	_ =	shalt  }
0x7c: {  	_ =	shalt  }
0x7d: {  	_ =	shalt  }
0x7e: {  	_ =	shalt  }
0x7f: {  	_ =	shalt  }
0x80: {  	_ =	shalt  }
0x81: {  	_ =	shalt  }
0x82: {  	_ =	shalt  }
0x83: {  	_ =	shalt  }
0x84: {  	_ =	shalt  }
0x85: {  	_ =	shalt  }
0x86: {  	_ =	shalt  }
0x87: {  	_ =	shalt  }
.Lfunc_end0:
.L_simem_size_0:
called_computation.1_lowered:
.L_overlay_start_0:
0x88: {  	s2 =	sld [smem:$0x3FD9]  }
0x89: {  	s3 =	sld [smem:$0x3FFE];
	_ =	sdelay $0x1  }
0x8a: {  	s1 =	srdreg.scid  }
0x8b: {  	s0 =	sand.u32 $0x1, s1  }
0x8c: {  	s14 =	sshll.u32 s0, $0xA;
	s2 =	sadd.s32 s3, s2  }
0x8d: {  	s2 =	sadd.s32 s2, s14  }
0x8e: {  	[smem:$0x3FBE] =	sst s2  }
0x8f: {  	_ = 	snop  }
0x90: {  	s2 =	sld [smem:$0x3FD0];
	_ =	sdelay $0x2  }
0x91: {  	s15 =	simm.s32 $0xA;
	s4 =	simm.s32 $0x10  }
0x92: {  	[smem:s4], [sflag:s15] =	dma.local [hbm:s2], $0x1  }
0x93: {  	_ =	swait.eq [sflag:s15], $0x1  }
0x94: {  	[sflag:s15] =	ssyncset.done $0x0  }
0x95: {  	s16 =	sld [smem:$0x10];
	[sflag:s15] =	ssyncadd.s32 $0xFFFFFFFF  }
0x96: {  	s17 =	sld [smem:$0x11];
	(tm) =	ssettm $0x1  }
0x97: {  	s18 =	sld [smem:$0x3FFB];
	_ =	sdelay $0x3  }
0x98: {  	_ =	strace s18  }
0x99: {  	s4 =	sld [smem:$0x3FFC];
	_ =	sdelay $0x3  }
0x9a: {  	_ =	strace s4  }
0x9b: {  	s4 =	sld [smem:$0x3FFD];
	_ =	sdelay $0x3  }
0x9c: {  	_ =	strace s4  }
0x9d: {  	_ =	strace $0x8FFFFFFF  }
0x9e: {  	s19 =	sld [smem:$0x3FDB];
	_ =	sdelay $0x1  }
0x9f: {  	s5 =	simm.s32 $_scs_section_size  }
0xa0: {  	s6 =	simm.s32 $_size__tile_overlayer_lowered;
	s7 =	simm.s32 $_tile_overlayer_lowered  }
0xa1: {  	s22 =	simm.s32 $0x1BFF;
	s21 =	sshll.u32 s7, $0x1;
	s4 =	sadd.s32 s5, s19  }
0xa2: {  	s8 =	simm.s32 $0x0;
	s20 =	sshll.u32 s6, $0x1;
	s6 =	sadd.s32 s21, s4  }
0xa3: {  	[timem:s8], [sflag:s22] =	dma.local [hbm:s6], s20  }
0xa4: {  	_ =	swait.ge [sflag:s22], s20  }
0xa5: {  	s5 =	ssub.s32 $0x0, s20;
	[sflag:s22] =	ssyncset.done $0x0  }
0xa6: {  	[sflag:s22] =	ssyncadd.s32 s5;
	_ =	sdelay $0x1  }
0xa7: {  	s23 =	simm.s32 $0x1B8B  }
0xa8: {  	_ =	swait.ge [sflag:s23], $0x1  }
0xa9: {  	[sflag:s23] =	ssyncset.done $0x0  }
0xaa: {  	s25 =	simm.s32 $0x1B8E;
	s24 =	sld [smem:$0x3FFE];
	[sflag:s23] =	ssyncadd.s32 $0xFFFFFFFF  }
0xab: {  	s26 =	simm.s32 $execute0_lowered;
	[smem:$0x3FD2] =	sst s25  }
0xac: {  	s6 =	sshll.u32 s26, $0x1;
	_ =	strace $0x80000049;
	[dreg:$0x1] =	wrdreg $0xFFFFFFFF  }
0xad: {  	s28 =	simm.s32 $_size_execute0_lowered;
	s4 =	sadd.s32 s4, s6;
	[dreg:$0x0] =	wrdreg $0x0  }
0xae: {  	s6 =	sshll.u32 s28, $0x1;
	[dreg:$0x2] =	wrdreg s4  }
0xaf: {  	[dreg:$0x3] =	wrdreg s6  }
0xb0: {  	[dreg:$0x4] =	wrdreg $0xC0  }
0xb1: {  	_ =	task [dreg:s8], $0x5FFFF  }
0xb2: {  	[dreg:$0x1] =	wrdreg $0xFFFFFFFF  }
0xb3: {  	[dreg:$0x0] =	wrdreg $0x60  }
0xb4: {  	[dreg:$0x2] =	wrdreg s24  }
0xb5: {  	[dreg:$0x3] =	wrdreg s17  }
0xb6: {  	[dreg:$0x4] =	wrdreg s16  }
0xb7: {  	[dreg:$0x5] =	wrdreg $0x99800  }
0xb8: {  	[dreg:$0x6] =	wrdreg $0x9  }
0xb9: {  	_ =	task.clear_ibuf [dreg:s8], $0x7FFFF;
	_ =	strace $0x90000049  }
0xba: {  	s29 =	simm.s32 $0x9;
	_ =	strace $0x8000004B  }
0xbb: {  	_ =	swait.ge [sflag:s29], $0x1  }
0xbc: {  	[sflag:s29] =	ssyncadd.s32 $0xFFFFFFFF  }
0xbd: {  	_ =	strace $0x9000004B  }
0xbe: {  	_ =	sfence  }
0xbf: {  	s30 =	sld [smem:$0x0];
	_ =	sdelay $0x2  }
0xc0: {  	s31 =	sshll.u32 s1, $0xD;
	s1 =	sshrl.u32 s1, $0x2  }
0xc1: {  	s3 =	sand.u32 $0x4000, s31;
	s1 =	sadd.s32 s1, s30  }
0xc2: {  	s0 =	sor.u32 s3, s0;
	s1 =	sshll.u32 s1, $0x11  }
0xc3: {  	s0 =	sor.u32 s1, s0  }
0xc4: {  	s0 =	sadd.s32 $0x8F2B, s0  }
0xc5: {  	[sflag:s0] =	ssyncadd.remote.s32 $0x1  }
0xc6: {  	_ =	sfence.sel $0xFFFF  }
0xc7: {  	[dreg:$0x0] =	wrdreg $0xFFFFFFFF;
	(pc) =	sbr.abs _section_cstart, $3  }
0xc8: {  	[dreg:$0x1] =	wrdreg $0xFFFFFFFF  }
0xc9: {  	_ =	task.clear_ibuf [dreg:s8], $0x2FFFF;
	_ =	strace $0x9FFFFFFF  }
0xca: {  	(tm) =	ssettm $0x7FFFFFFF  }
0xcb: {  	_ =	shalt  }
tec
execute0_lowered:
.L_overlay_start_1:
0x0: {  	(tag) =	ssettag $0x1  }
0x1: {  	s0 =	rddreg [dreg:$0x0]  }
0x2: {  	s1 =	rddreg [dreg:$0x1]  }
0x3: {  	s3 =	rddreg [dreg:$0x2]  }
0x4: {  	s4 =	rddreg [dreg:$0x3];
	s6 =	srdreg.scid  }
0x5: {  	s2 =	stileid.u32;
	s5 =	simm.s32 $0x0;
	s18 =	simm.s32 $0x7980  }
0x6: {  	s19 =	simm.s32 $0x2;
	s20 =	simm.s32 $0x2800;
	s21 =	simm.s32 $0x5000  }
0x7: {  	s22 =	simm.s32 $0x7800;
	s23 =	simm.s32 $0x7880;
	s24 =	simm.s32 $0x80  }
0x8: {  	s25 =	simm.s32 $0x1;
	s26 =	simm.s32 $0x7900;
	s10 =	sand.u32 $0x1, s6  }
0x9: {  	s11 =	smul.u32 $0xA000, s2;
	[smem:$0x7FF] =	sst s5;
	s6 =	sadd.s32 $0x2400, s0  }
0xa: {  	s7 =	sadd.s32 $0x16A00, s0;
	s8 =	sadd.s32 $0x16400, s0;
	s13 =	smul.u32 $0x28000, s2  }
0xb: {  	s9 =	smul.u32 $0xA0000, s10;
	_ =	strace $0x8000004A;
	s14 =	ssub.s32 $0x2, s10  }
0xc: {  	s10 =	sshll.u32 s10, $0x4;
	s30 =	sshrl.u32 s14, $0x1;
	s13 =	sshrl.u32 s13, $0x2  }
0xd: {  	s15 =	sor.u32 s2, s10;
	s10 =	sadd.s32 s11, s4;
	s12 =	sadd.s32 s11, s9  }
0xe: {  	s9 =	sadd.s32 $0x1E00, s0;
	s17 =	ssub.s32 s14, s30;
	s31 =	sadd.s32 s13, s4  }
0xf: {  	s15 =	smul.u32 $0x2780, s15;
	s12 =	sshrl.u32 s12, $0x3;
	s11 =	sadd.s32 $0x2000, s31  }
0x10: {  	s13 =	sadd.s32 $0x6000, s31;
	s14 =	sadd.s32 $0x8000, s31;
	s0 =	sadd.s32 s12, s0  }
0x11: {  	v0 =	vimm.f32 $0.0e+00;
	s17 =	smax.u32 s17, $0x1;
	s12 =	sadd.s32 $0x4000, s31;
	s16 =	sadd.s32 $0x17000, s0  }
.LBB2_1:
0x12: {  	s28 =	simm.s32 $0x100;
	s0 =	simm.s32 $0x0  }
.LBB2_2:
0x13: {  	p0 =	sne.s32 s28, $0x7F00;
	[tilespmem:s0+$0x79B0] =	vst v0;
	s29 =	smov.u32 s28;
	s28 =	sadd.s32 $0x100, s28  }
.Ltmp0:
0x14: {  	[tilespmem:s0+$0x79A0] =	vst v0;
	(pc) =	sbr.rel @p0 .LBB2_2-.Ltmp0, $3  }
0x15: {  	[tilespmem:s0+$0x7980] =	vst v0  }
0x16: {  	[tilespmem:s0+$0x7990] =	vst v0;
	_ =	sdelay $0x1  }
0x17: {  	s0 =	sshra.s32 s29, $0x2  }
0x18: {  	[tilespmem:s0+$0x79B0] =	vst v0  }
0x19: {  	[tilespmem:s0+$0x79A0] =	vst v0  }
0x1a: {  	[tilespmem:s0+$0x7980] =	vst v0  }
0x1b: {  	[tilespmem:s0+$0x7990] =	vst v0  }
0x1c: {  	[spmem:s10] =	stream.linear.scatter [tilespmem:s18], [sflag:$0x2], $0x2000, $0x38;
	[tilespmem:$0x13980] =	vst v63  }
0x1d: {  	_ =	swait.ge [sflag:s19], $0x2000  }
0x1e: {  	[sflag:s19] =	ssyncset.done $0x0  }
0x1f: {  	[sflag:s19] =	ssyncadd.s32 $0xFFFFE000  }
0x20: {  	[spmem:s11] =	stream.linear.scatter [tilespmem:s18], [sflag:$0x2], $0x2000, $0x38;
	[tilespmem:$0x13980] =	vst v63  }
0x21: {  	_ =	swait.ge [sflag:s19], $0x2000  }
0x22: {  	[sflag:s19] =	ssyncset.done $0x0  }
0x23: {  	[sflag:s19] =	ssyncadd.s32 $0xFFFFE000  }
0x24: {  	[spmem:s12] =	stream.linear.scatter [tilespmem:s18], [sflag:$0x2], $0x2000, $0x38;
	[tilespmem:$0x13980] =	vst v63  }
0x25: {  	_ =	swait.ge [sflag:s19], $0x2000  }
0x26: {  	[sflag:s19] =	ssyncset.done $0x0  }
0x27: {  	[sflag:s19] =	ssyncadd.s32 $0xFFFFE000  }
0x28: {  	[spmem:s13] =	stream.linear.scatter [tilespmem:s18], [sflag:$0x2], $0x2000, $0x38;
	[tilespmem:$0x13980] =	vst v63  }
0x29: {  	_ =	swait.ge [sflag:s19], $0x2000  }
0x2a: {  	[sflag:s19] =	ssyncset.done $0x0  }
0x2b: {  	[sflag:s19] =	ssyncadd.s32 $0xFFFFE000  }
0x2c: {  	[spmem:s14] =	stream.linear.scatter [tilespmem:s18], [sflag:$0x2], $0x2000, $0x38;
	[tilespmem:$0x13980] =	vst v63  }
0x2d: {  	_ =	swait.ge [sflag:s19], $0x2000  }
0x2e: {  	[sflag:s19] =	ssyncset.done $0x0  }
0x2f: {  	s28 =	simm.s32 $0x0;
	[sflag:s19] =	ssyncadd.s32 $0xFFFFE000  }
0x30: {  	[tilespmem:s28], [sflag:$0x2] =	stream.linear.gather [hbm4b:s7+s28], $0x2800, $0x38;
	[tilespmem:$0x13980] =	vst v63  }
0x31: {  	_ =	swait.ge [sflag:s19], $0x2800  }
0x32: {  	[sflag:s19] =	ssyncset.done $0x0  }
0x33: {  	[sflag:s19] =	ssyncadd.s32 $0xFFFFD800  }
0x34: {  	[tilespmem:s20], [sflag:$0x2] =	stream.linear.gather [hbm4b:s8+s28], $0x2800, $0x38;
	[tilespmem:$0x13980] =	vst v63  }
0x35: {  	_ =	swait.ge [sflag:s19], $0x2800  }
0x36: {  	[sflag:s19] =	ssyncset.done $0x0  }
0x37: {  	[sflag:s19] =	ssyncadd.s32 $0xFFFFD800  }
0x38: {  	[tilespmem:s21], [sflag:$0x2] =	stream.linear.gather [hbm4b:s9+s28], $0x2800, $0x38;
	[tilespmem:$0x13980] =	vst v63  }
0x39: {  	_ =	swait.ge [sflag:s19], $0x2800  }
0x3a: {  	[sflag:s19] =	ssyncset.done $0x0  }
0x3b: {  	[sflag:s19] =	ssyncadd.s32 $0xFFFFD800  }
0x3c: {  	s29 =	simm.s32 $0x0;
	[bflag:$0x0] =	sbarrier.arrive $0xFFFF  }
.LBB2_4:
0x3d: {  	s0 =	sshll.u32 s29, $0x7  }
0x3e: {  	s0 =	sadd.s32 s15, s0  }
0x3f: {  	s0 =	sshrl.u32 s0, $0x3  }
0x40: {  	s30 =	sadd.s32 s1, s0  }
0x41: {  	[tilespmem:s22], [sflag:$0x2] =	stream.linear.gather [hbm4b:s30+s28], $0x80, $0x38;
	[tilespmem:$0x13980] =	vst v63  }
0x42: {  	_ =	swait.ge [sflag:s19], $0x80  }
0x43: {  	[sflag:s19] =	ssyncset.done $0x0  }
0x44: {  	s0 =	sadd.s32 s3, s0;
	[sflag:s19] =	ssyncadd.s32 $0xFFFFFF80  }
0x45: {  	[tilespmem:s23], [sflag:$0x2] =	stream.linear.gather [hbm4b:s0+s28], $0x80, $0x38;
	[tilespmem:$0x13980] =	vst v63  }
0x46: {  	_ =	swait.ge [sflag:s19], $0x80  }
0x47: {  	[sflag:s19] =	ssyncset.done $0x0  }
0x48: {  	[sflag:s19] =	ssyncadd.s32 $0xFFFFFF80  }
0x49: {  	v1 =	vld [tilespmem:$0x7800]  }
0x4a: {  	v2 =	vld [tilespmem:$0x7880];
	_ =	sdelay $0x6  }
0x4b: {  	v3 =	vld.idx.msk [tilespmem:v1+s28+$0x0], $0xffff  }
0x4c: {  	v4 =	vld.idx.msk [tilespmem:v2+s20+$0x0], $0xffff;
	_ =	sdelay $0x4  }
0x4d: {  	v3 =	vadd.f32 v4, v3;
	_ =	sdelay $0x1  }
0x4e: {  	v3 =	vadd.f32 v3, v3;
	_ =	sdelay $0x1  }
0x4f: {  	v3 =	vmul.f32 $1.442695020e+00, v3;
	_ =	sdelay $0x1  }
0x50: {  	(erf) = vpow2.f32 v3;
	_ =	sdelay $0x8  }
0x51: {  	v3 =	vpop (erf)  }
0x52: {  	v3 =	vadd.f32 $1.000000000e+00, v3;
	_ =	sdelay $0x1  }
0x53: {  	(erf) = vrcp.f32 v3;
	_ =	sdelay $0x8  }
0x54: {  	v1 =	vld.idx.msk [tilespmem:v1+s21+$0x0], $0xffff;
	v3 =	vpop (erf)  }
0x55: {  	v2 =	vld.idx.msk [tilespmem:v2+s21+$0x0], $0xffff;
	v3 =	vadd.f32 v3, v3  }
0x56: {  	v4 =	vld [tilespmem:$0x7810]  }
0x57: {  	v5 =	vld [tilespmem:$0x7890];
	v3 =	vsub.f32 $1.000000000e+00, v3;
	_ =	sdelay $0x1  }
0x58: {  	v1 =	vmul.f32 v3, v1;
	_ =	sdelay $0x1  }
0x59: {  	v1 =	vmul.f32 v1, v2;
	_ =	sdelay $0x1  }
0x5a: {  	[tilespmem:$0x7900] =	vst v1  }
0x5b: {  	v1 =	vld.idx.msk [tilespmem:v4+s28+$0x0], $0xffff  }
0x5c: {  	v2 =	vld.idx.msk [tilespmem:v5+s20+$0x0], $0xffff;
	_ =	sdelay $0x4  }
0x5d: {  	v1 =	vadd.f32 v2, v1;
	_ =	sdelay $0x1  }
0x5e: {  	v1 =	vadd.f32 v1, v1;
	_ =	sdelay $0x1  }
0x5f: {  	v1 =	vmul.f32 $1.442695020e+00, v1;
	_ =	sdelay $0x1  }
0x60: {  	(erf) = vpow2.f32 v1;
	_ =	sdelay $0x8  }
0x61: {  	v1 =	vpop (erf)  }
0x62: {  	v1 =	vadd.f32 $1.000000000e+00, v1;
	_ =	sdelay $0x1  }
0x63: {  	(erf) = vrcp.f32 v1;
	_ =	sdelay $0x8  }
0x64: {  	v1 =	vld.idx.msk [tilespmem:v4+s21+$0x0], $0xffff;
	v2 =	vpop (erf)  }
0x65: {  	v3 =	vld.idx.msk [tilespmem:v5+s21+$0x0], $0xffff;
	v2 =	vadd.f32 v2, v2  }
0x66: {  	v4 =	vld [tilespmem:$0x7820]  }
0x67: {  	v5 =	vld [tilespmem:$0x78A0];
	v2 =	vsub.f32 $1.000000000e+00, v2;
	_ =	sdelay $0x1  }
0x68: {  	v1 =	vmul.f32 v2, v1;
	_ =	sdelay $0x1  }
0x69: {  	v1 =	vmul.f32 v1, v3;
	_ =	sdelay $0x1  }
0x6a: {  	[tilespmem:$0x7910] =	vst v1  }
0x6b: {  	v1 =	vld.idx.msk [tilespmem:v4+s28+$0x0], $0xffff  }
0x6c: {  	v2 =	vld.idx.msk [tilespmem:v5+s20+$0x0], $0xffff;
	_ =	sdelay $0x4  }
0x6d: {  	v1 =	vadd.f32 v2, v1;
	_ =	sdelay $0x1  }
0x6e: {  	v1 =	vadd.f32 v1, v1;
	_ =	sdelay $0x1  }
0x6f: {  	v1 =	vmul.f32 $1.442695020e+00, v1;
	_ =	sdelay $0x1  }
0x70: {  	(erf) = vpow2.f32 v1;
	_ =	sdelay $0x8  }
0x71: {  	v1 =	vpop (erf)  }
0x72: {  	v1 =	vadd.f32 $1.000000000e+00, v1;
	_ =	sdelay $0x1  }
0x73: {  	(erf) = vrcp.f32 v1;
	_ =	sdelay $0x8  }
0x74: {  	v1 =	vld.idx.msk [tilespmem:v4+s21+$0x0], $0xffff;
	v2 =	vpop (erf)  }
0x75: {  	v3 =	vld.idx.msk [tilespmem:v5+s21+$0x0], $0xffff;
	v2 =	vadd.f32 v2, v2  }
0x76: {  	v4 =	vld [tilespmem:$0x7830]  }
0x77: {  	v5 =	vld [tilespmem:$0x78B0];
	v2 =	vsub.f32 $1.000000000e+00, v2;
	_ =	sdelay $0x1  }
0x78: {  	v1 =	vmul.f32 v2, v1;
	_ =	sdelay $0x1  }
0x79: {  	v1 =	vmul.f32 v1, v3;
	_ =	sdelay $0x1  }
0x7a: {  	[tilespmem:$0x7920] =	vst v1  }
0x7b: {  	v1 =	vld.idx.msk [tilespmem:v4+s28+$0x0], $0xffff  }
0x7c: {  	v2 =	vld.idx.msk [tilespmem:v5+s20+$0x0], $0xffff;
	_ =	sdelay $0x4  }
0x7d: {  	v1 =	vadd.f32 v2, v1;
	_ =	sdelay $0x1  }
0x7e: {  	v1 =	vadd.f32 v1, v1;
	_ =	sdelay $0x1  }
0x7f: {  	v1 =	vmul.f32 $1.442695020e+00, v1;
	_ =	sdelay $0x1  }
0x80: {  	(erf) = vpow2.f32 v1;
	_ =	sdelay $0x8  }
0x81: {  	v1 =	vpop (erf)  }
0x82: {  	v1 =	vadd.f32 $1.000000000e+00, v1;
	_ =	sdelay $0x1  }
0x83: {  	(erf) = vrcp.f32 v1;
	_ =	sdelay $0x8  }
0x84: {  	v1 =	vld.idx.msk [tilespmem:v4+s21+$0x0], $0xffff;
	v2 =	vpop (erf)  }
0x85: {  	v3 =	vld.idx.msk [tilespmem:v5+s21+$0x0], $0xffff;
	v2 =	vadd.f32 v2, v2  }
0x86: {  	v4 =	vld [tilespmem:$0x7840]  }
0x87: {  	v5 =	vld [tilespmem:$0x78C0];
	v2 =	vsub.f32 $1.000000000e+00, v2;
	_ =	sdelay $0x1  }
0x88: {  	v1 =	vmul.f32 v2, v1;
	_ =	sdelay $0x1  }
0x89: {  	v1 =	vmul.f32 v1, v3;
	_ =	sdelay $0x1  }
0x8a: {  	[tilespmem:$0x7930] =	vst v1  }
0x8b: {  	v1 =	vld.idx.msk [tilespmem:v4+s28+$0x0], $0xffff  }
0x8c: {  	v2 =	vld.idx.msk [tilespmem:v5+s20+$0x0], $0xffff;
	_ =	sdelay $0x4  }
0x8d: {  	v1 =	vadd.f32 v2, v1;
	_ =	sdelay $0x1  }
0x8e: {  	v1 =	vadd.f32 v1, v1;
	_ =	sdelay $0x1  }
0x8f: {  	v1 =	vmul.f32 $1.442695020e+00, v1;
	_ =	sdelay $0x1  }
0x90: {  	(erf) = vpow2.f32 v1;
	_ =	sdelay $0x8  }
0x91: {  	v1 =	vpop (erf)  }
0x92: {  	v1 =	vadd.f32 $1.000000000e+00, v1;
	_ =	sdelay $0x1  }
0x93: {  	(erf) = vrcp.f32 v1;
	_ =	sdelay $0x8  }
0x94: {  	v1 =	vld.idx.msk [tilespmem:v4+s21+$0x0], $0xffff;
	v2 =	vpop (erf)  }
0x95: {  	v3 =	vld.idx.msk [tilespmem:v5+s21+$0x0], $0xffff;
	v2 =	vadd.f32 v2, v2  }
0x96: {  	v4 =	vld [tilespmem:$0x7850]  }
0x97: {  	v5 =	vld [tilespmem:$0x78D0];
	v2 =	vsub.f32 $1.000000000e+00, v2;
	_ =	sdelay $0x1  }
0x98: {  	v1 =	vmul.f32 v2, v1;
	_ =	sdelay $0x1  }
0x99: {  	v1 =	vmul.f32 v1, v3;
	_ =	sdelay $0x1  }
0x9a: {  	[tilespmem:$0x7940] =	vst v1  }
0x9b: {  	v1 =	vld.idx.msk [tilespmem:v4+s28+$0x0], $0xffff  }
0x9c: {  	v2 =	vld.idx.msk [tilespmem:v5+s20+$0x0], $0xffff;
	_ =	sdelay $0x4  }
0x9d: {  	v1 =	vadd.f32 v2, v1;
	_ =	sdelay $0x1  }
0x9e: {  	v1 =	vadd.f32 v1, v1;
	_ =	sdelay $0x1  }
0x9f: {  	v1 =	vmul.f32 $1.442695020e+00, v1;
	_ =	sdelay $0x1  }
0xa0: {  	(erf) = vpow2.f32 v1;
	_ =	sdelay $0x8  }
0xa1: {  	v1 =	vpop (erf)  }
0xa2: {  	v1 =	vadd.f32 $1.000000000e+00, v1;
	_ =	sdelay $0x1  }
0xa3: {  	(erf) = vrcp.f32 v1;
	_ =	sdelay $0x8  }
0xa4: {  	v1 =	vld.idx.msk [tilespmem:v4+s21+$0x0], $0xffff;
	v2 =	vpop (erf)  }
0xa5: {  	v3 =	vld.idx.msk [tilespmem:v5+s21+$0x0], $0xffff;
	v2 =	vadd.f32 v2, v2  }
0xa6: {  	v4 =	vld [tilespmem:$0x7860]  }
0xa7: {  	v5 =	vld [tilespmem:$0x78E0];
	v2 =	vsub.f32 $1.000000000e+00, v2;
	_ =	sdelay $0x1  }
0xa8: {  	v1 =	vmul.f32 v2, v1;
	_ =	sdelay $0x1  }
0xa9: {  	v1 =	vmul.f32 v1, v3;
	_ =	sdelay $0x1  }
0xaa: {  	[tilespmem:$0x7950] =	vst v1  }
0xab: {  	v1 =	vld.idx.msk [tilespmem:v4+s28+$0x0], $0xffff  }
0xac: {  	v2 =	vld.idx.msk [tilespmem:v5+s20+$0x0], $0xffff;
	_ =	sdelay $0x4  }
0xad: {  	v1 =	vadd.f32 v2, v1;
	_ =	sdelay $0x1  }
0xae: {  	v1 =	vadd.f32 v1, v1;
	_ =	sdelay $0x1  }
0xaf: {  	v1 =	vmul.f32 $1.442695020e+00, v1;
	_ =	sdelay $0x1  }
0xb0: {  	(erf) = vpow2.f32 v1;
	_ =	sdelay $0x8  }
0xb1: {  	v1 =	vpop (erf)  }
0xb2: {  	v1 =	vadd.f32 $1.000000000e+00, v1;
	_ =	sdelay $0x1  }
0xb3: {  	(erf) = vrcp.f32 v1;
	_ =	sdelay $0x8  }
0xb4: {  	v1 =	vld.idx.msk [tilespmem:v4+s21+$0x0], $0xffff;
	v2 =	vpop (erf)  }
0xb5: {  	v3 =	vld.idx.msk [tilespmem:v5+s21+$0x0], $0xffff;
	v2 =	vadd.f32 v2, v2  }
0xb6: {  	v4 =	vld [tilespmem:$0x7870]  }
0xb7: {  	v5 =	vld [tilespmem:$0x78F0];
	v2 =	vsub.f32 $1.000000000e+00, v2;
	_ =	sdelay $0x1  }
0xb8: {  	v1 =	vmul.f32 v2, v1;
	_ =	sdelay $0x1  }
0xb9: {  	v1 =	vmul.f32 v1, v3;
	_ =	sdelay $0x1  }
0xba: {  	[tilespmem:$0x7960] =	vst v1  }
0xbb: {  	v1 =	vld.idx.msk [tilespmem:v4+s28+$0x0], $0xffff  }
0xbc: {  	v2 =	vld.idx.msk [tilespmem:v5+s20+$0x0], $0xffff;
	_ =	sdelay $0x4  }
0xbd: {  	v1 =	vadd.f32 v2, v1;
	_ =	sdelay $0x1  }
0xbe: {  	v1 =	vadd.f32 v1, v1;
	_ =	sdelay $0x1  }
0xbf: {  	v1 =	vmul.f32 $1.442695020e+00, v1;
	_ =	sdelay $0x1  }
0xc0: {  	(erf) = vpow2.f32 v1;
	_ =	sdelay $0x8  }
0xc1: {  	v1 =	vpop (erf)  }
0xc2: {  	v1 =	vadd.f32 $1.000000000e+00, v1;
	_ =	sdelay $0x1  }
0xc3: {  	(erf) = vrcp.f32 v1;
	_ =	sdelay $0x8  }
0xc4: {  	v1 =	vld.idx.msk [tilespmem:v4+s21+$0x0], $0xffff;
	v2 =	vpop (erf)  }
0xc5: {  	v2 =	vadd.f32 v2, v2  }
0xc6: {  	v3 =	vld.idx.msk [tilespmem:v5+s21+$0x0], $0xffff  }
0xc7: {  	v2 =	vsub.f32 $1.000000000e+00, v2;
	_ =	sdelay $0x1  }
0xc8: {  	v1 =	vmul.f32 v2, v1;
	_ =	sdelay $0x1  }
0xc9: {  	v1 =	vmul.f32 v1, v3;
	_ =	sdelay $0x1  }
0xca: {  	[tilespmem:$0x7970] =	vst v1  }
0xcb: {  	[tilespmem:s18], [sflag:$0x1] =	stream.indirect.gather [hbm4b:s6+s24], $0x40, s22, s24, $0xb8;
	[tilespmem:$0x13980] =	vst v63  }
0xcc: {  	v1 =	vmov s28;
	_ =	swait.ge [sflag:s25], $0x2000  }
0xcd: {  	[sflag:s25] =	ssyncset.done $0x0  }
0xce: {  	s30 =	simm.s32 $0x79A0;
	[sflag:s25] =	ssyncadd.s32 $0xFFFFE000  }
0xcf: {  	v3 =	vld [tilespmem:s30+$0xFFFFFFF0]  }
0xd0: {  	v4 =	vld [tilespmem:s30+$0x10]  }
0xd1: {  	v6 =	vld.idx.msk [tilespmem:v1+s26+$0x0], $0xffff  }
0xd2: {  	v1 =	vld [tilespmem:s30+$0xFFFFFFE0]  }
0xd3: {  	v7 =	vld [tilespmem:s30+$0x0];
	_ =	sdelay $0x3  }
0xd4: {  	s2 =	simm.s32 $0x1;
	v2 =	vmul.f32 v1, v6;
	v5 =	vmul.f32 v4, v6  }
0xd5: {  	s31 =	simm.s32 $0x2;
	s0 =	simm.s32 $0x79A0;
	v1 =	vmov s2;
	v4 =	vmul.f32 v3, v6;
	v3 =	vmul.f32 v7, v6  }
.LBB2_5:
0xd6: {  	p0 =	sne.s32 s31, $0x7F  }
0xd7: {  	[tilespmem:s30+$0x10] =	vst v5;
	s0 =	sadd.s32 $0x40, s0;
	s2 =	smov.u32 s31;
	s31 =	sadd.s32 $0x1, s31  }
0xd8: {  	[tilespmem:s30+$0xFFFFFFE0] =	vst v2  }
0xd9: {  	v6 =	vld [tilespmem:s0+$0xFFFFFFF0];
	[tilespmem:s30+$0xFFFFFFF0] =	vst v4  }
0xda: {  	v4 =	vld [tilespmem:s0+$0x10];
	[tilespmem:s30+$0x0] =	vst v3;
	s30 =	smov.u32 s0  }
0xdb: {  	v3 =	vld.idx.msk [tilespmem:v1+s26+$0x0], $0xffff  }
0xdc: {  	v1 =	vld [tilespmem:s0+$0xFFFFFFE0]  }
0xdd: {  	v7 =	vld [tilespmem:s0+$0x0]  }
.Ltmp1:
0xde: {  	(pc) =	sbr.rel @p0 .LBB2_5-.Ltmp1, $3  }
0xdf: {  	_ =	sdelay $0x1  }
0xe0: {  	v5 =	vmul.f32 v4, v3;
	v2 =	vmul.f32 v1, v3  }
0xe1: {  	v4 =	vmul.f32 v6, v3;
	v1 =	vmov s2;
	v3 =	vmul.f32 v7, v3  }
0xe2: {  	[tilespmem:s30+$0x10] =	vst v5  }
0xe3: {  	s0 =	sadd.s32 $0x40, s0;
	[tilespmem:s30+$0xFFFFFFE0] =	vst v2  }
0xe4: {  	v2 =	vld [tilespmem:s0+$0xFFFFFFF0];
	[tilespmem:s30+$0xFFFFFFF0] =	vst v4  }
0xe5: {  	v4 =	vld [tilespmem:s0+$0x10];
	[tilespmem:s30+$0x0] =	vst v3  }
0xe6: {  	v1 =	vld.idx.msk [tilespmem:v1+s26+$0x0], $0xffff  }
0xe7: {  	v3 =	vld [tilespmem:s0+$0xFFFFFFE0];
	_ =	sdelay $0x1  }
0xe8: {  	v5 =	vld [tilespmem:s0+$0x0];
	_ =	sdelay $0x1  }
0xe9: {  	v4 =	vmul.f32 v4, v1  }
0xea: {  	v3 =	vmul.f32 v3, v1  }
0xeb: {  	v2 =	vmul.f32 v2, v1;
	[tilespmem:s0+$0x10] =	vst v4  }
0xec: {  	s29 =	sadd.s32 $0x1, s29;
	v1 =	vmul.f32 v5, v1;
	[tilespmem:s0+$0xFFFFFFE0] =	vst v3  }
0xed: {  	p0 =	sne.s32 s29, $0x4F;
	[tilespmem:s0+$0xFFFFFFF0] =	vst v2  }
.Ltmp2:
0xee: {  	[tilespmem:s0+$0x0] =	vst v1;
	(pc) =	sbr.rel @p0 .LBB2_4-.Ltmp2, $4  }
0xef: {  	[spmem:s4] =	stream.indirect.scatter.add.f32 [tilespmem:s18], [sflag:$0x2], $0x40, s23, s24, $0xb8;
	[tilespmem:$0x13980] =	vst v63  }
0xf0: {  	_ =	swait.ge [sflag:s19], $0x2000  }
0xf1: {  	[sflag:s19] =	ssyncset.done $0x0  }
0xf2: {  	[sflag:s19] =	ssyncadd.s32 $0xFFFFE000  }
0xf3: {  	s0 =	stileid.u32;
	s5 =	sadd.s32 $0x1, s5  }
0xf4: {  	[bflag:$0x0] =	sbarrier.arrive $0xFFFF;
	s0 =	sshll.u32 s0, $0x6;
	p0 =	sne.s32 s5, s17  }
.Ltmp3:
0xf5: {  	s2 =	sshrl.u32 s10, $0x3;
	s0 =	sor.u32 $0x1C02, s0;
	(pc) =	sbr.rel @p0 .LBB2_1-.Ltmp3, $4  }
0xf6: {  	[hbm:s16], [sflag:s0] =	dma.local [spmem:s2], $0x1400  }
0xf7: {  	_ =	swait.ge [sflag:s19], $0x1400  }
0xf8: {  	[sflag:s19] =	ssyncset.done $0x0  }
0xf9: {  	[sflag:s19] =	ssyncadd.s32 $0xFFFFEC00  }
0xfa: {  	_ =	sfence.sel $0x180000  }
0xfb: {  	[bflag:$0x0] =	sbarrier.arrive $0xFFFF  }
0xfc: {  	_ =	strace $0x9000004A  }
0xfd: {  	s0 =	stileid.u32;
	[bflag:$0x2] =	sbarrier.arrive $0xFFFF  }
0xfe: {  	p0 =	sne.s32 s0, $0x0;
	s0 =	rddreg [dreg:$0x4]  }
0xff: {  	s0 =	sadd.s32 @!p0 $0x100000, s0  }
0x100: {  	[sflag:s0] =	ssyncadd.tile.s32 @!p0 $0x1;
	_ =	shalt  }
.Lfunc_end2:
_tile_overlayer_lowered:
.L_overlay_start_2:
0x101: {  	(tag) =	ssettag $0x2  }
0x102: {  	s0 =	rddreg [dreg:$0x0];
	s2 =	stileid.u32  }
0x103: {  	s1 =	rddreg [dreg:$0x1];
	p0 =	sne.s32 s2, $0x0  }
0x104: {  	s3 =	rddreg [dreg:$0x2];
	[bflag:$0x3] =	sbarrier.arrive $0xFFFF;
	s2 =	simm.s32 @!p0 $0x1C02  }
0x105: {  	[timem:s3], [sflag:s2] =	dma.local @!p0 [hbm:s0], s1  }
0x106: {  	s0 =	simm.s32 @!p0 $0x2  }
0x107: {  	_ =	swait.ge @!p0 [sflag:s0], s1  }
0x108: {  	s1 =	ssub.s32 @!p0 $0x0, s1;
	[sflag:s0] =	ssyncset.done @!p0 $0x0  }
0x109: {  	[sflag:s0] =	ssyncadd.s32 @!p0 s1  }
0x10a: {  	[bflag:$0x3] =	sbarrier.arrive $0xFFFF  }
0x10b: {  	_ =	shalt  }

// kernel: kernel.14.cloned.1.call-start
scs
__scs_entry_jumppad:
0x0: {  	(pc) =	sbr.rel $0x88, $3  }
0x1: {  	(tag) =	ssettag $0x0;
	lr =	simm.s32 $0x1  }
0x2: {  	[smem:$0x3F97] =	sst lr;
	_ =	strace $0xD0000000  }
0x3: {  	_ = 	snop  }
0x4: {  	_ = 	snop  }
0x5: {  	_ = 	snop  }
0x6: {  	_ = 	snop  }
0x7: {  	_ = 	snop  }
__scs_overlays_trampoline_lowered:
0x8: {  	[smem:$0x3FA6] =	sst s0  }
0x9: {  	[smem:$0x3FA7] =	sst s1  }
0xa: {  	[smem:$0x3FA8] =	sst s2  }
0xb: {  	[smem:$0x3FA9] =	sst s3  }
0xc: {  	[smem:$0x3FAA] =	sst s4  }
0xd: {  	[smem:$0x3FAB] =	sst s5  }
0xe: {  	[smem:$0x3FAC] =	sst s6  }
0xf: {  	[smem:$0x3FAD] =	sst s7  }
0x10: {  	[smem:$0x3FAE] =	sst s8  }
0x11: {  	[smem:$0x3FAF] =	sst s9;
	s0 =	simm.s32 @!p0 $0x0  }
0x12: {  	s1 =	sld [smem:$0x3F95];
	s0 =	simm.s32 @p0 $0x1  }
0x13: {  	[smem:$0x3FB0] =	sst s0;
	s0 =	simm.s32 @!p1 $0x0  }
0x14: {  	s2 =	sld [smem:$0x3F94];
	s0 =	simm.s32 @p1 $0x1  }
0x15: {  	[smem:$0x3FB1] =	sst s0;
	s0 =	simm.s32 @!p2 $0x0  }
0x16: {  	s3 =	sld [smem:$0x3FDB];
	s0 =	simm.s32 @p2 $0x1  }
0x17: {  	s4 =	simm.s32 $0x1BF5;
	[smem:$0x3FB3] =	sst s0  }
0x18: {  	s0 =	sld [smem:$0x3F96];
	_ =	swait.ge [sflag:s4], $0x0  }
0x19: {  	s7 =	sld [smem:$0x3F97]  }
0x1a: {  	s8 =	sadd.s32 $0xFFFFE003, lr  }
0x1b: {  	s9 =	sadd.s32 $0xFFFFFEF7, lr;
	s5 =	simm.s32 $0xFFFFFFFF;
	p2 =	slt.u32 s8, $0xFFFFF086  }
0x1c: {  	p1 =	slt.u32 s9, $0xF7A;
	s5 =	simm.s32 @!p2 $0x0  }
0x1d: {  	s5 =	simm.s32 @p1 $0x1;
	p0 =	seq.s32 s7, s2  }
0x1e: {  	s7 =	smul.u32 @!p0 $0xF7A, s2;
	p2 =	seq.s32 @!p0 s5, $0x0  }
0x1f: {  	s9 =	smul.u32 $0xF7A, s1;
	s8 =	simm.s32 @!p0 $0x1BF5;
	p2 =	por !p2, p0  }
0x20: {  	[sflag:s8] =	ssyncset.s32 @!p0 $0xFFFFF086;
	s6 =	sadd.s32 @!p0 s3, s7;
	s7 =	simm.s32 @!p0 $0x108  }
0x21: {  	s3 =	sadd.s32 s3, s9;
	s6 =	sadd.s32 @!p0 $0x88, s6;
	s7 =	simm.s32 @p2 $0x1082  }
0x22: {  	[simem:s7], [sflag:s8] =	dma.local @!p0 [hbm:s6], $0xF7A  }
0x23: {  	s9 =	sor.u32 $0xD0000000, s2;
	s6 =	simm.s32 $0x108;
	_ =	swait.ge @!p0 [sflag:s8], $0x0  }
0x24: {  	s3 =	sadd.s32 $0x88, s3;
	s6 =	simm.s32 @!p1 $0x1082;
	[sflag:s4] =	ssyncset.s32 $0xFFFFF086  }
0x25: {  	[simem:s6], [sflag:s4] =	dma.local [hbm:s3], $0xF7A  }
0x26: {  	[smem:$0x3F97] =	sst s1;
	(tag) =	ssettag s2;
	_ =	strace s9  }
0x27: {  	s1 =	sld [smem:$0x3FA7]  }
0x28: {  	s2 =	sld [smem:$0x3FA8]  }
0x29: {  	s4 =	sld [smem:$0x3FAA]  }
0x2a: {  	p0 =	seq.s32 s5, $0x0;
	s5 =	sld [smem:$0x3FAB]  }
0x2b: {  	s6 =	sld [smem:$0x3FAC]  }
0x2c: {  	s7 =	sld [smem:$0x3FAD]  }
0x2d: {  	s3 =	simm.s32 $0x108;
	s8 =	sld [smem:$0x3FAE]  }
0x2e: {  	s3 =	simm.s32 @!p0 $0x1082;
	s9 =	sld [smem:$0x3FAF]  }
0x2f: {  	lr =	sadd.s32 s0, s3;
	s0 =	sld [smem:$0x3FA6]  }
0x30: {  	s3 =	sld [smem:$0x3FA9]  }
0x31: {  	[smem:$0x3FB2] =	sst s10  }
0x32: {  	s10 =	sld [smem:$0x3FB0];
	_ =	sdelay $0x3  }
0x33: {  	p0 =	seq.s32 s10, $0x1;
	s10 =	sld [smem:$0x3FB2];
	_ =	sdelay $0x3  }
0x34: {  	[smem:$0x3FB2] =	sst s10  }
0x35: {  	s10 =	sld [smem:$0x3FB1];
	_ =	sdelay $0x3  }
0x36: {  	p1 =	seq.s32 s10, $0x1;
	s10 =	sld [smem:$0x3FB2];
	_ =	sdelay $0x3  }
0x37: {  	[smem:$0x3FB2] =	sst s10  }
0x38: {  	s10 =	sld [smem:$0x3FB3]  }
0x39: {  	_ = 	snop;
	(pc) =	sbr.ind lr, $3  }
0x3a: {  	_ = 	snop  }
0x3b: {  	_ = 	snop  }
0x3c: {  	p2 =	seq.s32 s10, $0x1;
	s10 =	sld [smem:$0x3FB2]  }
0x3d: {  	_ =	shalt  }
0x3e: {  	_ =	shalt  }
0x3f: {  	_ =	shalt  }
0x40: {  	_ =	shalt  }
0x41: {  	_ =	shalt  }
0x42: {  	_ =	shalt  }
0x43: {  	_ =	shalt  }
0x44: {  	_ =	shalt  }
0x45: {  	_ =	shalt  }
0x46: {  	_ =	shalt  }
0x47: {  	_ =	shalt  }
0x48: {  	_ =	shalt  }
0x49: {  	_ =	shalt  }
0x4a: {  	_ =	shalt  }
0x4b: {  	_ =	shalt  }
0x4c: {  	_ =	shalt  }
0x4d: {  	_ =	shalt  }
0x4e: {  	_ =	shalt  }
0x4f: {  	_ =	shalt  }
0x50: {  	_ =	shalt  }
0x51: {  	_ =	shalt  }
0x52: {  	_ =	shalt  }
0x53: {  	_ =	shalt  }
0x54: {  	_ =	shalt  }
0x55: {  	_ =	shalt  }
0x56: {  	_ =	shalt  }
0x57: {  	_ =	shalt  }
0x58: {  	_ =	shalt  }
0x59: {  	_ =	shalt  }
0x5a: {  	_ =	shalt  }
0x5b: {  	_ =	shalt  }
0x5c: {  	_ =	shalt  }
0x5d: {  	_ =	shalt  }
0x5e: {  	_ =	shalt  }
0x5f: {  	_ =	shalt  }
0x60: {  	_ =	shalt  }
0x61: {  	_ =	shalt  }
0x62: {  	_ =	shalt  }
0x63: {  	_ =	shalt  }
0x64: {  	_ =	shalt  }
0x65: {  	_ =	shalt  }
0x66: {  	_ =	shalt  }
0x67: {  	_ =	shalt  }
0x68: {  	_ =	shalt  }
0x69: {  	_ =	shalt  }
0x6a: {  	_ =	shalt  }
0x6b: {  	_ =	shalt  }
0x6c: {  	_ =	shalt  }
0x6d: {  	_ =	shalt  }
0x6e: {  	_ =	shalt  }
0x6f: {  	_ =	shalt  }
0x70: {  	_ =	shalt  }
0x71: {  	_ =	shalt  }
0x72: {  	_ =	shalt  }
0x73: {  	_ =	shalt  }
0x74: {  	_ =	shalt  }
0x75: {  	_ =	shalt  }
0x76: {  	_ =	shalt  }
0x77: {  	_ =	shalt  }
0x78: {  	_ =	shalt  }
0x79: {  	_ =	shalt  }
0x7a: {  	_ =	shalt  }
0x7b: {  	_ =	shalt  }
0x7c: {  	_ =	shalt  }
0x7d: {  	_ =	shalt  }
0x7e: {  	_ =	shalt  }
0x7f: {  	_ =	shalt  }
0x80: {  	_ =	shalt  }
0x81: {  	_ =	shalt  }
0x82: {  	_ =	shalt  }
0x83: {  	_ =	shalt  }
0x84: {  	_ =	shalt  }
0x85: {  	_ =	shalt  }
0x86: {  	_ =	shalt  }
0x87: {  	_ =	shalt  }
.Lfunc_end0:
.L_simem_size_0:
called_computation.2_lowered:
.L_overlay_start_0:
0x88: {  	s2 =	sld [smem:$0x3FD9]  }
0x89: {  	s3 =	sld [smem:$0x3FFE];
	_ =	sdelay $0x1  }
0x8a: {  	s1 =	srdreg.scid  }
0x8b: {  	s0 =	sand.u32 $0x1, s1  }
0x8c: {  	s14 =	sshll.u32 s0, $0xA;
	s2 =	sadd.s32 s3, s2  }
0x8d: {  	s2 =	sadd.s32 s2, s14  }
0x8e: {  	[smem:$0x3FBE] =	sst s2  }
0x8f: {  	_ = 	snop  }
0x90: {  	s2 =	sld [smem:$0x3FD0];
	_ =	sdelay $0x2  }
0x91: {  	s15 =	simm.s32 $0xA;
	s4 =	simm.s32 $0x10  }
0x92: {  	[smem:s4], [sflag:s15] =	dma.local [hbm:s2], $0x1  }
0x93: {  	_ =	swait.eq [sflag:s15], $0x1  }
0x94: {  	[sflag:s15] =	ssyncset.done $0x0  }
0x95: {  	s16 =	sld [smem:$0x10];
	[sflag:s15] =	ssyncadd.s32 $0xFFFFFFFF  }
0x96: {  	s17 =	sld [smem:$0x11];
	(tm) =	ssettm $0x1  }
0x97: {  	s18 =	sld [smem:$0x3FFB];
	_ =	sdelay $0x3  }
0x98: {  	_ =	strace s18  }
0x99: {  	s4 =	sld [smem:$0x3FFC];
	_ =	sdelay $0x3  }
0x9a: {  	_ =	strace s4  }
0x9b: {  	s4 =	sld [smem:$0x3FFD];
	_ =	sdelay $0x3  }
0x9c: {  	_ =	strace s4  }
0x9d: {  	_ =	strace $0x8FFFFFFF  }
0x9e: {  	s19 =	sld [smem:$0x3FDB];
	_ =	sdelay $0x1  }
0x9f: {  	s5 =	simm.s32 $_scs_section_size  }
0xa0: {  	s6 =	simm.s32 $_size__tile_overlayer_lowered;
	s7 =	simm.s32 $_tile_overlayer_lowered  }
0xa1: {  	s22 =	simm.s32 $0x1BFF;
	s21 =	sshll.u32 s7, $0x1;
	s4 =	sadd.s32 s5, s19  }
0xa2: {  	s8 =	simm.s32 $0x0;
	s20 =	sshll.u32 s6, $0x1;
	s6 =	sadd.s32 s21, s4  }
0xa3: {  	[timem:s8], [sflag:s22] =	dma.local [hbm:s6], s20  }
0xa4: {  	_ =	swait.ge [sflag:s22], s20  }
0xa5: {  	s5 =	ssub.s32 $0x0, s20;
	[sflag:s22] =	ssyncset.done $0x0  }
0xa6: {  	[sflag:s22] =	ssyncadd.s32 s5;
	_ =	sdelay $0x1  }
0xa7: {  	s23 =	simm.s32 $0x1B8B  }
0xa8: {  	_ =	swait.ge [sflag:s23], $0x1  }
0xa9: {  	[sflag:s23] =	ssyncset.done $0x0  }
0xaa: {  	s25 =	simm.s32 $0x1B8E;
	s24 =	sld [smem:$0x3FFE];
	[sflag:s23] =	ssyncadd.s32 $0xFFFFFFFF  }
0xab: {  	s26 =	simm.s32 $execute0_lowered;
	[smem:$0x3FD2] =	sst s25  }
0xac: {  	s6 =	sshll.u32 s26, $0x1;
	_ =	strace $0x8000004C;
	[dreg:$0x1] =	wrdreg $0xFFFFFFFF  }
0xad: {  	s28 =	simm.s32 $_size_execute0_lowered;
	s4 =	sadd.s32 s4, s6;
	[dreg:$0x0] =	wrdreg $0x0  }
0xae: {  	s6 =	sshll.u32 s28, $0x1;
	[dreg:$0x2] =	wrdreg s4  }
0xaf: {  	[dreg:$0x3] =	wrdreg s6  }
0xb0: {  	[dreg:$0x4] =	wrdreg $0xC0  }
0xb1: {  	_ =	task [dreg:s8], $0x5FFFF  }
0xb2: {  	[dreg:$0x1] =	wrdreg $0xFFFFFFFF  }
0xb3: {  	[dreg:$0x0] =	wrdreg $0x60  }
0xb4: {  	[dreg:$0x2] =	wrdreg s24  }
0xb5: {  	[dreg:$0x3] =	wrdreg s17  }
0xb6: {  	[dreg:$0x4] =	wrdreg s16  }
0xb7: {  	[dreg:$0x5] =	wrdreg $0x99800  }
0xb8: {  	[dreg:$0x6] =	wrdreg $0x9  }
0xb9: {  	_ =	task.clear_ibuf [dreg:s8], $0x7FFFF;
	_ =	strace $0x9000004C  }
0xba: {  	s29 =	simm.s32 $0x9;
	_ =	strace $0x8000004E  }
0xbb: {  	_ =	swait.ge [sflag:s29], $0x1  }
0xbc: {  	[sflag:s29] =	ssyncadd.s32 $0xFFFFFFFF  }
0xbd: {  	_ =	strace $0x9000004E  }
0xbe: {  	_ =	sfence  }
0xbf: {  	s30 =	sld [smem:$0x0];
	_ =	sdelay $0x2  }
0xc0: {  	s31 =	sshll.u32 s1, $0xD;
	s1 =	sshrl.u32 s1, $0x2  }
0xc1: {  	s3 =	sand.u32 $0x4000, s31;
	s1 =	sadd.s32 s1, s30  }
0xc2: {  	s0 =	sor.u32 s3, s0;
	s1 =	sshll.u32 s1, $0x11  }
0xc3: {  	s0 =	sor.u32 s1, s0  }
0xc4: {  	s0 =	sadd.s32 $0x8F2B, s0  }
0xc5: {  	[sflag:s0] =	ssyncadd.remote.s32 $0x1  }
0xc6: {  	_ =	sfence.sel $0xFFFF  }
0xc7: {  	[dreg:$0x0] =	wrdreg $0xFFFFFFFF;
	(pc) =	sbr.abs _section_cstart, $3  }
0xc8: {  	[dreg:$0x1] =	wrdreg $0xFFFFFFFF  }
0xc9: {  	_ =	task.clear_ibuf [dreg:s8], $0x2FFFF;
	_ =	strace $0x9FFFFFFF  }
0xca: {  	(tm) =	ssettm $0x7FFFFFFF  }
0xcb: {  	_ =	shalt  }
tec
execute0_lowered:
.L_overlay_start_1:
0x0: {  	(tag) =	ssettag $0x1  }
0x1: {  	s0 =	rddreg [dreg:$0x0]  }
0x2: {  	s1 =	rddreg [dreg:$0x1]  }
0x3: {  	s3 =	rddreg [dreg:$0x2]  }
0x4: {  	s4 =	rddreg [dreg:$0x3];
	s6 =	srdreg.scid  }
0x5: {  	s2 =	stileid.u32;
	s5 =	simm.s32 $0x0;
	s18 =	simm.s32 $0x7980  }
0x6: {  	s19 =	simm.s32 $0x2;
	s20 =	simm.s32 $0x2800;
	s21 =	simm.s32 $0x5000  }
0x7: {  	s22 =	simm.s32 $0x7800;
	s23 =	simm.s32 $0x7880;
	s24 =	simm.s32 $0x80  }
0x8: {  	s25 =	simm.s32 $0x1;
	s26 =	simm.s32 $0x7900;
	s10 =	sand.u32 $0x1, s6  }
0x9: {  	s11 =	smul.u32 $0xA000, s2;
	[smem:$0x7FF] =	sst s5;
	s6 =	sadd.s32 $0x2400, s0  }
0xa: {  	s7 =	sadd.s32 $0x16A00, s0;
	s8 =	sadd.s32 $0x16400, s0;
	s13 =	smul.u32 $0x28000, s2  }
0xb: {  	s9 =	smul.u32 $0xA0000, s10;
	_ =	strace $0x8000004D;
	s14 =	ssub.s32 $0x2, s10  }
0xc: {  	s10 =	sshll.u32 s10, $0x4;
	s30 =	sshrl.u32 s14, $0x1;
	s13 =	sshrl.u32 s13, $0x2  }
0xd: {  	s15 =	sor.u32 s2, s10;
	s10 =	sadd.s32 s11, s4;
	s12 =	sadd.s32 s11, s9  }
0xe: {  	s9 =	sadd.s32 $0x1E00, s0;
	s17 =	ssub.s32 s14, s30;
	s31 =	sadd.s32 s13, s4  }
0xf: {  	s15 =	smul.u32 $0x2780, s15;
	s12 =	sshrl.u32 s12, $0x3;
	s11 =	sadd.s32 $0x2000, s31  }
0x10: {  	s13 =	sadd.s32 $0x6000, s31;
	s14 =	sadd.s32 $0x8000, s31;
	s0 =	sadd.s32 s12, s0  }
0x11: {  	v0 =	vimm.f32 $0.0e+00;
	s17 =	smax.u32 s17, $0x1;
	s12 =	sadd.s32 $0x4000, s31;
	s16 =	sadd.s32 $0x17000, s0  }
.LBB2_1:
0x12: {  	s28 =	simm.s32 $0x100;
	s0 =	simm.s32 $0x0  }
.LBB2_2:
0x13: {  	p0 =	sne.s32 s28, $0x7F00;
	[tilespmem:s0+$0x79B0] =	vst v0;
	s29 =	smov.u32 s28;
	s28 =	sadd.s32 $0x100, s28  }
.Ltmp0:
0x14: {  	[tilespmem:s0+$0x79A0] =	vst v0;
	(pc) =	sbr.rel @p0 .LBB2_2-.Ltmp0, $3  }
0x15: {  	[tilespmem:s0+$0x7980] =	vst v0  }
0x16: {  	[tilespmem:s0+$0x7990] =	vst v0;
	_ =	sdelay $0x1  }
0x17: {  	s0 =	sshra.s32 s29, $0x2  }
0x18: {  	[tilespmem:s0+$0x79B0] =	vst v0  }
0x19: {  	[tilespmem:s0+$0x79A0] =	vst v0  }
0x1a: {  	[tilespmem:s0+$0x7980] =	vst v0  }
0x1b: {  	[tilespmem:s0+$0x7990] =	vst v0  }
0x1c: {  	[spmem:s10] =	stream.linear.scatter [tilespmem:s18], [sflag:$0x2], $0x2000, $0x38;
	[tilespmem:$0x13980] =	vst v63  }
0x1d: {  	_ =	swait.ge [sflag:s19], $0x2000  }
0x1e: {  	[sflag:s19] =	ssyncset.done $0x0  }
0x1f: {  	[sflag:s19] =	ssyncadd.s32 $0xFFFFE000  }
0x20: {  	[spmem:s11] =	stream.linear.scatter [tilespmem:s18], [sflag:$0x2], $0x2000, $0x38;
	[tilespmem:$0x13980] =	vst v63  }
0x21: {  	_ =	swait.ge [sflag:s19], $0x2000  }
0x22: {  	[sflag:s19] =	ssyncset.done $0x0  }
0x23: {  	[sflag:s19] =	ssyncadd.s32 $0xFFFFE000  }
0x24: {  	[spmem:s12] =	stream.linear.scatter [tilespmem:s18], [sflag:$0x2], $0x2000, $0x38;
	[tilespmem:$0x13980] =	vst v63  }
0x25: {  	_ =	swait.ge [sflag:s19], $0x2000  }
0x26: {  	[sflag:s19] =	ssyncset.done $0x0  }
0x27: {  	[sflag:s19] =	ssyncadd.s32 $0xFFFFE000  }
0x28: {  	[spmem:s13] =	stream.linear.scatter [tilespmem:s18], [sflag:$0x2], $0x2000, $0x38;
	[tilespmem:$0x13980] =	vst v63  }
0x29: {  	_ =	swait.ge [sflag:s19], $0x2000  }
0x2a: {  	[sflag:s19] =	ssyncset.done $0x0  }
0x2b: {  	[sflag:s19] =	ssyncadd.s32 $0xFFFFE000  }
0x2c: {  	[spmem:s14] =	stream.linear.scatter [tilespmem:s18], [sflag:$0x2], $0x2000, $0x38;
	[tilespmem:$0x13980] =	vst v63  }
0x2d: {  	_ =	swait.ge [sflag:s19], $0x2000  }
0x2e: {  	[sflag:s19] =	ssyncset.done $0x0  }
0x2f: {  	s28 =	simm.s32 $0x0;
	[sflag:s19] =	ssyncadd.s32 $0xFFFFE000  }
0x30: {  	[tilespmem:s28], [sflag:$0x2] =	stream.linear.gather [hbm4b:s7+s28], $0x2800, $0x38;
	[tilespmem:$0x13980] =	vst v63  }
0x31: {  	_ =	swait.ge [sflag:s19], $0x2800  }
0x32: {  	[sflag:s19] =	ssyncset.done $0x0  }
0x33: {  	[sflag:s19] =	ssyncadd.s32 $0xFFFFD800  }
0x34: {  	[tilespmem:s20], [sflag:$0x2] =	stream.linear.gather [hbm4b:s8+s28], $0x2800, $0x38;
	[tilespmem:$0x13980] =	vst v63  }
0x35: {  	_ =	swait.ge [sflag:s19], $0x2800  }
0x36: {  	[sflag:s19] =	ssyncset.done $0x0  }
0x37: {  	[sflag:s19] =	ssyncadd.s32 $0xFFFFD800  }
0x38: {  	[tilespmem:s21], [sflag:$0x2] =	stream.linear.gather [hbm4b:s9+s28], $0x2800, $0x38;
	[tilespmem:$0x13980] =	vst v63  }
0x39: {  	_ =	swait.ge [sflag:s19], $0x2800  }
0x3a: {  	[sflag:s19] =	ssyncset.done $0x0  }
0x3b: {  	[sflag:s19] =	ssyncadd.s32 $0xFFFFD800  }
0x3c: {  	s29 =	simm.s32 $0x0;
	[bflag:$0x0] =	sbarrier.arrive $0xFFFF  }
.LBB2_4:
0x3d: {  	s0 =	sshll.u32 s29, $0x7  }
0x3e: {  	s0 =	sadd.s32 s15, s0  }
0x3f: {  	s0 =	sshrl.u32 s0, $0x3  }
0x40: {  	s30 =	sadd.s32 s1, s0  }
0x41: {  	[tilespmem:s22], [sflag:$0x2] =	stream.linear.gather [hbm4b:s30+s28], $0x80, $0x38;
	[tilespmem:$0x13980] =	vst v63  }
0x42: {  	_ =	swait.ge [sflag:s19], $0x80  }
0x43: {  	[sflag:s19] =	ssyncset.done $0x0  }
0x44: {  	s0 =	sadd.s32 s3, s0;
	[sflag:s19] =	ssyncadd.s32 $0xFFFFFF80  }
0x45: {  	[tilespmem:s23], [sflag:$0x2] =	stream.linear.gather [hbm4b:s0+s28], $0x80, $0x38;
	[tilespmem:$0x13980] =	vst v63  }
0x46: {  	_ =	swait.ge [sflag:s19], $0x80  }
0x47: {  	[sflag:s19] =	ssyncset.done $0x0  }
0x48: {  	[sflag:s19] =	ssyncadd.s32 $0xFFFFFF80  }
0x49: {  	v1 =	vld [tilespmem:$0x7800]  }
0x4a: {  	v2 =	vld [tilespmem:$0x7880];
	_ =	sdelay $0x6  }
0x4b: {  	v3 =	vld.idx.msk [tilespmem:v1+s28+$0x0], $0xffff  }
0x4c: {  	v4 =	vld.idx.msk [tilespmem:v2+s20+$0x0], $0xffff;
	_ =	sdelay $0x4  }
0x4d: {  	v3 =	vadd.f32 v4, v3;
	_ =	sdelay $0x1  }
0x4e: {  	v3 =	vadd.f32 v3, v3;
	_ =	sdelay $0x1  }
0x4f: {  	v3 =	vmul.f32 $1.442695020e+00, v3;
	_ =	sdelay $0x1  }
0x50: {  	(erf) = vpow2.f32 v3;
	_ =	sdelay $0x8  }
0x51: {  	v3 =	vpop (erf)  }
0x52: {  	v3 =	vadd.f32 $1.000000000e+00, v3;
	_ =	sdelay $0x1  }
0x53: {  	(erf) = vrcp.f32 v3;
	_ =	sdelay $0x8  }
0x54: {  	v1 =	vld.idx.msk [tilespmem:v1+s21+$0x0], $0xffff;
	v3 =	vpop (erf)  }
0x55: {  	v2 =	vld.idx.msk [tilespmem:v2+s21+$0x0], $0xffff;
	v3 =	vadd.f32 v3, v3  }
0x56: {  	v4 =	vld [tilespmem:$0x7810]  }
0x57: {  	v5 =	vld [tilespmem:$0x7890];
	v3 =	vsub.f32 $1.000000000e+00, v3;
	_ =	sdelay $0x1  }
0x58: {  	v1 =	vmul.f32 v3, v1;
	_ =	sdelay $0x1  }
0x59: {  	v1 =	vmul.f32 v1, v2;
	_ =	sdelay $0x1  }
0x5a: {  	[tilespmem:$0x7900] =	vst v1  }
0x5b: {  	v1 =	vld.idx.msk [tilespmem:v4+s28+$0x0], $0xffff  }
0x5c: {  	v2 =	vld.idx.msk [tilespmem:v5+s20+$0x0], $0xffff;
	_ =	sdelay $0x4  }
0x5d: {  	v1 =	vadd.f32 v2, v1;
	_ =	sdelay $0x1  }
0x5e: {  	v1 =	vadd.f32 v1, v1;
	_ =	sdelay $0x1  }
0x5f: {  	v1 =	vmul.f32 $1.442695020e+00, v1;
	_ =	sdelay $0x1  }
0x60: {  	(erf) = vpow2.f32 v1;
	_ =	sdelay $0x8  }
0x61: {  	v1 =	vpop (erf)  }
0x62: {  	v1 =	vadd.f32 $1.000000000e+00, v1;
	_ =	sdelay $0x1  }
0x63: {  	(erf) = vrcp.f32 v1;
	_ =	sdelay $0x8  }
0x64: {  	v1 =	vld.idx.msk [tilespmem:v4+s21+$0x0], $0xffff;
	v2 =	vpop (erf)  }
0x65: {  	v3 =	vld.idx.msk [tilespmem:v5+s21+$0x0], $0xffff;
	v2 =	vadd.f32 v2, v2  }
0x66: {  	v4 =	vld [tilespmem:$0x7820]  }
0x67: {  	v5 =	vld [tilespmem:$0x78A0];
	v2 =	vsub.f32 $1.000000000e+00, v2;
	_ =	sdelay $0x1  }
0x68: {  	v1 =	vmul.f32 v2, v1;
	_ =	sdelay $0x1  }
0x69: {  	v1 =	vmul.f32 v1, v3;
	_ =	sdelay $0x1  }
0x6a: {  	[tilespmem:$0x7910] =	vst v1  }
0x6b: {  	v1 =	vld.idx.msk [tilespmem:v4+s28+$0x0], $0xffff  }
0x6c: {  	v2 =	vld.idx.msk [tilespmem:v5+s20+$0x0], $0xffff;
	_ =	sdelay $0x4  }
0x6d: {  	v1 =	vadd.f32 v2, v1;
	_ =	sdelay $0x1  }
0x6e: {  	v1 =	vadd.f32 v1, v1;
	_ =	sdelay $0x1  }
0x6f: {  	v1 =	vmul.f32 $1.442695020e+00, v1;
	_ =	sdelay $0x1  }
0x70: {  	(erf) = vpow2.f32 v1;
	_ =	sdelay $0x8  }
0x71: {  	v1 =	vpop (erf)  }
0x72: {  	v1 =	vadd.f32 $1.000000000e+00, v1;
	_ =	sdelay $0x1  }
0x73: {  	(erf) = vrcp.f32 v1;
	_ =	sdelay $0x8  }
0x74: {  	v1 =	vld.idx.msk [tilespmem:v4+s21+$0x0], $0xffff;
	v2 =	vpop (erf)  }
0x75: {  	v3 =	vld.idx.msk [tilespmem:v5+s21+$0x0], $0xffff;
	v2 =	vadd.f32 v2, v2  }
0x76: {  	v4 =	vld [tilespmem:$0x7830]  }
0x77: {  	v5 =	vld [tilespmem:$0x78B0];
	v2 =	vsub.f32 $1.000000000e+00, v2;
	_ =	sdelay $0x1  }
0x78: {  	v1 =	vmul.f32 v2, v1;
	_ =	sdelay $0x1  }
0x79: {  	v1 =	vmul.f32 v1, v3;
	_ =	sdelay $0x1  }
0x7a: {  	[tilespmem:$0x7920] =	vst v1  }
0x7b: {  	v1 =	vld.idx.msk [tilespmem:v4+s28+$0x0], $0xffff  }
0x7c: {  	v2 =	vld.idx.msk [tilespmem:v5+s20+$0x0], $0xffff;
	_ =	sdelay $0x4  }
0x7d: {  	v1 =	vadd.f32 v2, v1;
	_ =	sdelay $0x1  }
0x7e: {  	v1 =	vadd.f32 v1, v1;
	_ =	sdelay $0x1  }
0x7f: {  	v1 =	vmul.f32 $1.442695020e+00, v1;
	_ =	sdelay $0x1  }
0x80: {  	(erf) = vpow2.f32 v1;
	_ =	sdelay $0x8  }
0x81: {  	v1 =	vpop (erf)  }
0x82: {  	v1 =	vadd.f32 $1.000000000e+00, v1;
	_ =	sdelay $0x1  }
0x83: {  	(erf) = vrcp.f32 v1;
	_ =	sdelay $0x8  }
0x84: {  	v1 =	vld.idx.msk [tilespmem:v4+s21+$0x0], $0xffff;
	v2 =	vpop (erf)  }
0x85: {  	v3 =	vld.idx.msk [tilespmem:v5+s21+$0x0], $0xffff;
	v2 =	vadd.f32 v2, v2  }
0x86: {  	v4 =	vld [tilespmem:$0x7840]  }
0x87: {  	v5 =	vld [tilespmem:$0x78C0];
	v2 =	vsub.f32 $1.000000000e+00, v2;
	_ =	sdelay $0x1  }
0x88: {  	v1 =	vmul.f32 v2, v1;
	_ =	sdelay $0x1  }
0x89: {  	v1 =	vmul.f32 v1, v3;
	_ =	sdelay $0x1  }
0x8a: {  	[tilespmem:$0x7930] =	vst v1  }
0x8b: {  	v1 =	vld.idx.msk [tilespmem:v4+s28+$0x0], $0xffff  }
0x8c: {  	v2 =	vld.idx.msk [tilespmem:v5+s20+$0x0], $0xffff;
	_ =	sdelay $0x4  }
0x8d: {  	v1 =	vadd.f32 v2, v1;
	_ =	sdelay $0x1  }
0x8e: {  	v1 =	vadd.f32 v1, v1;
	_ =	sdelay $0x1  }
0x8f: {  	v1 =	vmul.f32 $1.442695020e+00, v1;
	_ =	sdelay $0x1  }
0x90: {  	(erf) = vpow2.f32 v1;
	_ =	sdelay $0x8  }
0x91: {  	v1 =	vpop (erf)  }
0x92: {  	v1 =	vadd.f32 $1.000000000e+00, v1;
	_ =	sdelay $0x1  }
0x93: {  	(erf) = vrcp.f32 v1;
	_ =	sdelay $0x8  }
0x94: {  	v1 =	vld.idx.msk [tilespmem:v4+s21+$0x0], $0xffff;
	v2 =	vpop (erf)  }
0x95: {  	v3 =	vld.idx.msk [tilespmem:v5+s21+$0x0], $0xffff;
	v2 =	vadd.f32 v2, v2  }
0x96: {  	v4 =	vld [tilespmem:$0x7850]  }
0x97: {  	v5 =	vld [tilespmem:$0x78D0];
	v2 =	vsub.f32 $1.000000000e+00, v2;
	_ =	sdelay $0x1  }
0x98: {  	v1 =	vmul.f32 v2, v1;
	_ =	sdelay $0x1  }
0x99: {  	v1 =	vmul.f32 v1, v3;
	_ =	sdelay $0x1  }
0x9a: {  	[tilespmem:$0x7940] =	vst v1  }
0x9b: {  	v1 =	vld.idx.msk [tilespmem:v4+s28+$0x0], $0xffff  }
0x9c: {  	v2 =	vld.idx.msk [tilespmem:v5+s20+$0x0], $0xffff;
	_ =	sdelay $0x4  }
0x9d: {  	v1 =	vadd.f32 v2, v1;
	_ =	sdelay $0x1  }
0x9e: {  	v1 =	vadd.f32 v1, v1;
	_ =	sdelay $0x1  }
0x9f: {  	v1 =	vmul.f32 $1.442695020e+00, v1;
	_ =	sdelay $0x1  }
0xa0: {  	(erf) = vpow2.f32 v1;
	_ =	sdelay $0x8  }
0xa1: {  	v1 =	vpop (erf)  }
0xa2: {  	v1 =	vadd.f32 $1.000000000e+00, v1;
	_ =	sdelay $0x1  }
0xa3: {  	(erf) = vrcp.f32 v1;
	_ =	sdelay $0x8  }
0xa4: {  	v1 =	vld.idx.msk [tilespmem:v4+s21+$0x0], $0xffff;
	v2 =	vpop (erf)  }
0xa5: {  	v3 =	vld.idx.msk [tilespmem:v5+s21+$0x0], $0xffff;
	v2 =	vadd.f32 v2, v2  }
0xa6: {  	v4 =	vld [tilespmem:$0x7860]  }
0xa7: {  	v5 =	vld [tilespmem:$0x78E0];
	v2 =	vsub.f32 $1.000000000e+00, v2;
	_ =	sdelay $0x1  }
0xa8: {  	v1 =	vmul.f32 v2, v1;
	_ =	sdelay $0x1  }
0xa9: {  	v1 =	vmul.f32 v1, v3;
	_ =	sdelay $0x1  }
0xaa: {  	[tilespmem:$0x7950] =	vst v1  }
0xab: {  	v1 =	vld.idx.msk [tilespmem:v4+s28+$0x0], $0xffff  }
0xac: {  	v2 =	vld.idx.msk [tilespmem:v5+s20+$0x0], $0xffff;
	_ =	sdelay $0x4  }
0xad: {  	v1 =	vadd.f32 v2, v1;
	_ =	sdelay $0x1  }
0xae: {  	v1 =	vadd.f32 v1, v1;
	_ =	sdelay $0x1  }
0xaf: {  	v1 =	vmul.f32 $1.442695020e+00, v1;
	_ =	sdelay $0x1  }
0xb0: {  	(erf) = vpow2.f32 v1;
	_ =	sdelay $0x8  }
0xb1: {  	v1 =	vpop (erf)  }
0xb2: {  	v1 =	vadd.f32 $1.000000000e+00, v1;
	_ =	sdelay $0x1  }
0xb3: {  	(erf) = vrcp.f32 v1;
	_ =	sdelay $0x8  }
0xb4: {  	v1 =	vld.idx.msk [tilespmem:v4+s21+$0x0], $0xffff;
	v2 =	vpop (erf)  }
0xb5: {  	v3 =	vld.idx.msk [tilespmem:v5+s21+$0x0], $0xffff;
	v2 =	vadd.f32 v2, v2  }
0xb6: {  	v4 =	vld [tilespmem:$0x7870]  }
0xb7: {  	v5 =	vld [tilespmem:$0x78F0];
	v2 =	vsub.f32 $1.000000000e+00, v2;
	_ =	sdelay $0x1  }
0xb8: {  	v1 =	vmul.f32 v2, v1;
	_ =	sdelay $0x1  }
0xb9: {  	v1 =	vmul.f32 v1, v3;
	_ =	sdelay $0x1  }
0xba: {  	[tilespmem:$0x7960] =	vst v1  }
0xbb: {  	v1 =	vld.idx.msk [tilespmem:v4+s28+$0x0], $0xffff  }
0xbc: {  	v2 =	vld.idx.msk [tilespmem:v5+s20+$0x0], $0xffff;
	_ =	sdelay $0x4  }
0xbd: {  	v1 =	vadd.f32 v2, v1;
	_ =	sdelay $0x1  }
0xbe: {  	v1 =	vadd.f32 v1, v1;
	_ =	sdelay $0x1  }
0xbf: {  	v1 =	vmul.f32 $1.442695020e+00, v1;
	_ =	sdelay $0x1  }
0xc0: {  	(erf) = vpow2.f32 v1;
	_ =	sdelay $0x8  }
0xc1: {  	v1 =	vpop (erf)  }
0xc2: {  	v1 =	vadd.f32 $1.000000000e+00, v1;
	_ =	sdelay $0x1  }
0xc3: {  	(erf) = vrcp.f32 v1;
	_ =	sdelay $0x8  }
0xc4: {  	v1 =	vld.idx.msk [tilespmem:v4+s21+$0x0], $0xffff;
	v2 =	vpop (erf)  }
0xc5: {  	v2 =	vadd.f32 v2, v2  }
0xc6: {  	v3 =	vld.idx.msk [tilespmem:v5+s21+$0x0], $0xffff  }
0xc7: {  	v2 =	vsub.f32 $1.000000000e+00, v2;
	_ =	sdelay $0x1  }
0xc8: {  	v1 =	vmul.f32 v2, v1;
	_ =	sdelay $0x1  }
0xc9: {  	v1 =	vmul.f32 v1, v3;
	_ =	sdelay $0x1  }
0xca: {  	[tilespmem:$0x7970] =	vst v1  }
0xcb: {  	[tilespmem:s18], [sflag:$0x1] =	stream.indirect.gather [hbm4b:s6+s24], $0x40, s22, s24, $0xb8;
	[tilespmem:$0x13980] =	vst v63  }
0xcc: {  	v1 =	vmov s28;
	_ =	swait.ge [sflag:s25], $0x2000  }
0xcd: {  	[sflag:s25] =	ssyncset.done $0x0  }
0xce: {  	s30 =	simm.s32 $0x79A0;
	[sflag:s25] =	ssyncadd.s32 $0xFFFFE000  }
0xcf: {  	v3 =	vld [tilespmem:s30+$0xFFFFFFF0]  }
0xd0: {  	v4 =	vld [tilespmem:s30+$0x10]  }
0xd1: {  	v6 =	vld.idx.msk [tilespmem:v1+s26+$0x0], $0xffff  }
0xd2: {  	v1 =	vld [tilespmem:s30+$0xFFFFFFE0]  }
0xd3: {  	v7 =	vld [tilespmem:s30+$0x0];
	_ =	sdelay $0x3  }
0xd4: {  	s2 =	simm.s32 $0x1;
	v2 =	vmul.f32 v1, v6;
	v5 =	vmul.f32 v4, v6  }
0xd5: {  	s31 =	simm.s32 $0x2;
	s0 =	simm.s32 $0x79A0;
	v1 =	vmov s2;
	v4 =	vmul.f32 v3, v6;
	v3 =	vmul.f32 v7, v6  }
.LBB2_5:
0xd6: {  	p0 =	sne.s32 s31, $0x7F  }
0xd7: {  	[tilespmem:s30+$0x10] =	vst v5;
	s0 =	sadd.s32 $0x40, s0;
	s2 =	smov.u32 s31;
	s31 =	sadd.s32 $0x1, s31  }
0xd8: {  	[tilespmem:s30+$0xFFFFFFE0] =	vst v2  }
0xd9: {  	v6 =	vld [tilespmem:s0+$0xFFFFFFF0];
	[tilespmem:s30+$0xFFFFFFF0] =	vst v4  }
0xda: {  	v4 =	vld [tilespmem:s0+$0x10];
	[tilespmem:s30+$0x0] =	vst v3;
	s30 =	smov.u32 s0  }
0xdb: {  	v3 =	vld.idx.msk [tilespmem:v1+s26+$0x0], $0xffff  }
0xdc: {  	v1 =	vld [tilespmem:s0+$0xFFFFFFE0]  }
0xdd: {  	v7 =	vld [tilespmem:s0+$0x0]  }
.Ltmp1:
0xde: {  	(pc) =	sbr.rel @p0 .LBB2_5-.Ltmp1, $3  }
0xdf: {  	_ =	sdelay $0x1  }
0xe0: {  	v5 =	vmul.f32 v4, v3;
	v2 =	vmul.f32 v1, v3  }
0xe1: {  	v4 =	vmul.f32 v6, v3;
	v1 =	vmov s2;
	v3 =	vmul.f32 v7, v3  }
0xe2: {  	[tilespmem:s30+$0x10] =	vst v5  }
0xe3: {  	s0 =	sadd.s32 $0x40, s0;
	[tilespmem:s30+$0xFFFFFFE0] =	vst v2  }
0xe4: {  	v2 =	vld [tilespmem:s0+$0xFFFFFFF0];
	[tilespmem:s30+$0xFFFFFFF0] =	vst v4  }
0xe5: {  	v4 =	vld [tilespmem:s0+$0x10];
	[tilespmem:s30+$0x0] =	vst v3  }
0xe6: {  	v1 =	vld.idx.msk [tilespmem:v1+s26+$0x0], $0xffff  }
0xe7: {  	v3 =	vld [tilespmem:s0+$0xFFFFFFE0];
	_ =	sdelay $0x1  }
0xe8: {  	v5 =	vld [tilespmem:s0+$0x0];
	_ =	sdelay $0x1  }
0xe9: {  	v4 =	vmul.f32 v4, v1  }
0xea: {  	v3 =	vmul.f32 v3, v1  }
0xeb: {  	v2 =	vmul.f32 v2, v1;
	[tilespmem:s0+$0x10] =	vst v4  }
0xec: {  	s29 =	sadd.s32 $0x1, s29;
	v1 =	vmul.f32 v5, v1;
	[tilespmem:s0+$0xFFFFFFE0] =	vst v3  }
0xed: {  	p0 =	sne.s32 s29, $0x4F;
	[tilespmem:s0+$0xFFFFFFF0] =	vst v2  }
.Ltmp2:
0xee: {  	[tilespmem:s0+$0x0] =	vst v1;
	(pc) =	sbr.rel @p0 .LBB2_4-.Ltmp2, $4  }
0xef: {  	[spmem:s4] =	stream.indirect.scatter.add.f32 [tilespmem:s18], [sflag:$0x2], $0x40, s23, s24, $0xb8;
	[tilespmem:$0x13980] =	vst v63  }
0xf0: {  	_ =	swait.ge [sflag:s19], $0x2000  }
0xf1: {  	[sflag:s19] =	ssyncset.done $0x0  }
0xf2: {  	[sflag:s19] =	ssyncadd.s32 $0xFFFFE000  }
0xf3: {  	s0 =	stileid.u32;
	s5 =	sadd.s32 $0x1, s5  }
0xf4: {  	[bflag:$0x0] =	sbarrier.arrive $0xFFFF;
	s0 =	sshll.u32 s0, $0x6;
	p0 =	sne.s32 s5, s17  }
.Ltmp3:
0xf5: {  	s2 =	sshrl.u32 s10, $0x3;
	s0 =	sor.u32 $0x1C02, s0;
	(pc) =	sbr.rel @p0 .LBB2_1-.Ltmp3, $4  }
0xf6: {  	[hbm:s16], [sflag:s0] =	dma.local [spmem:s2], $0x1400  }
0xf7: {  	_ =	swait.ge [sflag:s19], $0x1400  }
0xf8: {  	[sflag:s19] =	ssyncset.done $0x0  }
0xf9: {  	[sflag:s19] =	ssyncadd.s32 $0xFFFFEC00  }
0xfa: {  	_ =	sfence.sel $0x180000  }
0xfb: {  	[bflag:$0x0] =	sbarrier.arrive $0xFFFF  }
0xfc: {  	_ =	strace $0x9000004D  }
0xfd: {  	s0 =	stileid.u32;
	[bflag:$0x2] =	sbarrier.arrive $0xFFFF  }
0xfe: {  	p0 =	sne.s32 s0, $0x0;
	s0 =	rddreg [dreg:$0x4]  }
0xff: {  	s0 =	sadd.s32 @!p0 $0x100000, s0  }
0x100: {  	[sflag:s0] =	ssyncadd.tile.s32 @!p0 $0x1;
	_ =	shalt  }
.Lfunc_end2:
_tile_overlayer_lowered:
.L_overlay_start_2:
0x101: {  	(tag) =	ssettag $0x2  }
0x102: {  	s0 =	rddreg [dreg:$0x0];
	s2 =	stileid.u32  }
0x103: {  	s1 =	rddreg [dreg:$0x1];
	p0 =	sne.s32 s2, $0x0  }
0x104: {  	s3 =	rddreg [dreg:$0x2];
	[bflag:$0x3] =	sbarrier.arrive $0xFFFF;
	s2 =	simm.s32 @!p0 $0x1C02  }
0x105: {  	[timem:s3], [sflag:s2] =	dma.local @!p0 [hbm:s0], s1  }
0x106: {  	s0 =	simm.s32 @!p0 $0x2  }
0x107: {  	_ =	swait.ge @!p0 [sflag:s0], s1  }
0x108: {  	s1 =	ssub.s32 @!p0 $0x0, s1;
	[sflag:s0] =	ssyncset.done @!p0 $0x0  }
0x109: {  	[sflag:s0] =	ssyncadd.s32 @!p0 s1  }
0x10a: {  	[bflag:$0x3] =	sbarrier.arrive $0xFFFF  }
0x10b: {  	_ =	shalt  }

// kernel: kernel.8.cloned.1.call-start
scs
__scs_entry_jumppad:
0x0: {  	(pc) =	sbr.rel $0x88, $3  }
0x1: {  	(tag) =	ssettag $0x0;
	lr =	simm.s32 $0x1  }
0x2: {  	[smem:$0x3F97] =	sst lr;
	_ =	strace $0xD0000000  }
0x3: {  	_ = 	snop  }
0x4: {  	_ = 	snop  }
0x5: {  	_ = 	snop  }
0x6: {  	_ = 	snop  }
0x7: {  	_ = 	snop  }
__scs_overlays_trampoline_lowered:
0x8: {  	[smem:$0x3FA6] =	sst s0  }
0x9: {  	[smem:$0x3FA7] =	sst s1  }
0xa: {  	[smem:$0x3FA8] =	sst s2  }
0xb: {  	[smem:$0x3FA9] =	sst s3  }
0xc: {  	[smem:$0x3FAA] =	sst s4  }
0xd: {  	[smem:$0x3FAB] =	sst s5  }
0xe: {  	[smem:$0x3FAC] =	sst s6  }
0xf: {  	[smem:$0x3FAD] =	sst s7  }
0x10: {  	[smem:$0x3FAE] =	sst s8  }
0x11: {  	[smem:$0x3FAF] =	sst s9;
	s0 =	simm.s32 @!p0 $0x0  }
0x12: {  	s1 =	sld [smem:$0x3F95];
	s0 =	simm.s32 @p0 $0x1  }
0x13: {  	[smem:$0x3FB0] =	sst s0;
	s0 =	simm.s32 @!p1 $0x0  }
0x14: {  	s2 =	sld [smem:$0x3F94];
	s0 =	simm.s32 @p1 $0x1  }
0x15: {  	[smem:$0x3FB1] =	sst s0;
	s0 =	simm.s32 @!p2 $0x0  }
0x16: {  	s3 =	sld [smem:$0x3FDB];
	s0 =	simm.s32 @p2 $0x1  }
0x17: {  	s4 =	simm.s32 $0x1BF5;
	[smem:$0x3FB3] =	sst s0  }
0x18: {  	s0 =	sld [smem:$0x3F96];
	_ =	swait.ge [sflag:s4], $0x0  }
0x19: {  	s7 =	sld [smem:$0x3F97]  }
0x1a: {  	s8 =	sadd.s32 $0xFFFFE003, lr  }
0x1b: {  	s9 =	sadd.s32 $0xFFFFFEF7, lr;
	s5 =	simm.s32 $0xFFFFFFFF;
	p2 =	slt.u32 s8, $0xFFFFF086  }
0x1c: {  	p1 =	slt.u32 s9, $0xF7A;
	s5 =	simm.s32 @!p2 $0x0  }
0x1d: {  	s5 =	simm.s32 @p1 $0x1;
	p0 =	seq.s32 s7, s2  }
0x1e: {  	s7 =	smul.u32 @!p0 $0xF7A, s2;
	p2 =	seq.s32 @!p0 s5, $0x0  }
0x1f: {  	s9 =	smul.u32 $0xF7A, s1;
	s8 =	simm.s32 @!p0 $0x1BF5;
	p2 =	por !p2, p0  }
0x20: {  	[sflag:s8] =	ssyncset.s32 @!p0 $0xFFFFF086;
	s6 =	sadd.s32 @!p0 s3, s7;
	s7 =	simm.s32 @!p0 $0x108  }
0x21: {  	s3 =	sadd.s32 s3, s9;
	s6 =	sadd.s32 @!p0 $0x88, s6;
	s7 =	simm.s32 @p2 $0x1082  }
0x22: {  	[simem:s7], [sflag:s8] =	dma.local @!p0 [hbm:s6], $0xF7A  }
0x23: {  	s9 =	sor.u32 $0xD0000000, s2;
	s6 =	simm.s32 $0x108;
	_ =	swait.ge @!p0 [sflag:s8], $0x0  }
0x24: {  	s3 =	sadd.s32 $0x88, s3;
	s6 =	simm.s32 @!p1 $0x1082;
	[sflag:s4] =	ssyncset.s32 $0xFFFFF086  }
0x25: {  	[simem:s6], [sflag:s4] =	dma.local [hbm:s3], $0xF7A  }
0x26: {  	[smem:$0x3F97] =	sst s1;
	(tag) =	ssettag s2;
	_ =	strace s9  }
0x27: {  	s1 =	sld [smem:$0x3FA7]  }
0x28: {  	s2 =	sld [smem:$0x3FA8]  }
0x29: {  	s4 =	sld [smem:$0x3FAA]  }
0x2a: {  	p0 =	seq.s32 s5, $0x0;
	s5 =	sld [smem:$0x3FAB]  }
0x2b: {  	s6 =	sld [smem:$0x3FAC]  }
0x2c: {  	s7 =	sld [smem:$0x3FAD]  }
0x2d: {  	s3 =	simm.s32 $0x108;
	s8 =	sld [smem:$0x3FAE]  }
0x2e: {  	s3 =	simm.s32 @!p0 $0x1082;
	s9 =	sld [smem:$0x3FAF]  }
0x2f: {  	lr =	sadd.s32 s0, s3;
	s0 =	sld [smem:$0x3FA6]  }
0x30: {  	s3 =	sld [smem:$0x3FA9]  }
0x31: {  	[smem:$0x3FB2] =	sst s10  }
0x32: {  	s10 =	sld [smem:$0x3FB0];
	_ =	sdelay $0x3  }
0x33: {  	p0 =	seq.s32 s10, $0x1;
	s10 =	sld [smem:$0x3FB2];
	_ =	sdelay $0x3  }
0x34: {  	[smem:$0x3FB2] =	sst s10  }
0x35: {  	s10 =	sld [smem:$0x3FB1];
	_ =	sdelay $0x3  }
0x36: {  	p1 =	seq.s32 s10, $0x1;
	s10 =	sld [smem:$0x3FB2];
	_ =	sdelay $0x3  }
0x37: {  	[smem:$0x3FB2] =	sst s10  }
0x38: {  	s10 =	sld [smem:$0x3FB3]  }
0x39: {  	_ = 	snop;
	(pc) =	sbr.ind lr, $3  }
0x3a: {  	_ = 	snop  }
0x3b: {  	_ = 	snop  }
0x3c: {  	p2 =	seq.s32 s10, $0x1;
	s10 =	sld [smem:$0x3FB2]  }
0x3d: {  	_ =	shalt  }
0x3e: {  	_ =	shalt  }
0x3f: {  	_ =	shalt  }
0x40: {  	_ =	shalt  }
0x41: {  	_ =	shalt  }
0x42: {  	_ =	shalt  }
0x43: {  	_ =	shalt  }
0x44: {  	_ =	shalt  }
0x45: {  	_ =	shalt  }
0x46: {  	_ =	shalt  }
0x47: {  	_ =	shalt  }
0x48: {  	_ =	shalt  }
0x49: {  	_ =	shalt  }
0x4a: {  	_ =	shalt  }
0x4b: {  	_ =	shalt  }
0x4c: {  	_ =	shalt  }
0x4d: {  	_ =	shalt  }
0x4e: {  	_ =	shalt  }
0x4f: {  	_ =	shalt  }
0x50: {  	_ =	shalt  }
0x51: {  	_ =	shalt  }
0x52: {  	_ =	shalt  }
0x53: {  	_ =	shalt  }
0x54: {  	_ =	shalt  }
0x55: {  	_ =	shalt  }
0x56: {  	_ =	shalt  }
0x57: {  	_ =	shalt  }
0x58: {  	_ =	shalt  }
0x59: {  	_ =	shalt  }
0x5a: {  	_ =	shalt  }
0x5b: {  	_ =	shalt  }
0x5c: {  	_ =	shalt  }
0x5d: {  	_ =	shalt  }
0x5e: {  	_ =	shalt  }
0x5f: {  	_ =	shalt  }
0x60: {  	_ =	shalt  }
0x61: {  	_ =	shalt  }
0x62: {  	_ =	shalt  }
0x63: {  	_ =	shalt  }
0x64: {  	_ =	shalt  }
0x65: {  	_ =	shalt  }
0x66: {  	_ =	shalt  }
0x67: {  	_ =	shalt  }
0x68: {  	_ =	shalt  }
0x69: {  	_ =	shalt  }
0x6a: {  	_ =	shalt  }
0x6b: {  	_ =	shalt  }
0x6c: {  	_ =	shalt  }
0x6d: {  	_ =	shalt  }
0x6e: {  	_ =	shalt  }
0x6f: {  	_ =	shalt  }
0x70: {  	_ =	shalt  }
0x71: {  	_ =	shalt  }
0x72: {  	_ =	shalt  }
0x73: {  	_ =	shalt  }
0x74: {  	_ =	shalt  }
0x75: {  	_ =	shalt  }
0x76: {  	_ =	shalt  }
0x77: {  	_ =	shalt  }
0x78: {  	_ =	shalt  }
0x79: {  	_ =	shalt  }
0x7a: {  	_ =	shalt  }
0x7b: {  	_ =	shalt  }
0x7c: {  	_ =	shalt  }
0x7d: {  	_ =	shalt  }
0x7e: {  	_ =	shalt  }
0x7f: {  	_ =	shalt  }
0x80: {  	_ =	shalt  }
0x81: {  	_ =	shalt  }
0x82: {  	_ =	shalt  }
0x83: {  	_ =	shalt  }
0x84: {  	_ =	shalt  }
0x85: {  	_ =	shalt  }
0x86: {  	_ =	shalt  }
0x87: {  	_ =	shalt  }
.Lfunc_end0:
.L_simem_size_0:
called_computation_lowered:
.L_overlay_start_0:
0x88: {  	s2 =	sld [smem:$0x3FD9]  }
0x89: {  	s3 =	sld [smem:$0x3FFE];
	_ =	sdelay $0x1  }
0x8a: {  	s1 =	srdreg.scid  }
0x8b: {  	s0 =	sand.u32 $0x1, s1  }
0x8c: {  	s14 =	sshll.u32 s0, $0xA;
	s2 =	sadd.s32 s3, s2  }
0x8d: {  	s2 =	sadd.s32 s2, s14  }
0x8e: {  	[smem:$0x3FBE] =	sst s2  }
0x8f: {  	_ = 	snop  }
0x90: {  	s2 =	sld [smem:$0x3FD0];
	_ =	sdelay $0x2  }
0x91: {  	s15 =	simm.s32 $0xA;
	s4 =	simm.s32 $0x10  }
0x92: {  	[smem:s4], [sflag:s15] =	dma.local [hbm:s2], $0x1  }
0x93: {  	_ =	swait.eq [sflag:s15], $0x1  }
0x94: {  	[sflag:s15] =	ssyncset.done $0x0  }
0x95: {  	[sflag:s15] =	ssyncadd.s32 $0xFFFFFFFF  }
0x96: {  	s16 =	sld [smem:$0x10];
	(tm) =	ssettm $0x1  }
0x97: {  	s17 =	sld [smem:$0x3FFB];
	_ =	sdelay $0x3  }
0x98: {  	_ =	strace s17  }
0x99: {  	s3 =	sld [smem:$0x3FFC];
	_ =	sdelay $0x3  }
0x9a: {  	_ =	strace s3  }
0x9b: {  	s3 =	sld [smem:$0x3FFD];
	_ =	sdelay $0x3  }
0x9c: {  	_ =	strace s3  }
0x9d: {  	_ =	strace $0x8FFFFFFF  }
0x9e: {  	s18 =	sld [smem:$0x3FDB];
	_ =	sdelay $0x1  }
0x9f: {  	s19 =	simm.s32 $_scs_section_size  }
0xa0: {  	s5 =	simm.s32 $_size__tile_overlayer_lowered;
	s6 =	simm.s32 $_tile_overlayer_lowered  }
0xa1: {  	s22 =	simm.s32 $0x1BFF;
	s21 =	sshll.u32 s6, $0x1;
	s3 =	sadd.s32 s19, s18  }
0xa2: {  	s7 =	simm.s32 $0x0;
	s20 =	sshll.u32 s5, $0x1;
	s5 =	sadd.s32 s21, s3  }
0xa3: {  	[timem:s7], [sflag:s22] =	dma.local [hbm:s5], s20  }
0xa4: {  	_ =	swait.ge [sflag:s22], s20  }
0xa5: {  	s4 =	ssub.s32 $0x0, s20;
	[sflag:s22] =	ssyncset.done $0x0  }
0xa6: {  	[sflag:s22] =	ssyncadd.s32 s4;
	_ =	sdelay $0x1  }
0xa7: {  	s23 =	simm.s32 $0x1B8B  }
0xa8: {  	_ =	swait.ge [sflag:s23], $0x1  }
0xa9: {  	[sflag:s23] =	ssyncset.done $0x0  }
0xaa: {  	s25 =	simm.s32 $0x1B8E;
	s24 =	sld [smem:$0x3FFE];
	[sflag:s23] =	ssyncadd.s32 $0xFFFFFFFF  }
0xab: {  	s26 =	simm.s32 $execute0_lowered;
	[smem:$0x3FD2] =	sst s25  }
0xac: {  	s5 =	sshll.u32 s26, $0x1;
	_ =	strace $0x80000046;
	[dreg:$0x1] =	wrdreg $0xFFFFFFFF  }
0xad: {  	s28 =	simm.s32 $_size_execute0_lowered;
	s3 =	sadd.s32 s3, s5;
	[dreg:$0x0] =	wrdreg $0x0  }
0xae: {  	s5 =	sshll.u32 s28, $0x1;
	[dreg:$0x2] =	wrdreg s3  }
0xaf: {  	[dreg:$0x3] =	wrdreg s5  }
0xb0: {  	[dreg:$0x4] =	wrdreg $0xC0  }
0xb1: {  	_ =	task [dreg:s7], $0x5FFFF  }
0xb2: {  	[dreg:$0x1] =	wrdreg $0xFFFFFFFF  }
0xb3: {  	[dreg:$0x0] =	wrdreg $0x60  }
0xb4: {  	[dreg:$0x2] =	wrdreg s16  }
0xb5: {  	[dreg:$0x3] =	wrdreg s24  }
0xb6: {  	[dreg:$0x4] =	wrdreg $0x3800  }
0xb7: {  	[dreg:$0x5] =	wrdreg $0x9  }
0xb8: {  	_ =	task.clear_ibuf [dreg:s7], $0x6FFFF;
	_ =	strace $0x90000046  }
0xb9: {  	s29 =	simm.s32 $0x9;
	_ =	strace $0x80000048  }
0xba: {  	_ =	swait.ge [sflag:s29], $0x1  }
0xbb: {  	[sflag:s29] =	ssyncadd.s32 $0xFFFFFFFF  }
0xbc: {  	_ =	strace $0x90000048  }
0xbd: {  	_ =	sfence  }
0xbe: {  	s30 =	sld [smem:$0x0];
	_ =	sdelay $0x2  }
0xbf: {  	s31 =	sshll.u32 s1, $0xD;
	s1 =	sshrl.u32 s1, $0x2  }
0xc0: {  	s3 =	sand.u32 $0x4000, s31;
	s1 =	sadd.s32 s1, s30  }
0xc1: {  	s0 =	sor.u32 s3, s0;
	s1 =	sshll.u32 s1, $0x11  }
0xc2: {  	s0 =	sor.u32 s1, s0  }
0xc3: {  	s0 =	sadd.s32 $0x8F2B, s0  }
0xc4: {  	[sflag:s0] =	ssyncadd.remote.s32 $0x1  }
0xc5: {  	_ =	sfence.sel $0xFFFF  }
0xc6: {  	[dreg:$0x0] =	wrdreg $0xFFFFFFFF;
	(pc) =	sbr.abs _section_cstart, $3  }
0xc7: {  	[dreg:$0x1] =	wrdreg $0xFFFFFFFF  }
0xc8: {  	_ =	task.clear_ibuf [dreg:s7], $0x2FFFF;
	_ =	strace $0x9FFFFFFF  }
0xc9: {  	(tm) =	ssettm $0x7FFFFFFF  }
tec
execute0_lowered:
.L_overlay_start_1:
0x0: {  	(tag) =	ssettag $0x1  }
0x1: {  	s7 =	rddreg [dreg:$0x0]  }
0x2: {  	s4 =	rddreg [dreg:$0x1]  }
0x3: {  	s1 =	srdreg.scid;
	s0 =	stileid.u32  }
0x4: {  	s2 =	rddreg [dreg:$0x2];
	s6 =	smul.u32 $0x280, s0  }
0x5: {  	s3 =	simm.s32 $0x0;
	s5 =	sand.u32 $0x1, s1;
	s10 =	smul.u32 $0x2780, s0  }
0x6: {  	s13 =	simm.s32 $0x0;
	s1 =	rddreg [dreg:$0x3];
	s8 =	smul.u32 $0x2800, s5  }
0x7: {  	[smem:$0x7FF] =	sst s3;
	s9 =	smul.u32 $0x27800, s5;
	s5 =	ssub.s32 $0x2, s5  }
0x8: {  	s31 =	sshll.u32 s0, $0x6;
	_ =	strace $0x80000047;
	s11 =	sshrl.u32 s5, $0x1  }
0x9: {  	s8 =	sadd.s32 s6, s8;
	s11 =	ssub.s32 s5, s11;
	s9 =	sadd.s32 s10, s9  }
0xa: {  	s10 =	simm.s32 $0x80;
	s8 =	sshrl.u32 s8, $0x3;
	s30 =	sshrl.u32 s9, $0x3  }
0xb: {  	s9 =	simm.s32 $0x1;
	s8 =	sadd.s32 s8, s4;
	s4 =	sadd.s32 s6, s2  }
0xc: {  	s6 =	smax.u32 s11, $0x1;
	s7 =	sadd.s32 s30, s7;
	s11 =	sor.u32 $0x1C01, s31  }
0xd: {  	v0 =	vimm.f32 $1.000000000e+00;
	v1 =	vimm.f32 $0.0e+00;
	s5 =	sadd.s32 $0x1E00, s8;
	s8 =	simm.s32 $0x100;
	s12 =	sshrl.u32 s4, $0x3  }
.LBB2_1:
0xe: {  	[tilespmem:$0x80] =	vst v0  }
0xf: {  	[tilespmem:$0x90] =	vst v0  }
0x10: {  	[tilespmem:$0xA0] =	vst v0  }
0x11: {  	[tilespmem:$0xB0] =	vst v0  }
0x12: {  	[tilespmem:$0xC0] =	vst v0  }
0x13: {  	[tilespmem:$0xD0] =	vst v0  }
0x14: {  	[tilespmem:$0xE0] =	vst v0  }
0x15: {  	[tilespmem:$0xF0] =	vst v0  }
0x16: {  	[tilespmem:$0x100] =	vst v1  }
0x17: {  	[tilespmem:$0x110] =	vst v1  }
0x18: {  	[tilespmem:$0x120] =	vst v1  }
0x19: {  	[tilespmem:$0x130] =	vst v1  }
0x1a: {  	[tilespmem:$0x140] =	vst v1  }
0x1b: {  	[tilespmem:$0x150] =	vst v1  }
0x1c: {  	[tilespmem:$0x160] =	vst v1  }
0x1d: {  	[tilespmem:$0x170] =	vst v1  }
0x1e: {  	[tilespmem:$0x180] =	vst v1  }
0x1f: {  	[tilespmem:$0x190] =	vst v1  }
0x20: {  	[tilespmem:$0x1A0] =	vst v1  }
0x21: {  	[tilespmem:$0x1B0] =	vst v1  }
0x22: {  	[tilespmem:$0x1C0] =	vst v1  }
0x23: {  	[tilespmem:$0x1D0] =	vst v1  }
0x24: {  	[tilespmem:$0x1E0] =	vst v1  }
0x25: {  	[tilespmem:$0x1F0] =	vst v1  }
0x26: {  	[tilespmem:$0x200] =	vst v1  }
0x27: {  	[tilespmem:$0x210] =	vst v1  }
0x28: {  	[tilespmem:$0x220] =	vst v1  }
0x29: {  	[tilespmem:$0x230] =	vst v1  }
0x2a: {  	[tilespmem:$0x240] =	vst v1  }
0x2b: {  	[tilespmem:$0x250] =	vst v1  }
0x2c: {  	[tilespmem:$0x260] =	vst v1  }
0x2d: {  	[tilespmem:$0x270] =	vst v1  }
0x2e: {  	[tilespmem:$0x280] =	vst v1  }
0x2f: {  	[tilespmem:$0x290] =	vst v1  }
0x30: {  	[tilespmem:$0x2A0] =	vst v1  }
0x31: {  	[tilespmem:$0x2B0] =	vst v1  }
0x32: {  	[tilespmem:$0x2C0] =	vst v1  }
0x33: {  	[tilespmem:$0x2D0] =	vst v1  }
0x34: {  	[tilespmem:$0x2E0] =	vst v1  }
0x35: {  	[tilespmem:$0x2F0] =	vst v1  }
0x36: {  	[tilespmem:$0x300] =	vst v1  }
0x37: {  	[tilespmem:$0x310] =	vst v1  }
0x38: {  	[tilespmem:$0x320] =	vst v1  }
0x39: {  	[tilespmem:$0x330] =	vst v1  }
0x3a: {  	[tilespmem:$0x340] =	vst v1  }
0x3b: {  	[tilespmem:$0x350] =	vst v1  }
0x3c: {  	[tilespmem:$0x360] =	vst v1  }
0x3d: {  	[tilespmem:$0x370] =	vst v1  }
0x3e: {  	[spmem:s4] =	stream.linear.scatter [tilespmem:s8], [sflag:$0x1], $0x280, $0x38;
	[tilespmem:$0x600] =	vst v63  }
0x3f: {  	_ =	swait.ge [sflag:s9], $0x280  }
0x40: {  	[sflag:s9] =	ssyncset.done $0x0  }
0x41: {  	[sflag:s9] =	ssyncadd.s32 $0xFFFFFD80  }
0x42: {  	s14 =	sadd.s32 $0x0, s7;
	[bflag:$0x0] =	sbarrier.arrive $0xFFFF  }
0x43: {  	[tilespmem:s3], [sflag:$0x1] =	stream.linear.gather [hbm4b:s14+s3], $0x80, $0x38;
	[tilespmem:$0x600] =	vst v63  }
0x44: {  	_ =	swait.ge [sflag:s9], $0x80  }
0x45: {  	[sflag:s9] =	ssyncset.done $0x0  }
0x46: {  	[sflag:s9] =	ssyncadd.s32 $0xFFFFFF80  }
0x47: {  	[spmem:s2] =	stream.indirect.scatter.add.f32 [tilespmem:s10], [sflag:$0x1], $0x1, s3, s10, $0xb8;
	[tilespmem:$0x600] =	vst v63  }
0x48: {  	_ =	swait.ge [sflag:s9], $0x80  }
0x49: {  	s15 =	simm.s32 $0x20;
	s14 =	simm.s32 $0x10;
	[sflag:s9] =	ssyncset.done $0x0  }
.LBB2_2:
0x4a: {  	s16 =	sadd.s32 s14, s7  }
0x4b: {  	[sflag:s9] =	ssyncadd.s32 $0xFFFFFF80;
	s14 =	smov.u32 s15;
	s17 =	sadd.s32 $0x10, s15  }
0x4c: {  	[tilespmem:s3], [sflag:$0x1] =	stream.linear.gather [hbm4b:s16+s3], $0x80, $0x38;
	[tilespmem:$0x600] =	vst v63  }
0x4d: {  	p0 =	sne.s32 s15, $0x4E0;
	_ =	swait.ge [sflag:s9], $0x80  }
.Ltmp0:
0x4e: {  	[sflag:s9] =	ssyncset.done $0x0;
	(pc) =	sbr.rel @p0 .LBB2_2-.Ltmp0, $4  }
0x4f: {  	[sflag:s9] =	ssyncadd.s32 $0xFFFFFF80  }
0x50: {  	[spmem:s2] =	stream.indirect.scatter.add.f32 [tilespmem:s10], [sflag:$0x1], $0x1, s3, s10, $0xb8;
	[tilespmem:$0x600] =	vst v63  }
0x51: {  	_ =	swait.ge [sflag:s9], $0x80  }
0x52: {  	s15 =	smov.u32 s17;
	[sflag:s9] =	ssyncset.done $0x0  }
0x53: {  	s14 =	sadd.s32 s14, s7;
	[sflag:s9] =	ssyncadd.s32 $0xFFFFFF80  }
0x54: {  	[tilespmem:s3], [sflag:$0x1] =	stream.linear.gather [hbm4b:s14+s3], $0x80, $0x38;
	[tilespmem:$0x600] =	vst v63  }
0x55: {  	_ =	swait.ge [sflag:s9], $0x80  }
0x56: {  	[sflag:s9] =	ssyncset.done $0x0  }
0x57: {  	[sflag:s9] =	ssyncadd.s32 $0xFFFFFF80  }
0x58: {  	[spmem:s2] =	stream.indirect.scatter.add.f32 [tilespmem:s10], [sflag:$0x1], $0x1, s3, s10, $0xb8;
	[tilespmem:$0x600] =	vst v63  }
0x59: {  	_ =	swait.ge [sflag:s9], $0x80  }
0x5a: {  	s13 =	sadd.s32 $0x1, s13;
	[sflag:s9] =	ssyncset.done $0x0  }
0x5b: {  	p0 =	sne.s32 s13, s6;
	[sflag:s9] =	ssyncadd.s32 $0xFFFFFF80  }
.Ltmp1:
0x5c: {  	[bflag:$0x0] =	sbarrier.arrive $0xFFFF;
	(pc) =	sbr.rel @p0 .LBB2_1-.Ltmp1, $4  }
0x5d: {  	[hbm:s5], [sflag:s11] =	dma.local [spmem:s12], $0x50  }
0x5e: {  	_ =	swait.ge [sflag:s9], $0x50  }
0x5f: {  	[sflag:s9] =	ssyncset.done $0x0  }
0x60: {  	[sflag:s9] =	ssyncadd.s32 $0xFFFFFFB0  }
0x61: {  	_ =	sfence.sel $0x180000  }
0x62: {  	[bflag:$0x0] =	sbarrier.arrive $0xFFFF  }
0x63: {  	p0 =	sne.s32 s0, $0x0;
	_ =	strace $0x90000047  }
0x64: {  	s0 =	sadd.s32 @!p0 $0x100000, s1;
	[bflag:$0x2] =	sbarrier.arrive $0xFFFF  }
0x65: {  	[sflag:s0] =	ssyncadd.tile.s32 @!p0 $0x1;
	_ =	shalt  }
.Lfunc_end2:
_tile_overlayer_lowered:
.L_overlay_start_2:
0x66: {  	(tag) =	ssettag $0x2  }
0x67: {  	s0 =	rddreg [dreg:$0x0];
	s2 =	stileid.u32  }
0x68: {  	s1 =	rddreg [dreg:$0x1];
	p0 =	sne.s32 s2, $0x0  }
0x69: {  	s3 =	rddreg [dreg:$0x2];
	[bflag:$0x3] =	sbarrier.arrive $0xFFFF;
	s2 =	simm.s32 @!p0 $0x1C01  }
0x6a: {  	[timem:s3], [sflag:s2] =	dma.local @!p0 [hbm:s0], s1  }
0x6b: {  	s0 =	simm.s32 @!p0 $0x1  }
0x6c: {  	_ =	swait.ge @!p0 [sflag:s0], s1  }
0x6d: {  	s1 =	ssub.s32 @!p0 $0x0, s1;
	[sflag:s0] =	ssyncset.done @!p0 $0x0  }
0x6e: {  	[sflag:s0] =	ssyncadd.s32 @!p0 s1  }
0x6f: {  	[bflag:$0x3] =	sbarrier.arrive $0xFFFF  }
0x70: {  	_ =	shalt  }

</sc_bundles>
